<compile_context>
chip_gen: v7x
topology: tpu7x:2x2x1
jax: 0.10.2.dev20260603
libtpu: 0.0.44.dev20260713+nightly
codegen_flags: <defaults>
</compile_context>

<pallas_src>
import functools

import jax
import jax.numpy as jnp
from jax import lax
from jax.experimental import pallas as pl
from jax.experimental.pallas import tpu as pltpu
from jax.experimental.pallas import tpu_sc as plsc

_SC_PARAMS = pltpu.CompilerParams(use_tc_tiling_on_sc=False)

NC = 2
NS = 16
NW = NC * NS
CHUNK = 128
DEGW = 16


def _sc_degree(dst_f, ones_blk, zeros_blk, n_acc, rpt, mdeg):
    mesh = plsc.VectorSubcoreMesh(core_axis_name="c", subcore_axis_name="s")

    @functools.partial(
        pl.kernel,
        mesh=mesh,
        out_type=jax.ShapeDtypeStruct((NC, n_acc, DEGW), jnp.float32),
        compiler_params=_SC_PARAMS,
        scratch_types=[
            pltpu.VMEM((mdeg, CHUNK), jnp.int32),
            pltpu.VMEM((CHUNK, DEGW), jnp.float32),
            pltpu.VMEM_SHARED((n_acc, DEGW), jnp.float32),
        ],
    )
    def deg_kernel(dst_hbm, ones_hbm, zeros_hbm, out_hbm, dst_v, ones_v, acc_sh):
        c = lax.axis_index("c")
        s = lax.axis_index("s")
        wid = s * NC + c
        pltpu.sync_copy(zeros_hbm, acc_sh.at[pl.ds(s * rpt, rpt)])
        pltpu.sync_copy(dst_hbm.at[pl.ds(wid * mdeg, mdeg)], dst_v)
        pltpu.sync_copy(ones_hbm, ones_v)
        plsc.subcore_barrier()

        @pl.loop(0, mdeg)
        def _(j):
            pltpu.sync_copy(ones_v, acc_sh.at[dst_v.at[j]], add=True)

        plsc.subcore_barrier()
        pltpu.sync_copy(acc_sh.at[pl.ds(s * rpt, rpt)],
                        out_hbm.at[c].at[pl.ds(s * rpt, rpt)])

    return deg_kernel(dst_f, ones_blk, zeros_blk)


def _split(m_real, f, parts):
    q = 2 * parts
    m0 = max(q, q * round(m_real * f / (NS * q)))
    rem = max(0, m_real - NS * m0)
    m1 = max(q, q * (-(-rem // (NS * q))))
    return m0, m1


def _sc_edge_pass(hs, src_f, dst_f, zeros_blk, n_acc, rpt, m0, m1, parts):
    d = hs.shape[1]
    mh0, mh1 = m0 // parts, m1 // parts
    buf_rows = max(mh0, mh1)
    mesh = plsc.VectorSubcoreMesh(core_axis_name="c", subcore_axis_name="s")

    @functools.partial(
        pl.kernel,
        mesh=mesh,
        out_type=jax.ShapeDtypeStruct((NC, n_acc, d), jnp.float32),
        compiler_params=_SC_PARAMS,
        scratch_types=[
            pltpu.VMEM((buf_rows, CHUNK), jnp.int32),
            pltpu.VMEM((buf_rows, CHUNK), jnp.int32),
            pltpu.VMEM((CHUNK, d), jnp.float32),
            pltpu.VMEM((CHUNK, d), jnp.float32),
            pltpu.VMEM_SHARED((n_acc, d), jnp.float32),
            pltpu.SemaphoreType.DMA,
            pltpu.SemaphoreType.DMA,
        ],
    )
    def edge_kernel(hs_hbm, src_hbm, dst_hbm, zeros_hbm, out_hbm,
                    src_v, dst_v, rows0_v, rows1_v, acc_sh, sem0, sem1):
        c = lax.axis_index("c")
        s = lax.axis_index("s")
        pltpu.sync_copy(zeros_hbm, acc_sh.at[pl.ds(s * rpt, rpt)])
        plsc.subcore_barrier()

        def issue(j, buf, sem):
            pltpu.async_copy(hs_hbm.at[src_v.at[j]], buf, sem)

        def drain(buf, sem):
            pltpu.make_async_copy(hs_hbm.at[src_v.at[0]], buf, sem).wait()

        def scat(j, buf):
            pltpu.sync_copy(buf, acc_sh.at[dst_v.at[j]], add=True)

        def run_part(base, mh):
            pltpu.sync_copy(src_hbm.at[pl.ds(base, buf_rows)], src_v)
            pltpu.sync_copy(dst_hbm.at[pl.ds(base, buf_rows)], dst_v)
            issue(0, rows0_v, sem0)

            @pl.loop(0, mh - 2, step=2)
            def _(j):
                issue(j + 1, rows1_v, sem1)
                drain(rows0_v, sem0)
                scat(j, rows0_v)
                issue(j + 2, rows0_v, sem0)
                drain(rows1_v, sem1)
                scat(j + 1, rows1_v)

            issue(mh - 1, rows1_v, sem1)
            drain(rows0_v, sem0)
            scat(mh - 2, rows0_v)
            drain(rows1_v, sem1)
            scat(mh - 1, rows1_v)

        @pl.when(c == 0)
        def _():
            for part in range(parts):
                run_part(s * m0 + part * mh0, mh0)

        @pl.when(c == 1)
        def _():
            for part in range(parts):
                run_part(NS * m0 + s * m1 + part * mh1, mh1)

        plsc.subcore_barrier()
        pltpu.sync_copy(acc_sh.at[pl.ds(s * rpt, rpt)],
                        out_hbm.at[c].at[pl.ds(s * rpt, rpt)])

    return edge_kernel(hs, src_f, dst_f, zeros_blk)


def _tc_mm_scale(x, w, degp, blk):
    n, d = x.shape
    h = w.shape[1]

    def body(x_ref, w_ref, deg_ref, o_ref):
        cnt = deg_ref[0, :, 0:1] + deg_ref[1, :, 0:1]
        dinv = lax.rsqrt(cnt + 1.0)
        o_ref[...] = jnp.dot(x_ref[...], w_ref[...],
                             preferred_element_type=jnp.float32) * dinv

    return pl.pallas_call(
        body,
        grid=(n // blk,),
        in_specs=[
            pl.BlockSpec((blk, d), lambda i: (i, 0)),
            pl.BlockSpec((d, h), lambda i: (0, 0)),
            pl.BlockSpec((2, blk, DEGW), lambda i: (0, i, 0)),
        ],
        out_specs=pl.BlockSpec((blk, h), lambda i: (i, 0)),
        out_shape=jax.ShapeDtypeStruct((n, h), jnp.float32),
    )(x, w, degp)


def _tc_mid(p, hs1, degp, b1, w2, blk):
    n, h = hs1.shape
    c_out = w2.shape[1]

    def body(p_ref, hs1_ref, deg_ref, b1_ref, w2_ref, o_ref):
        cnt = deg_ref[0, :, 0:1] + deg_ref[1, :, 0:1]
        dinv = lax.rsqrt(cnt + 1.0)
        a = (p_ref[0] + p_ref[1] + hs1_ref[...]) * dinv + b1_ref[...]
        r = jnp.maximum(a, 0.0)
        o_ref[...] = jnp.dot(r, w2_ref[...],
                             preferred_element_type=jnp.float32) * dinv

    return pl.pallas_call(
        body,
        grid=(n // blk,),
        in_specs=[
            pl.BlockSpec((2, blk, h), lambda i: (0, i, 0)),
            pl.BlockSpec((blk, h), lambda i: (i, 0)),
            pl.BlockSpec((2, blk, DEGW), lambda i: (0, i, 0)),
            pl.BlockSpec((1, h), lambda i: (0, 0)),
            pl.BlockSpec((h, c_out), lambda i: (0, 0)),
        ],
        out_specs=pl.BlockSpec((blk, c_out), lambda i: (i, 0)),
        out_shape=jax.ShapeDtypeStruct((n, c_out), jnp.float32),
    )(p, hs1, degp, b1, w2)


def _tc_post(q, hs2, degp, b2, blk):
    n, c_out = hs2.shape

    def body(q_ref, hs2_ref, deg_ref, b2_ref, o_ref):
        cnt = deg_ref[0, :, 0:1] + deg_ref[1, :, 0:1]
        dinv = lax.rsqrt(cnt + 1.0)
        a = (q_ref[0] + q_ref[1] + hs2_ref[...]) * dinv + b2_ref[...]
        m = jnp.max(a, axis=1, keepdims=True)
        lse = m + jnp.log(jnp.sum(jnp.exp(a - m), axis=1, keepdims=True))
        o_ref[...] = a - lse

    return pl.pallas_call(
        body,
        grid=(n // blk,),
        in_specs=[
            pl.BlockSpec((2, blk, c_out), lambda i: (0, i, 0)),
            pl.BlockSpec((blk, c_out), lambda i: (i, 0)),
            pl.BlockSpec((2, blk, DEGW), lambda i: (0, i, 0)),
            pl.BlockSpec((1, c_out), lambda i: (0, 0)),
        ],
        out_specs=pl.BlockSpec((blk, c_out), lambda i: (i, 0)),
        out_shape=jax.ShapeDtypeStruct((n, c_out), jnp.float32),
    )(q, hs2, degp, b2)


def kernel(x, edge_index, W1, b1, W2, b2):
    n, d = x.shape
    h = W1.shape[1]
    c_out = W2.shape[1]
    e = edge_index.shape[1]

    m_real = -(-e // CHUNK)
    mdeg = -(-m_real // NW)
    m0_a, m1_a = _split(m_real, 0.80, 2)
    m0_b, m1_b = _split(m_real, 0.575, 1)
    m_alloc = max(
        NW * mdeg,
        NS * m0_a + (NS - 1) * m1_a + m1_a // 2 + max(m0_a, m1_a) // 2,
        NS * m0_b + NS * m1_b + max(m0_b, m1_b),
    )
    e_pad = m_alloc * CHUNK
    src = jnp.concatenate(
        [edge_index[0], jnp.zeros((e_pad - e,), jnp.int32)])
    dst = jnp.concatenate(
        [edge_index[1], jnp.full((e_pad - e,), n, jnp.int32)])
    src_f = src.reshape(m_alloc, CHUNK)
    dst_f = dst.reshape(m_alloc, CHUNK)

    rpt = 8 * (-(-(n + 1) // (NS * 8)))
    n_acc = rpt * NS

    zeros_deg = jnp.zeros((rpt, DEGW), jnp.float32)
    zeros_h = jnp.zeros((rpt, h), jnp.float32)
    zeros_c = jnp.zeros((rpt, c_out), jnp.float32)
    ones_blk = jnp.ones((CHUNK, DEGW), jnp.float32)

    blk = 1000 if n % 1000 == 0 else 8 * (-(-n // 8))

    degp = _sc_degree(dst_f, ones_blk, zeros_deg, n_acc, rpt, mdeg)
    hs1 = _tc_mm_scale(x, W1, degp, blk)
    p = _sc_edge_pass(hs1, src_f, dst_f, zeros_h, n_acc, rpt, m0_a, m1_a, 2)
    hs2 = _tc_mid(p, hs1, degp, b1.reshape(1, h), W2, blk)
    q = _sc_edge_pass(hs2, src_f, dst_f, zeros_c, n_acc, rpt, m0_b, m1_b, 1)
    return _tc_post(q, hs2, degp, b2.reshape(1, c_out), blk)

# --- scband reference (transcript-rebuilt; emitter-appended) ---
"""Pipeline reference for scband-gnn-29961691857024 (READ-ONLY COPY).

The authoritative reference and input builder live on the scoring server;
editing this copy changes nothing except your own understanding.
"""

import jax, jax.numpy as jnp
import numpy as np

N = 10000
E = 320000
D = 128
H = 128
C = 16


def setup_inputs(seed: int = 0) -> dict:
    key = jax.random.key(seed)
    k1, k2, k3, k4 = jax.random.split(key, 4)
    x = jax.random.normal(k1, (N, D), dtype=jnp.float32)
    edge_index = jax.random.randint(k2, (2, E), 0, N, dtype=jnp.int32)
    W1 = jax.random.normal(k3, (D, H), dtype=jnp.float32) * (1.0 / np.sqrt(D))
    b1 = jnp.zeros((H,), dtype=jnp.float32)
    W2 = jax.random.normal(k4, (H, C), dtype=jnp.float32) * (1.0 / np.sqrt(H))
    b2 = jnp.zeros((C,), dtype=jnp.float32)
    return {"x": x, "edge_index": edge_index, "W1": W1, "b1": b1, "W2": W2, "b2": b2}


def _gcn_conv(x, edge_index, W, b):
    # GCNConv with added self-loops and symmetric normalization (PyG defaults)
    n = x.shape[0]
    loop = jnp.arange(n, dtype=edge_index.dtype)
    src = jnp.concatenate([edge_index[0], loop])
    dst = jnp.concatenate([edge_index[1], loop])
    ones = jnp.ones(src.shape[0], dtype=x.dtype)
    deg = jax.ops.segment_sum(ones, dst, num_segments=n)
    dinv = jnp.where(deg > 0, deg ** -0.5, 0.0)
    norm = dinv[src] * dinv[dst]
    h = x @ W
    msgs = h[src] * norm[:, None]
    out = jax.ops.segment_sum(msgs, dst, num_segments=n)
    return out + b


def reference(x, edge_index, W1, b1, W2, b2):
    h = jax.nn.relu(_gcn_conv(x, edge_index, W1, b1))
    h = _gcn_conv(h, edge_index, W2, b2)
    return jax.nn.log_softmax(h, axis=1)

if __name__ == "__main__":
    import jax
    _d = setup_inputs()
    print(jax.jit(kernel)(*tuple(_d.values())))

</pallas_src>

<mosaic_0001>
#map = affine_map<(d0, d1) -> (0, 0)>
#map1 = affine_map<(d0, d1) -> (0, 0, 0)>
module attributes {stable_mosaic.version = 14 : i64} {
  func.func @edge_kernel(%arg0: i32, %arg1: i32, %arg2: memref<10000x16xf32, #tpu.memory_space<hbm>>, %arg3: memref<2618x128xi32, #tpu.memory_space<hbm>>, %arg4: memref<2618x128xi32, #tpu.memory_space<hbm>>, %arg5: memref<632x16xf32, #tpu.memory_space<hbm>>, %arg6: memref<2x10112x16xf32, #tpu.memory_space<hbm>>, %arg7: memref<90x128xi32, #tpu.memory_space<vmem>>, %arg8: memref<90x128xi32, #tpu.memory_space<vmem>>, %arg9: memref<128x16xf32, #tpu.memory_space<vmem>>, %arg10: memref<128x16xf32, #tpu.memory_space<vmem>>, %arg11: memref<10112x16xf32, #tpu.memory_space<vmem_shared>>, %arg12: memref<!tpu.dma_semaphore, #tpu.memory_space<semaphore_mem>>, %arg13: memref<!tpu.dma_semaphore, #tpu.memory_space<semaphore_mem>>) attributes {dimension_semantics = [#tpu.dimension_semantics<core_parallel>, #tpu.dimension_semantics<subcore_parallel>], iteration_bounds = array<i64: 2, 16>, scalar_prefetch = 0 : i64, scratch_operands = 7 : i64, tpu.core_type = #tpu.core_type<sc_vector_subcore>, window_params = [{transform_indices = #map}, {transform_indices = #map}, {transform_indices = #map}, {transform_indices = #map}, {transform_indices = #map1}]} {
    %mul3A = arith.constant 632 : i32
    %mul3A_0 = arith.muli %arg1, %mul3A : i32
    "tpu.region"() ({
      %run_scoped3A = tpu.sem_alloc : memref<!tpu.dma_semaphore, #tpu.memory_space<semaphore_mem>>
      %dma_start3A = arith.constant 0 : i32
      %dma_start3A_13 = tpu.memref_slice %arg11[%mul3A_0, %dma_start3A] : memref<10112x16xf32, #tpu.memory_space<vmem_shared>> -> memref<632x16xf32, #tpu.memory_space<vmem_shared>>
      tpu.enqueue_dma source(%arg5 : memref<632x16xf32, #tpu.memory_space<hbm>>) target(%dma_start3A_13 : memref<632x16xf32, #tpu.memory_space<vmem_shared>>) target_semaphore(%run_scoped3A : memref<!tpu.dma_semaphore, #tpu.memory_space<semaphore_mem>>)
      %dma_wait3A = arith.constant 0 : i32
      %dma_wait3A_14 = tpu.memref_slice %arg11[%mul3A_0, %dma_wait3A] : memref<10112x16xf32, #tpu.memory_space<vmem_shared>> -> memref<632x16xf32, #tpu.memory_space<vmem_shared>>
      tpu.wait_dma2 semaphore(%run_scoped3A : memref<!tpu.dma_semaphore, #tpu.memory_space<semaphore_mem>>) src(%arg5 : memref<632x16xf32, #tpu.memory_space<hbm>>) dst(%dma_wait3A_14 : memref<632x16xf32, #tpu.memory_space<vmem_shared>>)
      tpu.yield
    }) : () -> ()
    %barrier3A = arith.constant 0 : index
    tpu.barrier barrier_id(%barrier3A)
    %eq3A = arith.constant 0 : i32
    %eq3A_1 = arith.cmpi eq, %arg0, %eq3A : i32
    %convert_element_type3A = arith.extui %eq3A_1 : i1 to i32
    %cond3A = arith.constant 0 : i32
    %cond3A_2 = arith.cmpi ne, %convert_element_type3A, %cond3A : i32
    scf.if %cond3A_2 {
      %mul3A_13 = arith.constant 90 : i32
      %mul3A_14 = arith.muli %arg1, %mul3A_13 : i32
      %add3A = arith.constant 0 : i32
      %add3A_15 = arith.addi %mul3A_14, %add3A : i32
      "tpu.region"() ({
        %run_scoped3A_47 = tpu.sem_alloc : memref<!tpu.dma_semaphore, #tpu.memory_space<semaphore_mem>>
        %dma_start3A_48 = arith.constant 0 : i32
        %dma_start3A_49 = tpu.memref_slice %arg3[%add3A_15, %dma_start3A_48] : memref<2618x128xi32, #tpu.memory_space<hbm>> -> memref<90x128xi32, #tpu.memory_space<hbm>>
        %dma_start3A_50 = arith.constant 0 : i32
        %dma_start3A_51 = tpu.memref_slice %arg3[%add3A_15, %dma_start3A_50] : memref<2618x128xi32, #tpu.memory_space<hbm>> -> memref<90x128xi32, #tpu.memory_space<hbm>>
        tpu.enqueue_dma source(%dma_start3A_51 : memref<90x128xi32, #tpu.memory_space<hbm>>) target(%arg7 : memref<90x128xi32, #tpu.memory_space<vmem>>) target_semaphore(%run_scoped3A_47 : memref<!tpu.dma_semaphore, #tpu.memory_space<semaphore_mem>>)
        %dma_wait3A_52 = arith.constant 0 : i32
        %dma_wait3A_53 = tpu.memref_slice %arg3[%add3A_15, %dma_wait3A_52] : memref<2618x128xi32, #tpu.memory_space<hbm>> -> memref<90x128xi32, #tpu.memory_space<hbm>>
        %dma_wait3A_54 = arith.constant 0 : i32
        %dma_wait3A_55 = tpu.memref_slice %arg3[%add3A_15, %dma_wait3A_54] : memref<2618x128xi32, #tpu.memory_space<hbm>> -> memref<90x128xi32, #tpu.memory_space<hbm>>
        tpu.wait_dma2 semaphore(%run_scoped3A_47 : memref<!tpu.dma_semaphore, #tpu.memory_space<semaphore_mem>>) src(%dma_wait3A_55 : memref<90x128xi32, #tpu.memory_space<hbm>>) dst(%arg7 : memref<90x128xi32, #tpu.memory_space<vmem>>)
        tpu.yield
      }) : () -> ()
      "tpu.region"() ({
        %run_scoped3A_47 = tpu.sem_alloc : memref<!tpu.dma_semaphore, #tpu.memory_space<semaphore_mem>>
        %dma_start3A_48 = arith.constant 0 : i32
        %dma_start3A_49 = tpu.memref_slice %arg4[%add3A_15, %dma_start3A_48] : memref<2618x128xi32, #tpu.memory_space<hbm>> -> memref<90x128xi32, #tpu.memory_space<hbm>>
        %dma_start3A_50 = arith.constant 0 : i32
        %dma_start3A_51 = tpu.memref_slice %arg4[%add3A_15, %dma_start3A_50] : memref<2618x128xi32, #tpu.memory_space<hbm>> -> memref<90x128xi32, #tpu.memory_space<hbm>>
        tpu.enqueue_dma source(%dma_start3A_51 : memref<90x128xi32, #tpu.memory_space<hbm>>) target(%arg8 : memref<90x128xi32, #tpu.memory_space<vmem>>) target_semaphore(%run_scoped3A_47 : memref<!tpu.dma_semaphore, #tpu.memory_space<semaphore_mem>>)
        %dma_wait3A_52 = arith.constant 0 : i32
        %dma_wait3A_53 = tpu.memref_slice %arg4[%add3A_15, %dma_wait3A_52] : memref<2618x128xi32, #tpu.memory_space<hbm>> -> memref<90x128xi32, #tpu.memory_space<hbm>>
        %dma_wait3A_54 = arith.constant 0 : i32
        %dma_wait3A_55 = tpu.memref_slice %arg4[%add3A_15, %dma_wait3A_54] : memref<2618x128xi32, #tpu.memory_space<hbm>> -> memref<90x128xi32, #tpu.memory_space<hbm>>
        tpu.wait_dma2 semaphore(%run_scoped3A_47 : memref<!tpu.dma_semaphore, #tpu.memory_space<semaphore_mem>>) src(%dma_wait3A_55 : memref<90x128xi32, #tpu.memory_space<hbm>>) dst(%arg8 : memref<90x128xi32, #tpu.memory_space<vmem>>)
        tpu.yield
      }) : () -> ()
      %dma_start3A = arith.constant 0 : i32
      %dma_start3A_16 = arith.constant 0 : i32
      %dma_start3A_17 = tpu.memref_slice %arg7[%dma_start3A, %dma_start3A_16] : memref<90x128xi32, #tpu.memory_space<vmem>> -> memref<1x128xi32, #tpu.memory_space<vmem>>
      %dma_start3A_18 = tpu.memref_squeeze %dma_start3A_17 : memref<1x128xi32, #tpu.memory_space<vmem>> -> memref<128xi32, #tpu.memory_space<vmem>>
      %dma_start3A_19 = arith.constant 0 : i32
      %dma_start3A_20 = arith.constant 0 : i32
      %dma_start3A_21 = tpu.memref_slice %arg2[%dma_start3A_19, %dma_start3A_20] : memref<10000x16xf32, #tpu.memory_space<hbm>> -> memref<10000x16xf32, #tpu.memory_space<hbm>>
      tpu.enqueue_indirect_dma source(%dma_start3A_21 : memref<10000x16xf32, #tpu.memory_space<hbm>>) target(%arg9 : memref<128x16xf32, #tpu.memory_space<vmem>>) offsets(%dma_start3A_18 : memref<128xi32, #tpu.memory_space<vmem>>) semaphore(%arg12 : memref<!tpu.dma_semaphore, #tpu.memory_space<semaphore_mem>>)
      %scan3A = arith.constant 0 : i32
      %scan3A_22 = arith.constant 44 : i32
      %scan3A_23 = arith.addi %scan3A, %scan3A_22 : i32
      %scan3A_24 = arith.constant 1 : i32
      scf.for %scan3A_47 = %scan3A to %scan3A_23 step %scan3A_24  : i32 {
        %mul3A_48 = arith.constant 2 : i32
        %mul3A_49 = arith.muli %scan3A_47, %mul3A_48 : i32
        %add3A_50 = arith.constant 0 : i32
        %add3A_51 = arith.addi %add3A_50, %mul3A_49 : i32
        %add3A_52 = arith.constant 1 : i32
        %add3A_53 = arith.addi %add3A_51, %add3A_52 : i32
        %dma_start3A_54 = arith.constant 0 : i32
        %dma_start3A_55 = tpu.memref_slice %arg7[%add3A_53, %dma_start3A_54] : memref<90x128xi32, #tpu.memory_space<vmem>> -> memref<1x128xi32, #tpu.memory_space<vmem>>
        %dma_start3A_56 = tpu.memref_squeeze %dma_start3A_55 : memref<1x128xi32, #tpu.memory_space<vmem>> -> memref<128xi32, #tpu.memory_space<vmem>>
        %dma_start3A_57 = arith.constant 0 : i32
        %dma_start3A_58 = arith.constant 0 : i32
        %dma_start3A_59 = tpu.memref_slice %arg2[%dma_start3A_57, %dma_start3A_58] : memref<10000x16xf32, #tpu.memory_space<hbm>> -> memref<10000x16xf32, #tpu.memory_space<hbm>>
        tpu.enqueue_indirect_dma source(%dma_start3A_59 : memref<10000x16xf32, #tpu.memory_space<hbm>>) target(%arg10 : memref<128x16xf32, #tpu.memory_space<vmem>>) offsets(%dma_start3A_56 : memref<128xi32, #tpu.memory_space<vmem>>) semaphore(%arg13 : memref<!tpu.dma_semaphore, #tpu.memory_space<semaphore_mem>>)
        %dma_wait3A_60 = arith.constant 0 : i32
        %dma_wait3A_61 = arith.constant 0 : i32
        %dma_wait3A_62 = tpu.memref_slice %arg7[%dma_wait3A_60, %dma_wait3A_61] : memref<90x128xi32, #tpu.memory_space<vmem>> -> memref<1x128xi32, #tpu.memory_space<vmem>>
        %dma_wait3A_63 = tpu.memref_squeeze %dma_wait3A_62 : memref<1x128xi32, #tpu.memory_space<vmem>> -> memref<128xi32, #tpu.memory_space<vmem>>
        %dma_wait3A_64 = arith.constant 0 : i32
        %dma_wait3A_65 = arith.constant 0 : i32
        %dma_wait3A_66 = tpu.memref_slice %arg2[%dma_wait3A_64, %dma_wait3A_65] : memref<10000x16xf32, #tpu.memory_space<hbm>> -> memref<10000x16xf32, #tpu.memory_space<hbm>>
        tpu.wait_indirect_dma semaphore(%arg12 : memref<!tpu.dma_semaphore, #tpu.memory_space<semaphore_mem>>) src(%dma_wait3A_66 : memref<10000x16xf32, #tpu.memory_space<hbm>>) dst(%arg9 : memref<128x16xf32, #tpu.memory_space<vmem>>)
        "tpu.region"() ({
          %run_scoped3A_84 = tpu.sem_alloc : memref<!tpu.dma_semaphore, #tpu.memory_space<semaphore_mem>>
          %dma_start3A_85 = arith.constant 0 : i32
          %dma_start3A_86 = tpu.memref_slice %arg8[%add3A_51, %dma_start3A_85] : memref<90x128xi32, #tpu.memory_space<vmem>> -> memref<1x128xi32, #tpu.memory_space<vmem>>
          %dma_start3A_87 = tpu.memref_squeeze %dma_start3A_86 : memref<1x128xi32, #tpu.memory_space<vmem>> -> memref<128xi32, #tpu.memory_space<vmem>>
          %dma_start3A_88 = arith.constant 0 : i32
          %dma_start3A_89 = arith.constant 0 : i32
          %dma_start3A_90 = tpu.memref_slice %arg11[%dma_start3A_88, %dma_start3A_89] : memref<10112x16xf32, #tpu.memory_space<vmem_shared>> -> memref<10112x16xf32, #tpu.memory_space<vmem_shared>>
          tpu.enqueue_indirect_dma source(%arg9 : memref<128x16xf32, #tpu.memory_space<vmem>>) target(%dma_start3A_90 : memref<10112x16xf32, #tpu.memory_space<vmem_shared>>) offsets(%dma_start3A_87 : memref<128xi32, #tpu.memory_space<vmem>>) semaphore(%run_scoped3A_84 : memref<!tpu.dma_semaphore, #tpu.memory_space<semaphore_mem>>) {add = true}
          %dma_wait3A_91 = arith.constant 0 : i32
          %dma_wait3A_92 = tpu.memref_slice %arg8[%add3A_51, %dma_wait3A_91] : memref<90x128xi32, #tpu.memory_space<vmem>> -> memref<1x128xi32, #tpu.memory_space<vmem>>
          %dma_wait3A_93 = tpu.memref_squeeze %dma_wait3A_92 : memref<1x128xi32, #tpu.memory_space<vmem>> -> memref<128xi32, #tpu.memory_space<vmem>>
          %dma_wait3A_94 = arith.constant 0 : i32
          %dma_wait3A_95 = arith.constant 0 : i32
          %dma_wait3A_96 = tpu.memref_slice %arg11[%dma_wait3A_94, %dma_wait3A_95] : memref<10112x16xf32, #tpu.memory_space<vmem_shared>> -> memref<10112x16xf32, #tpu.memory_space<vmem_shared>>
          tpu.wait_indirect_dma semaphore(%run_scoped3A_84 : memref<!tpu.dma_semaphore, #tpu.memory_space<semaphore_mem>>) src(%arg9 : memref<128x16xf32, #tpu.memory_space<vmem>>) dst(%dma_wait3A_96 : memref<10112x16xf32, #tpu.memory_space<vmem_shared>>)
          tpu.yield
        }) : () -> ()
        %add3A_67 = arith.constant 2 : i32
        %add3A_68 = arith.addi %add3A_51, %add3A_67 : i32
        %dma_start3A_69 = arith.constant 0 : i32
        %dma_start3A_70 = tpu.memref_slice %arg7[%add3A_68, %dma_start3A_69] : memref<90x128xi32, #tpu.memory_space<vmem>> -> memref<1x128xi32, #tpu.memory_space<vmem>>
        %dma_start3A_71 = tpu.memref_squeeze %dma_start3A_70 : memref<1x128xi32, #tpu.memory_space<vmem>> -> memref<128xi32, #tpu.memory_space<vmem>>
        %dma_start3A_72 = arith.constant 0 : i32
        %dma_start3A_73 = arith.constant 0 : i32
        %dma_start3A_74 = tpu.memref_slice %arg2[%dma_start3A_72, %dma_start3A_73] : memref<10000x16xf32, #tpu.memory_space<hbm>> -> memref<10000x16xf32, #tpu.memory_space<hbm>>
        tpu.enqueue_indirect_dma source(%dma_start3A_74 : memref<10000x16xf32, #tpu.memory_space<hbm>>) target(%arg9 : memref<128x16xf32, #tpu.memory_space<vmem>>) offsets(%dma_start3A_71 : memref<128xi32, #tpu.memory_space<vmem>>) semaphore(%arg12 : memref<!tpu.dma_semaphore, #tpu.memory_space<semaphore_mem>>)
        %dma_wait3A_75 = arith.constant 0 : i32
        %dma_wait3A_76 = arith.constant 0 : i32
        %dma_wait3A_77 = tpu.memref_slice %arg7[%dma_wait3A_75, %dma_wait3A_76] : memref<90x128xi32, #tpu.memory_space<vmem>> -> memref<1x128xi32, #tpu.memory_space<vmem>>
        %dma_wait3A_78 = tpu.memref_squeeze %dma_wait3A_77 : memref<1x128xi32, #tpu.memory_space<vmem>> -> memref<128xi32, #tpu.memory_space<vmem>>
        %dma_wait3A_79 = arith.constant 0 : i32
        %dma_wait3A_80 = arith.constant 0 : i32
        %dma_wait3A_81 = tpu.memref_slice %arg2[%dma_wait3A_79, %dma_wait3A_80] : memref<10000x16xf32, #tpu.memory_space<hbm>> -> memref<10000x16xf32, #tpu.memory_space<hbm>>
        tpu.wait_indirect_dma semaphore(%arg13 : memref<!tpu.dma_semaphore, #tpu.memory_space<semaphore_mem>>) src(%dma_wait3A_81 : memref<10000x16xf32, #tpu.memory_space<hbm>>) dst(%arg10 : memref<128x16xf32, #tpu.memory_space<vmem>>)
        %add3A_82 = arith.constant 1 : i32
        %add3A_83 = arith.addi %add3A_51, %add3A_82 : i32
        "tpu.region"() ({
          %run_scoped3A_84 = tpu.sem_alloc : memref<!tpu.dma_semaphore, #tpu.memory_space<semaphore_mem>>
          %dma_start3A_85 = arith.constant 0 : i32
          %dma_start3A_86 = tpu.memref_slice %arg8[%add3A_83, %dma_start3A_85] : memref<90x128xi32, #tpu.memory_space<vmem>> -> memref<1x128xi32, #tpu.memory_space<vmem>>
          %dma_start3A_87 = tpu.memref_squeeze %dma_start3A_86 : memref<1x128xi32, #tpu.memory_space<vmem>> -> memref<128xi32, #tpu.memory_space<vmem>>
          %dma_start3A_88 = arith.constant 0 : i32
          %dma_start3A_89 = arith.constant 0 : i32
          %dma_start3A_90 = tpu.memref_slice %arg11[%dma_start3A_88, %dma_start3A_89] : memref<10112x16xf32, #tpu.memory_space<vmem_shared>> -> memref<10112x16xf32, #tpu.memory_space<vmem_shared>>
          tpu.enqueue_indirect_dma source(%arg10 : memref<128x16xf32, #tpu.memory_space<vmem>>) target(%dma_start3A_90 : memref<10112x16xf32, #tpu.memory_space<vmem_shared>>) offsets(%dma_start3A_87 : memref<128xi32, #tpu.memory_space<vmem>>) semaphore(%run_scoped3A_84 : memref<!tpu.dma_semaphore, #tpu.memory_space<semaphore_mem>>) {add = true}
          %dma_wait3A_91 = arith.constant 0 : i32
          %dma_wait3A_92 = tpu.memref_slice %arg8[%add3A_83, %dma_wait3A_91] : memref<90x128xi32, #tpu.memory_space<vmem>> -> memref<1x128xi32, #tpu.memory_space<vmem>>
          %dma_wait3A_93 = tpu.memref_squeeze %dma_wait3A_92 : memref<1x128xi32, #tpu.memory_space<vmem>> -> memref<128xi32, #tpu.memory_space<vmem>>
          %dma_wait3A_94 = arith.constant 0 : i32
          %dma_wait3A_95 = arith.constant 0 : i32
          %dma_wait3A_96 = tpu.memref_slice %arg11[%dma_wait3A_94, %dma_wait3A_95] : memref<10112x16xf32, #tpu.memory_space<vmem_shared>> -> memref<10112x16xf32, #tpu.memory_space<vmem_shared>>
          tpu.wait_indirect_dma semaphore(%run_scoped3A_84 : memref<!tpu.dma_semaphore, #tpu.memory_space<semaphore_mem>>) src(%arg10 : memref<128x16xf32, #tpu.memory_space<vmem>>) dst(%dma_wait3A_96 : memref<10112x16xf32, #tpu.memory_space<vmem_shared>>)
          tpu.yield
        }) : () -> ()
      }
      %scan3A_25 = arith.constant 44 : i32
      %dma_start3A_26 = arith.constant 89 : i32
      %dma_start3A_27 = arith.constant 0 : i32
      %dma_start3A_28 = tpu.memref_slice %arg7[%dma_start3A_26, %dma_start3A_27] : memref<90x128xi32, #tpu.memory_space<vmem>> -> memref<1x128xi32, #tpu.memory_space<vmem>>
      %dma_start3A_29 = tpu.memref_squeeze %dma_start3A_28 : memref<1x128xi32, #tpu.memory_space<vmem>> -> memref<128xi32, #tpu.memory_space<vmem>>
      %dma_start3A_30 = arith.constant 0 : i32
      %dma_start3A_31 = arith.constant 0 : i32
      %dma_start3A_32 = tpu.memref_slice %arg2[%dma_start3A_30, %dma_start3A_31] : memref<10000x16xf32, #tpu.memory_space<hbm>> -> memref<10000x16xf32, #tpu.memory_space<hbm>>
      tpu.enqueue_indirect_dma source(%dma_start3A_32 : memref<10000x16xf32, #tpu.memory_space<hbm>>) target(%arg10 : memref<128x16xf32, #tpu.memory_space<vmem>>) offsets(%dma_start3A_29 : memref<128xi32, #tpu.memory_space<vmem>>) semaphore(%arg13 : memref<!tpu.dma_semaphore, #tpu.memory_space<semaphore_mem>>)
      %dma_wait3A = arith.constant 0 : i32
      %dma_wait3A_33 = arith.constant 0 : i32
      %dma_wait3A_34 = tpu.memref_slice %arg7[%dma_wait3A, %dma_wait3A_33] : memref<90x128xi32, #tpu.memory_space<vmem>> -> memref<1x128xi32, #tpu.memory_space<vmem>>
      %dma_wait3A_35 = tpu.memref_squeeze %dma_wait3A_34 : memref<1x128xi32, #tpu.memory_space<vmem>> -> memref<128xi32, #tpu.memory_space<vmem>>
      %dma_wait3A_36 = arith.constant 0 : i32
      %dma_wait3A_37 = arith.constant 0 : i32
      %dma_wait3A_38 = tpu.memref_slice %arg2[%dma_wait3A_36, %dma_wait3A_37] : memref<10000x16xf32, #tpu.memory_space<hbm>> -> memref<10000x16xf32, #tpu.memory_space<hbm>>
      tpu.wait_indirect_dma semaphore(%arg12 : memref<!tpu.dma_semaphore, #tpu.memory_space<semaphore_mem>>) src(%dma_wait3A_38 : memref<10000x16xf32, #tpu.memory_space<hbm>>) dst(%arg9 : memref<128x16xf32, #tpu.memory_space<vmem>>)
      %run_scoped3A = arith.constant 88 : i32
      "tpu.region"() ({
        %run_scoped3A_47 = tpu.sem_alloc : memref<!tpu.dma_semaphore, #tpu.memory_space<semaphore_mem>>
        %dma_start3A_48 = arith.constant 0 : i32
        %dma_start3A_49 = tpu.memref_slice %arg8[%run_scoped3A, %dma_start3A_48] : memref<90x128xi32, #tpu.memory_space<vmem>> -> memref<1x128xi32, #tpu.memory_space<vmem>>
        %dma_start3A_50 = tpu.memref_squeeze %dma_start3A_49 : memref<1x128xi32, #tpu.memory_space<vmem>> -> memref<128xi32, #tpu.memory_space<vmem>>
        %dma_start3A_51 = arith.constant 0 : i32
        %dma_start3A_52 = arith.constant 0 : i32
        %dma_start3A_53 = tpu.memref_slice %arg11[%dma_start3A_51, %dma_start3A_52] : memref<10112x16xf32, #tpu.memory_space<vmem_shared>> -> memref<10112x16xf32, #tpu.memory_space<vmem_shared>>
        tpu.enqueue_indirect_dma source(%arg9 : memref<128x16xf32, #tpu.memory_space<vmem>>) target(%dma_start3A_53 : memref<10112x16xf32, #tpu.memory_space<vmem_shared>>) offsets(%dma_start3A_50 : memref<128xi32, #tpu.memory_space<vmem>>) semaphore(%run_scoped3A_47 : memref<!tpu.dma_semaphore, #tpu.memory_space<semaphore_mem>>) {add = true}
        %dma_wait3A_54 = arith.constant 0 : i32
        %dma_wait3A_55 = tpu.memref_slice %arg8[%run_scoped3A, %dma_wait3A_54] : memref<90x128xi32, #tpu.memory_space<vmem>> -> memref<1x128xi32, #tpu.memory_space<vmem>>
        %dma_wait3A_56 = tpu.memref_squeeze %dma_wait3A_55 : memref<1x128xi32, #tpu.memory_space<vmem>> -> memref<128xi32, #tpu.memory_space<vmem>>
        %dma_wait3A_57 = arith.constant 0 : i32
        %dma_wait3A_58 = arith.constant 0 : i32
        %dma_wait3A_59 = tpu.memref_slice %arg11[%dma_wait3A_57, %dma_wait3A_58] : memref<10112x16xf32, #tpu.memory_space<vmem_shared>> -> memref<10112x16xf32, #tpu.memory_space<vmem_shared>>
        tpu.wait_indirect_dma semaphore(%run_scoped3A_47 : memref<!tpu.dma_semaphore, #tpu.memory_space<semaphore_mem>>) src(%arg9 : memref<128x16xf32, #tpu.memory_space<vmem>>) dst(%dma_wait3A_59 : memref<10112x16xf32, #tpu.memory_space<vmem_shared>>)
        tpu.yield
      }) : () -> ()
      %dma_wait3A_39 = arith.constant 0 : i32
      %dma_wait3A_40 = arith.constant 0 : i32
      %dma_wait3A_41 = tpu.memref_slice %arg7[%dma_wait3A_39, %dma_wait3A_40] : memref<90x128xi32, #tpu.memory_space<vmem>> -> memref<1x128xi32, #tpu.memory_space<vmem>>
      %dma_wait3A_42 = tpu.memref_squeeze %dma_wait3A_41 : memref<1x128xi32, #tpu.memory_space<vmem>> -> memref<128xi32, #tpu.memory_space<vmem>>
      %dma_wait3A_43 = arith.constant 0 : i32
      %dma_wait3A_44 = arith.constant 0 : i32
      %dma_wait3A_45 = tpu.memref_slice %arg2[%dma_wait3A_43, %dma_wait3A_44] : memref<10000x16xf32, #tpu.memory_space<hbm>> -> memref<10000x16xf32, #tpu.memory_space<hbm>>
      tpu.wait_indirect_dma semaphore(%arg13 : memref<!tpu.dma_semaphore, #tpu.memory_space<semaphore_mem>>) src(%dma_wait3A_45 : memref<10000x16xf32, #tpu.memory_space<hbm>>) dst(%arg10 : memref<128x16xf32, #tpu.memory_space<vmem>>)
      %run_scoped3A_46 = arith.constant 89 : i32
      "tpu.region"() ({
        %run_scoped3A_47 = tpu.sem_alloc : memref<!tpu.dma_semaphore, #tpu.memory_space<semaphore_mem>>
        %dma_start3A_48 = arith.constant 0 : i32
        %dma_start3A_49 = tpu.memref_slice %arg8[%run_scoped3A_46, %dma_start3A_48] : memref<90x128xi32, #tpu.memory_space<vmem>> -> memref<1x128xi32, #tpu.memory_space<vmem>>
        %dma_start3A_50 = tpu.memref_squeeze %dma_start3A_49 : memref<1x128xi32, #tpu.memory_space<vmem>> -> memref<128xi32, #tpu.memory_space<vmem>>
        %dma_start3A_51 = arith.constant 0 : i32
        %dma_start3A_52 = arith.constant 0 : i32
        %dma_start3A_53 = tpu.memref_slice %arg11[%dma_start3A_51, %dma_start3A_52] : memref<10112x16xf32, #tpu.memory_space<vmem_shared>> -> memref<10112x16xf32, #tpu.memory_space<vmem_shared>>
        tpu.enqueue_indirect_dma source(%arg10 : memref<128x16xf32, #tpu.memory_space<vmem>>) target(%dma_start3A_53 : memref<10112x16xf32, #tpu.memory_space<vmem_shared>>) offsets(%dma_start3A_50 : memref<128xi32, #tpu.memory_space<vmem>>) semaphore(%run_scoped3A_47 : memref<!tpu.dma_semaphore, #tpu.memory_space<semaphore_mem>>) {add = true}
        %dma_wait3A_54 = arith.constant 0 : i32
        %dma_wait3A_55 = tpu.memref_slice %arg8[%run_scoped3A_46, %dma_wait3A_54] : memref<90x128xi32, #tpu.memory_space<vmem>> -> memref<1x128xi32, #tpu.memory_space<vmem>>
        %dma_wait3A_56 = tpu.memref_squeeze %dma_wait3A_55 : memref<1x128xi32, #tpu.memory_space<vmem>> -> memref<128xi32, #tpu.memory_space<vmem>>
        %dma_wait3A_57 = arith.constant 0 : i32
        %dma_wait3A_58 = arith.constant 0 : i32
        %dma_wait3A_59 = tpu.memref_slice %arg11[%dma_wait3A_57, %dma_wait3A_58] : memref<10112x16xf32, #tpu.memory_space<vmem_shared>> -> memref<10112x16xf32, #tpu.memory_space<vmem_shared>>
        tpu.wait_indirect_dma semaphore(%run_scoped3A_47 : memref<!tpu.dma_semaphore, #tpu.memory_space<semaphore_mem>>) src(%arg10 : memref<128x16xf32, #tpu.memory_space<vmem>>) dst(%dma_wait3A_59 : memref<10112x16xf32, #tpu.memory_space<vmem_shared>>)
        tpu.yield
      }) : () -> ()
    } else {
    }
    %eq3A_3 = arith.constant 1 : i32
    %eq3A_4 = arith.cmpi eq, %arg0, %eq3A_3 : i32
    %convert_element_type3A_5 = arith.extui %eq3A_4 : i1 to i32
    %cond3A_6 = arith.constant 0 : i32
    %cond3A_7 = arith.cmpi ne, %convert_element_type3A_5, %cond3A_6 : i32
    scf.if %cond3A_7 {
      %mul3A_13 = arith.constant 68 : i32
      %mul3A_14 = arith.muli %arg1, %mul3A_13 : i32
      %add3A = arith.constant 1440 : i32
      %add3A_15 = arith.addi %add3A, %mul3A_14 : i32
      %add3A_16 = arith.constant 0 : i32
      %add3A_17 = arith.addi %add3A_15, %add3A_16 : i32
      "tpu.region"() ({
        %run_scoped3A_49 = tpu.sem_alloc : memref<!tpu.dma_semaphore, #tpu.memory_space<semaphore_mem>>
        %dma_start3A_50 = arith.constant 0 : i32
        %dma_start3A_51 = tpu.memref_slice %arg3[%add3A_17, %dma_start3A_50] : memref<2618x128xi32, #tpu.memory_space<hbm>> -> memref<90x128xi32, #tpu.memory_space<hbm>>
        %dma_start3A_52 = arith.constant 0 : i32
        %dma_start3A_53 = tpu.memref_slice %arg3[%add3A_17, %dma_start3A_52] : memref<2618x128xi32, #tpu.memory_space<hbm>> -> memref<90x128xi32, #tpu.memory_space<hbm>>
        tpu.enqueue_dma source(%dma_start3A_53 : memref<90x128xi32, #tpu.memory_space<hbm>>) target(%arg7 : memref<90x128xi32, #tpu.memory_space<vmem>>) target_semaphore(%run_scoped3A_49 : memref<!tpu.dma_semaphore, #tpu.memory_space<semaphore_mem>>)
        %dma_wait3A_54 = arith.constant 0 : i32
        %dma_wait3A_55 = tpu.memref_slice %arg3[%add3A_17, %dma_wait3A_54] : memref<2618x128xi32, #tpu.memory_space<hbm>> -> memref<90x128xi32, #tpu.memory_space<hbm>>
        %dma_wait3A_56 = arith.constant 0 : i32
        %dma_wait3A_57 = tpu.memref_slice %arg3[%add3A_17, %dma_wait3A_56] : memref<2618x128xi32, #tpu.memory_space<hbm>> -> memref<90x128xi32, #tpu.memory_space<hbm>>
        tpu.wait_dma2 semaphore(%run_scoped3A_49 : memref<!tpu.dma_semaphore, #tpu.memory_space<semaphore_mem>>) src(%dma_wait3A_57 : memref<90x128xi32, #tpu.memory_space<hbm>>) dst(%arg7 : memref<90x128xi32, #tpu.memory_space<vmem>>)
        tpu.yield
      }) : () -> ()
      "tpu.region"() ({
        %run_scoped3A_49 = tpu.sem_alloc : memref<!tpu.dma_semaphore, #tpu.memory_space<semaphore_mem>>
        %dma_start3A_50 = arith.constant 0 : i32
        %dma_start3A_51 = tpu.memref_slice %arg4[%add3A_17, %dma_start3A_50] : memref<2618x128xi32, #tpu.memory_space<hbm>> -> memref<90x128xi32, #tpu.memory_space<hbm>>
        %dma_start3A_52 = arith.constant 0 : i32
        %dma_start3A_53 = tpu.memref_slice %arg4[%add3A_17, %dma_start3A_52] : memref<2618x128xi32, #tpu.memory_space<hbm>> -> memref<90x128xi32, #tpu.memory_space<hbm>>
        tpu.enqueue_dma source(%dma_start3A_53 : memref<90x128xi32, #tpu.memory_space<hbm>>) target(%arg8 : memref<90x128xi32, #tpu.memory_space<vmem>>) target_semaphore(%run_scoped3A_49 : memref<!tpu.dma_semaphore, #tpu.memory_space<semaphore_mem>>)
        %dma_wait3A_54 = arith.constant 0 : i32
        %dma_wait3A_55 = tpu.memref_slice %arg4[%add3A_17, %dma_wait3A_54] : memref<2618x128xi32, #tpu.memory_space<hbm>> -> memref<90x128xi32, #tpu.memory_space<hbm>>
        %dma_wait3A_56 = arith.constant 0 : i32
        %dma_wait3A_57 = tpu.memref_slice %arg4[%add3A_17, %dma_wait3A_56] : memref<2618x128xi32, #tpu.memory_space<hbm>> -> memref<90x128xi32, #tpu.memory_space<hbm>>
        tpu.wait_dma2 semaphore(%run_scoped3A_49 : memref<!tpu.dma_semaphore, #tpu.memory_space<semaphore_mem>>) src(%dma_wait3A_57 : memref<90x128xi32, #tpu.memory_space<hbm>>) dst(%arg8 : memref<90x128xi32, #tpu.memory_space<vmem>>)
        tpu.yield
      }) : () -> ()
      %dma_start3A = arith.constant 0 : i32
      %dma_start3A_18 = arith.constant 0 : i32
      %dma_start3A_19 = tpu.memref_slice %arg7[%dma_start3A, %dma_start3A_18] : memref<90x128xi32, #tpu.memory_space<vmem>> -> memref<1x128xi32, #tpu.memory_space<vmem>>
      %dma_start3A_20 = tpu.memref_squeeze %dma_start3A_19 : memref<1x128xi32, #tpu.memory_space<vmem>> -> memref<128xi32, #tpu.memory_space<vmem>>
      %dma_start3A_21 = arith.constant 0 : i32
      %dma_start3A_22 = arith.constant 0 : i32
      %dma_start3A_23 = tpu.memref_slice %arg2[%dma_start3A_21, %dma_start3A_22] : memref<10000x16xf32, #tpu.memory_space<hbm>> -> memref<10000x16xf32, #tpu.memory_space<hbm>>
      tpu.enqueue_indirect_dma source(%dma_start3A_23 : memref<10000x16xf32, #tpu.memory_space<hbm>>) target(%arg9 : memref<128x16xf32, #tpu.memory_space<vmem>>) offsets(%dma_start3A_20 : memref<128xi32, #tpu.memory_space<vmem>>) semaphore(%arg12 : memref<!tpu.dma_semaphore, #tpu.memory_space<semaphore_mem>>)
      %scan3A = arith.constant 0 : i32
      %scan3A_24 = arith.constant 33 : i32
      %scan3A_25 = arith.addi %scan3A, %scan3A_24 : i32
      %scan3A_26 = arith.constant 1 : i32
      scf.for %scan3A_49 = %scan3A to %scan3A_25 step %scan3A_26  : i32 {
        %mul3A_50 = arith.constant 2 : i32
        %mul3A_51 = arith.muli %scan3A_49, %mul3A_50 : i32
        %add3A_52 = arith.constant 0 : i32
        %add3A_53 = arith.addi %add3A_52, %mul3A_51 : i32
        %add3A_54 = arith.constant 1 : i32
        %add3A_55 = arith.addi %add3A_53, %add3A_54 : i32
        %dma_start3A_56 = arith.constant 0 : i32
        %dma_start3A_57 = tpu.memref_slice %arg7[%add3A_55, %dma_start3A_56] : memref<90x128xi32, #tpu.memory_space<vmem>> -> memref<1x128xi32, #tpu.memory_space<vmem>>
        %dma_start3A_58 = tpu.memref_squeeze %dma_start3A_57 : memref<1x128xi32, #tpu.memory_space<vmem>> -> memref<128xi32, #tpu.memory_space<vmem>>
        %dma_start3A_59 = arith.constant 0 : i32
        %dma_start3A_60 = arith.constant 0 : i32
        %dma_start3A_61 = tpu.memref_slice %arg2[%dma_start3A_59, %dma_start3A_60] : memref<10000x16xf32, #tpu.memory_space<hbm>> -> memref<10000x16xf32, #tpu.memory_space<hbm>>
        tpu.enqueue_indirect_dma source(%dma_start3A_61 : memref<10000x16xf32, #tpu.memory_space<hbm>>) target(%arg10 : memref<128x16xf32, #tpu.memory_space<vmem>>) offsets(%dma_start3A_58 : memref<128xi32, #tpu.memory_space<vmem>>) semaphore(%arg13 : memref<!tpu.dma_semaphore, #tpu.memory_space<semaphore_mem>>)
        %dma_wait3A_62 = arith.constant 0 : i32
        %dma_wait3A_63 = arith.constant 0 : i32
        %dma_wait3A_64 = tpu.memref_slice %arg7[%dma_wait3A_62, %dma_wait3A_63] : memref<90x128xi32, #tpu.memory_space<vmem>> -> memref<1x128xi32, #tpu.memory_space<vmem>>
        %dma_wait3A_65 = tpu.memref_squeeze %dma_wait3A_64 : memref<1x128xi32, #tpu.memory_space<vmem>> -> memref<128xi32, #tpu.memory_space<vmem>>
        %dma_wait3A_66 = arith.constant 0 : i32
        %dma_wait3A_67 = arith.constant 0 : i32
        %dma_wait3A_68 = tpu.memref_slice %arg2[%dma_wait3A_66, %dma_wait3A_67] : memref<10000x16xf32, #tpu.memory_space<hbm>> -> memref<10000x16xf32, #tpu.memory_space<hbm>>
        tpu.wait_indirect_dma semaphore(%arg12 : memref<!tpu.dma_semaphore, #tpu.memory_space<semaphore_mem>>) src(%dma_wait3A_68 : memref<10000x16xf32, #tpu.memory_space<hbm>>) dst(%arg9 : memref<128x16xf32, #tpu.memory_space<vmem>>)
        "tpu.region"() ({
          %run_scoped3A_86 = tpu.sem_alloc : memref<!tpu.dma_semaphore, #tpu.memory_space<semaphore_mem>>
          %dma_start3A_87 = arith.constant 0 : i32
          %dma_start3A_88 = tpu.memref_slice %arg8[%add3A_53, %dma_start3A_87] : memref<90x128xi32, #tpu.memory_space<vmem>> -> memref<1x128xi32, #tpu.memory_space<vmem>>
          %dma_start3A_89 = tpu.memref_squeeze %dma_start3A_88 : memref<1x128xi32, #tpu.memory_space<vmem>> -> memref<128xi32, #tpu.memory_space<vmem>>
          %dma_start3A_90 = arith.constant 0 : i32
          %dma_start3A_91 = arith.constant 0 : i32
          %dma_start3A_92 = tpu.memref_slice %arg11[%dma_start3A_90, %dma_start3A_91] : memref<10112x16xf32, #tpu.memory_space<vmem_shared>> -> memref<10112x16xf32, #tpu.memory_space<vmem_shared>>
          tpu.enqueue_indirect_dma source(%arg9 : memref<128x16xf32, #tpu.memory_space<vmem>>) target(%dma_start3A_92 : memref<10112x16xf32, #tpu.memory_space<vmem_shared>>) offsets(%dma_start3A_89 : memref<128xi32, #tpu.memory_space<vmem>>) semaphore(%run_scoped3A_86 : memref<!tpu.dma_semaphore, #tpu.memory_space<semaphore_mem>>) {add = true}
          %dma_wait3A_93 = arith.constant 0 : i32
          %dma_wait3A_94 = tpu.memref_slice %arg8[%add3A_53, %dma_wait3A_93] : memref<90x128xi32, #tpu.memory_space<vmem>> -> memref<1x128xi32, #tpu.memory_space<vmem>>
          %dma_wait3A_95 = tpu.memref_squeeze %dma_wait3A_94 : memref<1x128xi32, #tpu.memory_space<vmem>> -> memref<128xi32, #tpu.memory_space<vmem>>
          %dma_wait3A_96 = arith.constant 0 : i32
          %dma_wait3A_97 = arith.constant 0 : i32
          %dma_wait3A_98 = tpu.memref_slice %arg11[%dma_wait3A_96, %dma_wait3A_97] : memref<10112x16xf32, #tpu.memory_space<vmem_shared>> -> memref<10112x16xf32, #tpu.memory_space<vmem_shared>>
          tpu.wait_indirect_dma semaphore(%run_scoped3A_86 : memref<!tpu.dma_semaphore, #tpu.memory_space<semaphore_mem>>) src(%arg9 : memref<128x16xf32, #tpu.memory_space<vmem>>) dst(%dma_wait3A_98 : memref<10112x16xf32, #tpu.memory_space<vmem_shared>>)
          tpu.yield
        }) : () -> ()
        %add3A_69 = arith.constant 2 : i32
        %add3A_70 = arith.addi %add3A_53, %add3A_69 : i32
        %dma_start3A_71 = arith.constant 0 : i32
        %dma_start3A_72 = tpu.memref_slice %arg7[%add3A_70, %dma_start3A_71] : memref<90x128xi32, #tpu.memory_space<vmem>> -> memref<1x128xi32, #tpu.memory_space<vmem>>
        %dma_start3A_73 = tpu.memref_squeeze %dma_start3A_72 : memref<1x128xi32, #tpu.memory_space<vmem>> -> memref<128xi32, #tpu.memory_space<vmem>>
        %dma_start3A_74 = arith.constant 0 : i32
        %dma_start3A_75 = arith.constant 0 : i32
        %dma_start3A_76 = tpu.memref_slice %arg2[%dma_start3A_74, %dma_start3A_75] : memref<10000x16xf32, #tpu.memory_space<hbm>> -> memref<10000x16xf32, #tpu.memory_space<hbm>>
        tpu.enqueue_indirect_dma source(%dma_start3A_76 : memref<10000x16xf32, #tpu.memory_space<hbm>>) target(%arg9 : memref<128x16xf32, #tpu.memory_space<vmem>>) offsets(%dma_start3A_73 : memref<128xi32, #tpu.memory_space<vmem>>) semaphore(%arg12 : memref<!tpu.dma_semaphore, #tpu.memory_space<semaphore_mem>>)
        %dma_wait3A_77 = arith.constant 0 : i32
        %dma_wait3A_78 = arith.constant 0 : i32
        %dma_wait3A_79 = tpu.memref_slice %arg7[%dma_wait3A_77, %dma_wait3A_78] : memref<90x128xi32, #tpu.memory_space<vmem>> -> memref<1x128xi32, #tpu.memory_space<vmem>>
        %dma_wait3A_80 = tpu.memref_squeeze %dma_wait3A_79 : memref<1x128xi32, #tpu.memory_space<vmem>> -> memref<128xi32, #tpu.memory_space<vmem>>
        %dma_wait3A_81 = arith.constant 0 : i32
        %dma_wait3A_82 = arith.constant 0 : i32
        %dma_wait3A_83 = tpu.memref_slice %arg2[%dma_wait3A_81, %dma_wait3A_82] : memref<10000x16xf32, #tpu.memory_space<hbm>> -> memref<10000x16xf32, #tpu.memory_space<hbm>>
        tpu.wait_indirect_dma semaphore(%arg13 : memref<!tpu.dma_semaphore, #tpu.memory_space<semaphore_mem>>) src(%dma_wait3A_83 : memref<10000x16xf32, #tpu.memory_space<hbm>>) dst(%arg10 : memref<128x16xf32, #tpu.memory_space<vmem>>)
        %add3A_84 = arith.constant 1 : i32
        %add3A_85 = arith.addi %add3A_53, %add3A_84 : i32
        "tpu.region"() ({
          %run_scoped3A_86 = tpu.sem_alloc : memref<!tpu.dma_semaphore, #tpu.memory_space<semaphore_mem>>
          %dma_start3A_87 = arith.constant 0 : i32
          %dma_start3A_88 = tpu.memref_slice %arg8[%add3A_85, %dma_start3A_87] : memref<90x128xi32, #tpu.memory_space<vmem>> -> memref<1x128xi32, #tpu.memory_space<vmem>>
          %dma_start3A_89 = tpu.memref_squeeze %dma_start3A_88 : memref<1x128xi32, #tpu.memory_space<vmem>> -> memref<128xi32, #tpu.memory_space<vmem>>
          %dma_start3A_90 = arith.constant 0 : i32
          %dma_start3A_91 = arith.constant 0 : i32
          %dma_start3A_92 = tpu.memref_slice %arg11[%dma_start3A_90, %dma_start3A_91] : memref<10112x16xf32, #tpu.memory_space<vmem_shared>> -> memref<10112x16xf32, #tpu.memory_space<vmem_shared>>
          tpu.enqueue_indirect_dma source(%arg10 : memref<128x16xf32, #tpu.memory_space<vmem>>) target(%dma_start3A_92 : memref<10112x16xf32, #tpu.memory_space<vmem_shared>>) offsets(%dma_start3A_89 : memref<128xi32, #tpu.memory_space<vmem>>) semaphore(%run_scoped3A_86 : memref<!tpu.dma_semaphore, #tpu.memory_space<semaphore_mem>>) {add = true}
          %dma_wait3A_93 = arith.constant 0 : i32
          %dma_wait3A_94 = tpu.memref_slice %arg8[%add3A_85, %dma_wait3A_93] : memref<90x128xi32, #tpu.memory_space<vmem>> -> memref<1x128xi32, #tpu.memory_space<vmem>>
          %dma_wait3A_95 = tpu.memref_squeeze %dma_wait3A_94 : memref<1x128xi32, #tpu.memory_space<vmem>> -> memref<128xi32, #tpu.memory_space<vmem>>
          %dma_wait3A_96 = arith.constant 0 : i32
          %dma_wait3A_97 = arith.constant 0 : i32
          %dma_wait3A_98 = tpu.memref_slice %arg11[%dma_wait3A_96, %dma_wait3A_97] : memref<10112x16xf32, #tpu.memory_space<vmem_shared>> -> memref<10112x16xf32, #tpu.memory_space<vmem_shared>>
          tpu.wait_indirect_dma semaphore(%run_scoped3A_86 : memref<!tpu.dma_semaphore, #tpu.memory_space<semaphore_mem>>) src(%arg10 : memref<128x16xf32, #tpu.memory_space<vmem>>) dst(%dma_wait3A_98 : memref<10112x16xf32, #tpu.memory_space<vmem_shared>>)
          tpu.yield
        }) : () -> ()
      }
      %scan3A_27 = arith.constant 33 : i32
      %dma_start3A_28 = arith.constant 67 : i32
      %dma_start3A_29 = arith.constant 0 : i32
      %dma_start3A_30 = tpu.memref_slice %arg7[%dma_start3A_28, %dma_start3A_29] : memref<90x128xi32, #tpu.memory_space<vmem>> -> memref<1x128xi32, #tpu.memory_space<vmem>>
      %dma_start3A_31 = tpu.memref_squeeze %dma_start3A_30 : memref<1x128xi32, #tpu.memory_space<vmem>> -> memref<128xi32, #tpu.memory_space<vmem>>
      %dma_start3A_32 = arith.constant 0 : i32
      %dma_start3A_33 = arith.constant 0 : i32
      %dma_start3A_34 = tpu.memref_slice %arg2[%dma_start3A_32, %dma_start3A_33] : memref<10000x16xf32, #tpu.memory_space<hbm>> -> memref<10000x16xf32, #tpu.memory_space<hbm>>
      tpu.enqueue_indirect_dma source(%dma_start3A_34 : memref<10000x16xf32, #tpu.memory_space<hbm>>) target(%arg10 : memref<128x16xf32, #tpu.memory_space<vmem>>) offsets(%dma_start3A_31 : memref<128xi32, #tpu.memory_space<vmem>>) semaphore(%arg13 : memref<!tpu.dma_semaphore, #tpu.memory_space<semaphore_mem>>)
      %dma_wait3A = arith.constant 0 : i32
      %dma_wait3A_35 = arith.constant 0 : i32
      %dma_wait3A_36 = tpu.memref_slice %arg7[%dma_wait3A, %dma_wait3A_35] : memref<90x128xi32, #tpu.memory_space<vmem>> -> memref<1x128xi32, #tpu.memory_space<vmem>>
      %dma_wait3A_37 = tpu.memref_squeeze %dma_wait3A_36 : memref<1x128xi32, #tpu.memory_space<vmem>> -> memref<128xi32, #tpu.memory_space<vmem>>
      %dma_wait3A_38 = arith.constant 0 : i32
      %dma_wait3A_39 = arith.constant 0 : i32
      %dma_wait3A_40 = tpu.memref_slice %arg2[%dma_wait3A_38, %dma_wait3A_39] : memref<10000x16xf32, #tpu.memory_space<hbm>> -> memref<10000x16xf32, #tpu.memory_space<hbm>>
      tpu.wait_indirect_dma semaphore(%arg12 : memref<!tpu.dma_semaphore, #tpu.memory_space<semaphore_mem>>) src(%dma_wait3A_40 : memref<10000x16xf32, #tpu.memory_space<hbm>>) dst(%arg9 : memref<128x16xf32, #tpu.memory_space<vmem>>)
      %run_scoped3A = arith.constant 66 : i32
      "tpu.region"() ({
        %run_scoped3A_49 = tpu.sem_alloc : memref<!tpu.dma_semaphore, #tpu.memory_space<semaphore_mem>>
        %dma_start3A_50 = arith.constant 0 : i32
        %dma_start3A_51 = tpu.memref_slice %arg8[%run_scoped3A, %dma_start3A_50] : memref<90x128xi32, #tpu.memory_space<vmem>> -> memref<1x128xi32, #tpu.memory_space<vmem>>
        %dma_start3A_52 = tpu.memref_squeeze %dma_start3A_51 : memref<1x128xi32, #tpu.memory_space<vmem>> -> memref<128xi32, #tpu.memory_space<vmem>>
        %dma_start3A_53 = arith.constant 0 : i32
        %dma_start3A_54 = arith.constant 0 : i32
        %dma_start3A_55 = tpu.memref_slice %arg11[%dma_start3A_53, %dma_start3A_54] : memref<10112x16xf32, #tpu.memory_space<vmem_shared>> -> memref<10112x16xf32, #tpu.memory_space<vmem_shared>>
        tpu.enqueue_indirect_dma source(%arg9 : memref<128x16xf32, #tpu.memory_space<vmem>>) target(%dma_start3A_55 : memref<10112x16xf32, #tpu.memory_space<vmem_shared>>) offsets(%dma_start3A_52 : memref<128xi32, #tpu.memory_space<vmem>>) semaphore(%run_scoped3A_49 : memref<!tpu.dma_semaphore, #tpu.memory_space<semaphore_mem>>) {add = true}
        %dma_wait3A_56 = arith.constant 0 : i32
        %dma_wait3A_57 = tpu.memref_slice %arg8[%run_scoped3A, %dma_wait3A_56] : memref<90x128xi32, #tpu.memory_space<vmem>> -> memref<1x128xi32, #tpu.memory_space<vmem>>
        %dma_wait3A_58 = tpu.memref_squeeze %dma_wait3A_57 : memref<1x128xi32, #tpu.memory_space<vmem>> -> memref<128xi32, #tpu.memory_space<vmem>>
        %dma_wait3A_59 = arith.constant 0 : i32
        %dma_wait3A_60 = arith.constant 0 : i32
        %dma_wait3A_61 = tpu.memref_slice %arg11[%dma_wait3A_59, %dma_wait3A_60] : memref<10112x16xf32, #tpu.memory_space<vmem_shared>> -> memref<10112x16xf32, #tpu.memory_space<vmem_shared>>
        tpu.wait_indirect_dma semaphore(%run_scoped3A_49 : memref<!tpu.dma_semaphore, #tpu.memory_space<semaphore_mem>>) src(%arg9 : memref<128x16xf32, #tpu.memory_space<vmem>>) dst(%dma_wait3A_61 : memref<10112x16xf32, #tpu.memory_space<vmem_shared>>)
        tpu.yield
      }) : () -> ()
      %dma_wait3A_41 = arith.constant 0 : i32
      %dma_wait3A_42 = arith.constant 0 : i32
      %dma_wait3A_43 = tpu.memref_slice %arg7[%dma_wait3A_41, %dma_wait3A_42] : memref<90x128xi32, #tpu.memory_space<vmem>> -> memref<1x128xi32, #tpu.memory_space<vmem>>
      %dma_wait3A_44 = tpu.memref_squeeze %dma_wait3A_43 : memref<1x128xi32, #tpu.memory_space<vmem>> -> memref<128xi32, #tpu.memory_space<vmem>>
      %dma_wait3A_45 = arith.constant 0 : i32
      %dma_wait3A_46 = arith.constant 0 : i32
      %dma_wait3A_47 = tpu.memref_slice %arg2[%dma_wait3A_45, %dma_wait3A_46] : memref<10000x16xf32, #tpu.memory_space<hbm>> -> memref<10000x16xf32, #tpu.memory_space<hbm>>
      tpu.wait_indirect_dma semaphore(%arg13 : memref<!tpu.dma_semaphore, #tpu.memory_space<semaphore_mem>>) src(%dma_wait3A_47 : memref<10000x16xf32, #tpu.memory_space<hbm>>) dst(%arg10 : memref<128x16xf32, #tpu.memory_space<vmem>>)
      %run_scoped3A_48 = arith.constant 67 : i32
      "tpu.region"() ({
        %run_scoped3A_49 = tpu.sem_alloc : memref<!tpu.dma_semaphore, #tpu.memory_space<semaphore_mem>>
        %dma_start3A_50 = arith.constant 0 : i32
        %dma_start3A_51 = tpu.memref_slice %arg8[%run_scoped3A_48, %dma_start3A_50] : memref<90x128xi32, #tpu.memory_space<vmem>> -> memref<1x128xi32, #tpu.memory_space<vmem>>
        %dma_start3A_52 = tpu.memref_squeeze %dma_start3A_51 : memref<1x128xi32, #tpu.memory_space<vmem>> -> memref<128xi32, #tpu.memory_space<vmem>>
        %dma_start3A_53 = arith.constant 0 : i32
        %dma_start3A_54 = arith.constant 0 : i32
        %dma_start3A_55 = tpu.memref_slice %arg11[%dma_start3A_53, %dma_start3A_54] : memref<10112x16xf32, #tpu.memory_space<vmem_shared>> -> memref<10112x16xf32, #tpu.memory_space<vmem_shared>>
        tpu.enqueue_indirect_dma source(%arg10 : memref<128x16xf32, #tpu.memory_space<vmem>>) target(%dma_start3A_55 : memref<10112x16xf32, #tpu.memory_space<vmem_shared>>) offsets(%dma_start3A_52 : memref<128xi32, #tpu.memory_space<vmem>>) semaphore(%run_scoped3A_49 : memref<!tpu.dma_semaphore, #tpu.memory_space<semaphore_mem>>) {add = true}
        %dma_wait3A_56 = arith.constant 0 : i32
        %dma_wait3A_57 = tpu.memref_slice %arg8[%run_scoped3A_48, %dma_wait3A_56] : memref<90x128xi32, #tpu.memory_space<vmem>> -> memref<1x128xi32, #tpu.memory_space<vmem>>
        %dma_wait3A_58 = tpu.memref_squeeze %dma_wait3A_57 : memref<1x128xi32, #tpu.memory_space<vmem>> -> memref<128xi32, #tpu.memory_space<vmem>>
        %dma_wait3A_59 = arith.constant 0 : i32
        %dma_wait3A_60 = arith.constant 0 : i32
        %dma_wait3A_61 = tpu.memref_slice %arg11[%dma_wait3A_59, %dma_wait3A_60] : memref<10112x16xf32, #tpu.memory_space<vmem_shared>> -> memref<10112x16xf32, #tpu.memory_space<vmem_shared>>
        tpu.wait_indirect_dma semaphore(%run_scoped3A_49 : memref<!tpu.dma_semaphore, #tpu.memory_space<semaphore_mem>>) src(%arg10 : memref<128x16xf32, #tpu.memory_space<vmem>>) dst(%dma_wait3A_61 : memref<10112x16xf32, #tpu.memory_space<vmem_shared>>)
        tpu.yield
      }) : () -> ()
    } else {
    }
    %barrier3A_8 = arith.constant 0 : index
    tpu.barrier barrier_id(%barrier3A_8)
    %mul3A_9 = arith.constant 632 : i32
    %mul3A_10 = arith.muli %arg1, %mul3A_9 : i32
    %mul3A_11 = arith.constant 632 : i32
    %mul3A_12 = arith.muli %arg1, %mul3A_11 : i32
    "tpu.region"() ({
      %run_scoped3A = tpu.sem_alloc : memref<!tpu.dma_semaphore, #tpu.memory_space<semaphore_mem>>
      %dma_start3A = arith.constant 0 : i32
      %dma_start3A_13 = arith.constant 0 : i32
      %dma_start3A_14 = tpu.memref_slice %arg6[%arg0, %dma_start3A, %dma_start3A_13] : memref<2x10112x16xf32, #tpu.memory_space<hbm>> -> memref<1x10112x16xf32, #tpu.memory_space<hbm>>
      %dma_start3A_15 = tpu.memref_squeeze %dma_start3A_14 : memref<1x10112x16xf32, #tpu.memory_space<hbm>> -> memref<10112x16xf32, #tpu.memory_space<hbm>>
      %dma_start3A_16 = arith.constant 0 : i32
      %dma_start3A_17 = tpu.memref_slice %dma_start3A_15[%mul3A_12, %dma_start3A_16] : memref<10112x16xf32, #tpu.memory_space<hbm>> -> memref<632x16xf32, #tpu.memory_space<hbm>>
      %dma_start3A_18 = arith.constant 0 : i32
      %dma_start3A_19 = tpu.memref_slice %arg11[%mul3A_10, %dma_start3A_18] : memref<10112x16xf32, #tpu.memory_space<vmem_shared>> -> memref<632x16xf32, #tpu.memory_space<vmem_shared>>
      tpu.enqueue_dma source(%dma_start3A_19 : memref<632x16xf32, #tpu.memory_space<vmem_shared>>) target(%dma_start3A_17 : memref<632x16xf32, #tpu.memory_space<hbm>>) target_semaphore(%run_scoped3A : memref<!tpu.dma_semaphore, #tpu.memory_space<semaphore_mem>>)
      %dma_wait3A = arith.constant 0 : i32
      %dma_wait3A_20 = arith.constant 0 : i32
      %dma_wait3A_21 = tpu.memref_slice %arg6[%arg0, %dma_wait3A, %dma_wait3A_20] : memref<2x10112x16xf32, #tpu.memory_space<hbm>> -> memref<1x10112x16xf32, #tpu.memory_space<hbm>>
      %dma_wait3A_22 = tpu.memref_squeeze %dma_wait3A_21 : memref<1x10112x16xf32, #tpu.memory_space<hbm>> -> memref<10112x16xf32, #tpu.memory_space<hbm>>
      %dma_wait3A_23 = arith.constant 0 : i32
      %dma_wait3A_24 = tpu.memref_slice %dma_wait3A_22[%mul3A_12, %dma_wait3A_23] : memref<10112x16xf32, #tpu.memory_space<hbm>> -> memref<632x16xf32, #tpu.memory_space<hbm>>
      %dma_wait3A_25 = arith.constant 0 : i32
      %dma_wait3A_26 = tpu.memref_slice %arg11[%mul3A_10, %dma_wait3A_25] : memref<10112x16xf32, #tpu.memory_space<vmem_shared>> -> memref<632x16xf32, #tpu.memory_space<vmem_shared>>
      tpu.wait_dma2 semaphore(%run_scoped3A : memref<!tpu.dma_semaphore, #tpu.memory_space<semaphore_mem>>) src(%dma_wait3A_26 : memref<632x16xf32, #tpu.memory_space<vmem_shared>>) dst(%dma_wait3A_24 : memref<632x16xf32, #tpu.memory_space<hbm>>)
      tpu.yield
    }) : () -> ()
    return
  }
}

#map = affine_map<(d0, d1) -> (0, 0)>
#map1 = affine_map<(d0, d1) -> (0, 0, 0)>
module attributes {stable_mosaic.version = 14 : i64} {
  func.func @deg_kernel(%arg0: i32, %arg1: i32, %arg2: memref<2618x128xi32, #tpu.memory_space<hbm>>, %arg3: memref<128x16xf32, #tpu.memory_space<hbm>>, %arg4: memref<632x16xf32, #tpu.memory_space<hbm>>, %arg5: memref<2x10112x16xf32, #tpu.memory_space<hbm>>, %arg6: memref<79x128xi32, #tpu.memory_space<vmem>>, %arg7: memref<128x16xf32, #tpu.memory_space<vmem>>, %arg8: memref<10112x16xf32, #tpu.memory_space<vmem_shared>>) attributes {dimension_semantics = [#tpu.dimension_semantics<core_parallel>, #tpu.dimension_semantics<subcore_parallel>], iteration_bounds = array<i64: 2, 16>, scalar_prefetch = 0 : i64, scratch_operands = 3 : i64, tpu.core_type = #tpu.core_type<sc_vector_subcore>, window_params = [{transform_indices = #map}, {transform_indices = #map}, {transform_indices = #map}, {transform_indices = #map1}]} {
    %mul3A = arith.constant 2 : i32
    %mul3A_0 = arith.muli %arg1, %mul3A : i32
    %add3A = arith.addi %mul3A_0, %arg0 : i32
    %mul3A_1 = arith.constant 632 : i32
    %mul3A_2 = arith.muli %arg1, %mul3A_1 : i32
    "tpu.region"() ({
      %run_scoped3A = tpu.sem_alloc : memref<!tpu.dma_semaphore, #tpu.memory_space<semaphore_mem>>
      %dma_start3A = arith.constant 0 : i32
      %dma_start3A_14 = tpu.memref_slice %arg8[%mul3A_2, %dma_start3A] : memref<10112x16xf32, #tpu.memory_space<vmem_shared>> -> memref<632x16xf32, #tpu.memory_space<vmem_shared>>
      tpu.enqueue_dma source(%arg4 : memref<632x16xf32, #tpu.memory_space<hbm>>) target(%dma_start3A_14 : memref<632x16xf32, #tpu.memory_space<vmem_shared>>) target_semaphore(%run_scoped3A : memref<!tpu.dma_semaphore, #tpu.memory_space<semaphore_mem>>)
      %dma_wait3A = arith.constant 0 : i32
      %dma_wait3A_15 = tpu.memref_slice %arg8[%mul3A_2, %dma_wait3A] : memref<10112x16xf32, #tpu.memory_space<vmem_shared>> -> memref<632x16xf32, #tpu.memory_space<vmem_shared>>
      tpu.wait_dma2 semaphore(%run_scoped3A : memref<!tpu.dma_semaphore, #tpu.memory_space<semaphore_mem>>) src(%arg4 : memref<632x16xf32, #tpu.memory_space<hbm>>) dst(%dma_wait3A_15 : memref<632x16xf32, #tpu.memory_space<vmem_shared>>)
      tpu.yield
    }) : () -> ()
    %mul3A_3 = arith.constant 79 : i32
    %mul3A_4 = arith.muli %add3A, %mul3A_3 : i32
    "tpu.region"() ({
      %run_scoped3A = tpu.sem_alloc : memref<!tpu.dma_semaphore, #tpu.memory_space<semaphore_mem>>
      %dma_start3A = arith.constant 0 : i32
      %dma_start3A_14 = tpu.memref_slice %arg2[%mul3A_4, %dma_start3A] : memref<2618x128xi32, #tpu.memory_space<hbm>> -> memref<79x128xi32, #tpu.memory_space<hbm>>
      %dma_start3A_15 = arith.constant 0 : i32
      %dma_start3A_16 = tpu.memref_slice %arg2[%mul3A_4, %dma_start3A_15] : memref<2618x128xi32, #tpu.memory_space<hbm>> -> memref<79x128xi32, #tpu.memory_space<hbm>>
      tpu.enqueue_dma source(%dma_start3A_16 : memref<79x128xi32, #tpu.memory_space<hbm>>) target(%arg6 : memref<79x128xi32, #tpu.memory_space<vmem>>) target_semaphore(%run_scoped3A : memref<!tpu.dma_semaphore, #tpu.memory_space<semaphore_mem>>)
      %dma_wait3A = arith.constant 0 : i32
      %dma_wait3A_17 = tpu.memref_slice %arg2[%mul3A_4, %dma_wait3A] : memref<2618x128xi32, #tpu.memory_space<hbm>> -> memref<79x128xi32, #tpu.memory_space<hbm>>
      %dma_wait3A_18 = arith.constant 0 : i32
      %dma_wait3A_19 = tpu.memref_slice %arg2[%mul3A_4, %dma_wait3A_18] : memref<2618x128xi32, #tpu.memory_space<hbm>> -> memref<79x128xi32, #tpu.memory_space<hbm>>
      tpu.wait_dma2 semaphore(%run_scoped3A : memref<!tpu.dma_semaphore, #tpu.memory_space<semaphore_mem>>) src(%dma_wait3A_19 : memref<79x128xi32, #tpu.memory_space<hbm>>) dst(%arg6 : memref<79x128xi32, #tpu.memory_space<vmem>>)
      tpu.yield
    }) : () -> ()
    "tpu.region"() ({
      %run_scoped3A = tpu.sem_alloc : memref<!tpu.dma_semaphore, #tpu.memory_space<semaphore_mem>>
      tpu.enqueue_dma source(%arg3 : memref<128x16xf32, #tpu.memory_space<hbm>>) target(%arg7 : memref<128x16xf32, #tpu.memory_space<vmem>>) target_semaphore(%run_scoped3A : memref<!tpu.dma_semaphore, #tpu.memory_space<semaphore_mem>>)
      tpu.wait_dma2 semaphore(%run_scoped3A : memref<!tpu.dma_semaphore, #tpu.memory_space<semaphore_mem>>) src(%arg3 : memref<128x16xf32, #tpu.memory_space<hbm>>) dst(%arg7 : memref<128x16xf32, #tpu.memory_space<vmem>>)
      tpu.yield
    }) : () -> ()
    %barrier3A = arith.constant 0 : index
    tpu.barrier barrier_id(%barrier3A)
    %scan3A = arith.constant 0 : i32
    %scan3A_5 = arith.constant 79 : i32
    %scan3A_6 = arith.addi %scan3A, %scan3A_5 : i32
    %scan3A_7 = arith.constant 1 : i32
    scf.for %scan3A_14 = %scan3A to %scan3A_6 step %scan3A_7  : i32 {
      %mul3A_15 = arith.constant 1 : i32
      %mul3A_16 = arith.muli %scan3A_14, %mul3A_15 : i32
      %add3A_17 = arith.constant 0 : i32
      %add3A_18 = arith.addi %add3A_17, %mul3A_16 : i32
      "tpu.region"() ({
        %run_scoped3A = tpu.sem_alloc : memref<!tpu.dma_semaphore, #tpu.memory_space<semaphore_mem>>
        %dma_start3A = arith.constant 0 : i32
        %dma_start3A_19 = tpu.memref_slice %arg6[%add3A_18, %dma_start3A] : memref<79x128xi32, #tpu.memory_space<vmem>> -> memref<1x128xi32, #tpu.memory_space<vmem>>
        %dma_start3A_20 = tpu.memref_squeeze %dma_start3A_19 : memref<1x128xi32, #tpu.memory_space<vmem>> -> memref<128xi32, #tpu.memory_space<vmem>>
        %dma_start3A_21 = arith.constant 0 : i32
        %dma_start3A_22 = arith.constant 0 : i32
        %dma_start3A_23 = tpu.memref_slice %arg8[%dma_start3A_21, %dma_start3A_22] : memref<10112x16xf32, #tpu.memory_space<vmem_shared>> -> memref<10112x16xf32, #tpu.memory_space<vmem_shared>>
        tpu.enqueue_indirect_dma source(%arg7 : memref<128x16xf32, #tpu.memory_space<vmem>>) target(%dma_start3A_23 : memref<10112x16xf32, #tpu.memory_space<vmem_shared>>) offsets(%dma_start3A_20 : memref<128xi32, #tpu.memory_space<vmem>>) semaphore(%run_scoped3A : memref<!tpu.dma_semaphore, #tpu.memory_space<semaphore_mem>>) {add = true}
        %dma_wait3A = arith.constant 0 : i32
        %dma_wait3A_24 = tpu.memref_slice %arg6[%add3A_18, %dma_wait3A] : memref<79x128xi32, #tpu.memory_space<vmem>> -> memref<1x128xi32, #tpu.memory_space<vmem>>
        %dma_wait3A_25 = tpu.memref_squeeze %dma_wait3A_24 : memref<1x128xi32, #tpu.memory_space<vmem>> -> memref<128xi32, #tpu.memory_space<vmem>>
        %dma_wait3A_26 = arith.constant 0 : i32
        %dma_wait3A_27 = arith.constant 0 : i32
        %dma_wait3A_28 = tpu.memref_slice %arg8[%dma_wait3A_26, %dma_wait3A_27] : memref<10112x16xf32, #tpu.memory_space<vmem_shared>> -> memref<10112x16xf32, #tpu.memory_space<vmem_shared>>
        tpu.wait_indirect_dma semaphore(%run_scoped3A : memref<!tpu.dma_semaphore, #tpu.memory_space<semaphore_mem>>) src(%arg7 : memref<128x16xf32, #tpu.memory_space<vmem>>) dst(%dma_wait3A_28 : memref<10112x16xf32, #tpu.memory_space<vmem_shared>>)
        tpu.yield
      }) : () -> ()
    }
    %scan3A_8 = arith.constant 79 : i32
    %barrier3A_9 = arith.constant 0 : index
    tpu.barrier barrier_id(%barrier3A_9)
    %mul3A_10 = arith.constant 632 : i32
    %mul3A_11 = arith.muli %arg1, %mul3A_10 : i32
    %mul3A_12 = arith.constant 632 : i32
    %mul3A_13 = arith.muli %arg1, %mul3A_12 : i32
    "tpu.region"() ({
      %run_scoped3A = tpu.sem_alloc : memref<!tpu.dma_semaphore, #tpu.memory_space<semaphore_mem>>
      %dma_start3A = arith.constant 0 : i32
      %dma_start3A_14 = arith.constant 0 : i32
      %dma_start3A_15 = tpu.memref_slice %arg5[%arg0, %dma_start3A, %dma_start3A_14] : memref<2x10112x16xf32, #tpu.memory_space<hbm>> -> memref<1x10112x16xf32, #tpu.memory_space<hbm>>
      %dma_start3A_16 = tpu.memref_squeeze %dma_start3A_15 : memref<1x10112x16xf32, #tpu.memory_space<hbm>> -> memref<10112x16xf32, #tpu.memory_space<hbm>>
      %dma_start3A_17 = arith.constant 0 : i32
      %dma_start3A_18 = tpu.memref_slice %dma_start3A_16[%mul3A_13, %dma_start3A_17] : memref<10112x16xf32, #tpu.memory_space<hbm>> -> memref<632x16xf32, #tpu.memory_space<hbm>>
      %dma_start3A_19 = arith.constant 0 : i32
      %dma_start3A_20 = tpu.memref_slice %arg8[%mul3A_11, %dma_start3A_19] : memref<10112x16xf32, #tpu.memory_space<vmem_shared>> -> memref<632x16xf32, #tpu.memory_space<vmem_shared>>
      tpu.enqueue_dma source(%dma_start3A_20 : memref<632x16xf32, #tpu.memory_space<vmem_shared>>) target(%dma_start3A_18 : memref<632x16xf32, #tpu.memory_space<hbm>>) target_semaphore(%run_scoped3A : memref<!tpu.dma_semaphore, #tpu.memory_space<semaphore_mem>>)
      %dma_wait3A = arith.constant 0 : i32
      %dma_wait3A_21 = arith.constant 0 : i32
      %dma_wait3A_22 = tpu.memref_slice %arg5[%arg0, %dma_wait3A, %dma_wait3A_21] : memref<2x10112x16xf32, #tpu.memory_space<hbm>> -> memref<1x10112x16xf32, #tpu.memory_space<hbm>>
      %dma_wait3A_23 = tpu.memref_squeeze %dma_wait3A_22 : memref<1x10112x16xf32, #tpu.memory_space<hbm>> -> memref<10112x16xf32, #tpu.memory_space<hbm>>
      %dma_wait3A_24 = arith.constant 0 : i32
      %dma_wait3A_25 = tpu.memref_slice %dma_wait3A_23[%mul3A_13, %dma_wait3A_24] : memref<10112x16xf32, #tpu.memory_space<hbm>> -> memref<632x16xf32, #tpu.memory_space<hbm>>
      %dma_wait3A_26 = arith.constant 0 : i32
      %dma_wait3A_27 = tpu.memref_slice %arg8[%mul3A_11, %dma_wait3A_26] : memref<10112x16xf32, #tpu.memory_space<vmem_shared>> -> memref<632x16xf32, #tpu.memory_space<vmem_shared>>
      tpu.wait_dma2 semaphore(%run_scoped3A : memref<!tpu.dma_semaphore, #tpu.memory_space<semaphore_mem>>) src(%dma_wait3A_27 : memref<632x16xf32, #tpu.memory_space<vmem_shared>>) dst(%dma_wait3A_25 : memref<632x16xf32, #tpu.memory_space<hbm>>)
      tpu.yield
    }) : () -> ()
    return
  }
}

#map = affine_map<(d0, d1) -> (0, 0)>
#map1 = affine_map<(d0, d1) -> (0, 0, 0)>
module attributes {stable_mosaic.version = 14 : i64} {
  func.func @edge_kernel(%arg0: i32, %arg1: i32, %arg2: memref<10000x128xf32, #tpu.memory_space<hbm>>, %arg3: memref<2618x128xi32, #tpu.memory_space<hbm>>, %arg4: memref<2618x128xi32, #tpu.memory_space<hbm>>, %arg5: memref<632x128xf32, #tpu.memory_space<hbm>>, %arg6: memref<2x10112x128xf32, #tpu.memory_space<hbm>>, %arg7: memref<62x128xi32, #tpu.memory_space<vmem>>, %arg8: memref<62x128xi32, #tpu.memory_space<vmem>>, %arg9: memref<128x128xf32, #tpu.memory_space<vmem>>, %arg10: memref<128x128xf32, #tpu.memory_space<vmem>>, %arg11: memref<10112x128xf32, #tpu.memory_space<vmem_shared>>, %arg12: memref<!tpu.dma_semaphore, #tpu.memory_space<semaphore_mem>>, %arg13: memref<!tpu.dma_semaphore, #tpu.memory_space<semaphore_mem>>) attributes {dimension_semantics = [#tpu.dimension_semantics<core_parallel>, #tpu.dimension_semantics<subcore_parallel>], iteration_bounds = array<i64: 2, 16>, scalar_prefetch = 0 : i64, scratch_operands = 7 : i64, tpu.core_type = #tpu.core_type<sc_vector_subcore>, window_params = [{transform_indices = #map}, {transform_indices = #map}, {transform_indices = #map}, {transform_indices = #map}, {transform_indices = #map1}]} {
    %mul3A = arith.constant 632 : i32
    %mul3A_0 = arith.muli %arg1, %mul3A : i32
    "tpu.region"() ({
      %run_scoped3A = tpu.sem_alloc : memref<!tpu.dma_semaphore, #tpu.memory_space<semaphore_mem>>
      %dma_start3A = arith.constant 0 : i32
      %dma_start3A_13 = tpu.memref_slice %arg11[%mul3A_0, %dma_start3A] : memref<10112x128xf32, #tpu.memory_space<vmem_shared>> -> memref<632x128xf32, #tpu.memory_space<vmem_shared>>
      tpu.enqueue_dma source(%arg5 : memref<632x128xf32, #tpu.memory_space<hbm>>) target(%dma_start3A_13 : memref<632x128xf32, #tpu.memory_space<vmem_shared>>) target_semaphore(%run_scoped3A : memref<!tpu.dma_semaphore, #tpu.memory_space<semaphore_mem>>)
      %dma_wait3A = arith.constant 0 : i32
      %dma_wait3A_14 = tpu.memref_slice %arg11[%mul3A_0, %dma_wait3A] : memref<10112x128xf32, #tpu.memory_space<vmem_shared>> -> memref<632x128xf32, #tpu.memory_space<vmem_shared>>
      tpu.wait_dma2 semaphore(%run_scoped3A : memref<!tpu.dma_semaphore, #tpu.memory_space<semaphore_mem>>) src(%arg5 : memref<632x128xf32, #tpu.memory_space<hbm>>) dst(%dma_wait3A_14 : memref<632x128xf32, #tpu.memory_space<vmem_shared>>)
      tpu.yield
    }) : () -> ()
    %barrier3A = arith.constant 0 : index
    tpu.barrier barrier_id(%barrier3A)
    %eq3A = arith.constant 0 : i32
    %eq3A_1 = arith.cmpi eq, %arg0, %eq3A : i32
    %convert_element_type3A = arith.extui %eq3A_1 : i1 to i32
    %cond3A = arith.constant 0 : i32
    %cond3A_2 = arith.cmpi ne, %convert_element_type3A, %cond3A : i32
    scf.if %cond3A_2 {
      %mul3A_13 = arith.constant 124 : i32
      %mul3A_14 = arith.muli %arg1, %mul3A_13 : i32
      %add3A = arith.constant 0 : i32
      %add3A_15 = arith.addi %mul3A_14, %add3A : i32
      "tpu.region"() ({
        %run_scoped3A_86 = tpu.sem_alloc : memref<!tpu.dma_semaphore, #tpu.memory_space<semaphore_mem>>
        %dma_start3A_87 = arith.constant 0 : i32
        %dma_start3A_88 = tpu.memref_slice %arg3[%add3A_15, %dma_start3A_87] : memref<2618x128xi32, #tpu.memory_space<hbm>> -> memref<62x128xi32, #tpu.memory_space<hbm>>
        %dma_start3A_89 = arith.constant 0 : i32
        %dma_start3A_90 = tpu.memref_slice %arg3[%add3A_15, %dma_start3A_89] : memref<2618x128xi32, #tpu.memory_space<hbm>> -> memref<62x128xi32, #tpu.memory_space<hbm>>
        tpu.enqueue_dma source(%dma_start3A_90 : memref<62x128xi32, #tpu.memory_space<hbm>>) target(%arg7 : memref<62x128xi32, #tpu.memory_space<vmem>>) target_semaphore(%run_scoped3A_86 : memref<!tpu.dma_semaphore, #tpu.memory_space<semaphore_mem>>)
        %dma_wait3A_91 = arith.constant 0 : i32
        %dma_wait3A_92 = tpu.memref_slice %arg3[%add3A_15, %dma_wait3A_91] : memref<2618x128xi32, #tpu.memory_space<hbm>> -> memref<62x128xi32, #tpu.memory_space<hbm>>
        %dma_wait3A_93 = arith.constant 0 : i32
        %dma_wait3A_94 = tpu.memref_slice %arg3[%add3A_15, %dma_wait3A_93] : memref<2618x128xi32, #tpu.memory_space<hbm>> -> memref<62x128xi32, #tpu.memory_space<hbm>>
        tpu.wait_dma2 semaphore(%run_scoped3A_86 : memref<!tpu.dma_semaphore, #tpu.memory_space<semaphore_mem>>) src(%dma_wait3A_94 : memref<62x128xi32, #tpu.memory_space<hbm>>) dst(%arg7 : memref<62x128xi32, #tpu.memory_space<vmem>>)
        tpu.yield
      }) : () -> ()
      "tpu.region"() ({
        %run_scoped3A_86 = tpu.sem_alloc : memref<!tpu.dma_semaphore, #tpu.memory_space<semaphore_mem>>
        %dma_start3A_87 = arith.constant 0 : i32
        %dma_start3A_88 = tpu.memref_slice %arg4[%add3A_15, %dma_start3A_87] : memref<2618x128xi32, #tpu.memory_space<hbm>> -> memref<62x128xi32, #tpu.memory_space<hbm>>
        %dma_start3A_89 = arith.constant 0 : i32
        %dma_start3A_90 = tpu.memref_slice %arg4[%add3A_15, %dma_start3A_89] : memref<2618x128xi32, #tpu.memory_space<hbm>> -> memref<62x128xi32, #tpu.memory_space<hbm>>
        tpu.enqueue_dma source(%dma_start3A_90 : memref<62x128xi32, #tpu.memory_space<hbm>>) target(%arg8 : memref<62x128xi32, #tpu.memory_space<vmem>>) target_semaphore(%run_scoped3A_86 : memref<!tpu.dma_semaphore, #tpu.memory_space<semaphore_mem>>)
        %dma_wait3A_91 = arith.constant 0 : i32
        %dma_wait3A_92 = tpu.memref_slice %arg4[%add3A_15, %dma_wait3A_91] : memref<2618x128xi32, #tpu.memory_space<hbm>> -> memref<62x128xi32, #tpu.memory_space<hbm>>
        %dma_wait3A_93 = arith.constant 0 : i32
        %dma_wait3A_94 = tpu.memref_slice %arg4[%add3A_15, %dma_wait3A_93] : memref<2618x128xi32, #tpu.memory_space<hbm>> -> memref<62x128xi32, #tpu.memory_space<hbm>>
        tpu.wait_dma2 semaphore(%run_scoped3A_86 : memref<!tpu.dma_semaphore, #tpu.memory_space<semaphore_mem>>) src(%dma_wait3A_94 : memref<62x128xi32, #tpu.memory_space<hbm>>) dst(%arg8 : memref<62x128xi32, #tpu.memory_space<vmem>>)
        tpu.yield
      }) : () -> ()
      %dma_start3A = arith.constant 0 : i32
      %dma_start3A_16 = arith.constant 0 : i32
      %dma_start3A_17 = tpu.memref_slice %arg7[%dma_start3A, %dma_start3A_16] : memref<62x128xi32, #tpu.memory_space<vmem>> -> memref<1x128xi32, #tpu.memory_space<vmem>>
      %dma_start3A_18 = tpu.memref_squeeze %dma_start3A_17 : memref<1x128xi32, #tpu.memory_space<vmem>> -> memref<128xi32, #tpu.memory_space<vmem>>
      %dma_start3A_19 = arith.constant 0 : i32
      %dma_start3A_20 = arith.constant 0 : i32
      %dma_start3A_21 = tpu.memref_slice %arg2[%dma_start3A_19, %dma_start3A_20] : memref<10000x128xf32, #tpu.memory_space<hbm>> -> memref<10000x128xf32, #tpu.memory_space<hbm>>
      tpu.enqueue_indirect_dma source(%dma_start3A_21 : memref<10000x128xf32, #tpu.memory_space<hbm>>) target(%arg9 : memref<128x128xf32, #tpu.memory_space<vmem>>) offsets(%dma_start3A_18 : memref<128xi32, #tpu.memory_space<vmem>>) semaphore(%arg12 : memref<!tpu.dma_semaphore, #tpu.memory_space<semaphore_mem>>)
      %scan3A = arith.constant 0 : i32
      %scan3A_22 = arith.constant 30 : i32
      %scan3A_23 = arith.addi %scan3A, %scan3A_22 : i32
      %scan3A_24 = arith.constant 1 : i32
      scf.for %scan3A_86 = %scan3A to %scan3A_23 step %scan3A_24  : i32 {
        %mul3A_87 = arith.constant 2 : i32
        %mul3A_88 = arith.muli %scan3A_86, %mul3A_87 : i32
        %add3A_89 = arith.constant 0 : i32
        %add3A_90 = arith.addi %add3A_89, %mul3A_88 : i32
        %add3A_91 = arith.constant 1 : i32
        %add3A_92 = arith.addi %add3A_90, %add3A_91 : i32
        %dma_start3A_93 = arith.constant 0 : i32
        %dma_start3A_94 = tpu.memref_slice %arg7[%add3A_92, %dma_start3A_93] : memref<62x128xi32, #tpu.memory_space<vmem>> -> memref<1x128xi32, #tpu.memory_space<vmem>>
        %dma_start3A_95 = tpu.memref_squeeze %dma_start3A_94 : memref<1x128xi32, #tpu.memory_space<vmem>> -> memref<128xi32, #tpu.memory_space<vmem>>
        %dma_start3A_96 = arith.constant 0 : i32
        %dma_start3A_97 = arith.constant 0 : i32
        %dma_start3A_98 = tpu.memref_slice %arg2[%dma_start3A_96, %dma_start3A_97] : memref<10000x128xf32, #tpu.memory_space<hbm>> -> memref<10000x128xf32, #tpu.memory_space<hbm>>
        tpu.enqueue_indirect_dma source(%dma_start3A_98 : memref<10000x128xf32, #tpu.memory_space<hbm>>) target(%arg10 : memref<128x128xf32, #tpu.memory_space<vmem>>) offsets(%dma_start3A_95 : memref<128xi32, #tpu.memory_space<vmem>>) semaphore(%arg13 : memref<!tpu.dma_semaphore, #tpu.memory_space<semaphore_mem>>)
        %dma_wait3A_99 = arith.constant 0 : i32
        %dma_wait3A_100 = arith.constant 0 : i32
        %dma_wait3A_101 = tpu.memref_slice %arg7[%dma_wait3A_99, %dma_wait3A_100] : memref<62x128xi32, #tpu.memory_space<vmem>> -> memref<1x128xi32, #tpu.memory_space<vmem>>
        %dma_wait3A_102 = tpu.memref_squeeze %dma_wait3A_101 : memref<1x128xi32, #tpu.memory_space<vmem>> -> memref<128xi32, #tpu.memory_space<vmem>>
        %dma_wait3A_103 = arith.constant 0 : i32
        %dma_wait3A_104 = arith.constant 0 : i32
        %dma_wait3A_105 = tpu.memref_slice %arg2[%dma_wait3A_103, %dma_wait3A_104] : memref<10000x128xf32, #tpu.memory_space<hbm>> -> memref<10000x128xf32, #tpu.memory_space<hbm>>
        tpu.wait_indirect_dma semaphore(%arg12 : memref<!tpu.dma_semaphore, #tpu.memory_space<semaphore_mem>>) src(%dma_wait3A_105 : memref<10000x128xf32, #tpu.memory_space<hbm>>) dst(%arg9 : memref<128x128xf32, #tpu.memory_space<vmem>>)
        "tpu.region"() ({
          %run_scoped3A_123 = tpu.sem_alloc : memref<!tpu.dma_semaphore, #tpu.memory_space<semaphore_mem>>
          %dma_start3A_124 = arith.constant 0 : i32
          %dma_start3A_125 = tpu.memref_slice %arg8[%add3A_90, %dma_start3A_124] : memref<62x128xi32, #tpu.memory_space<vmem>> -> memref<1x128xi32, #tpu.memory_space<vmem>>
          %dma_start3A_126 = tpu.memref_squeeze %dma_start3A_125 : memref<1x128xi32, #tpu.memory_space<vmem>> -> memref<128xi32, #tpu.memory_space<vmem>>
          %dma_start3A_127 = arith.constant 0 : i32
          %dma_start3A_128 = arith.constant 0 : i32
          %dma_start3A_129 = tpu.memref_slice %arg11[%dma_start3A_127, %dma_start3A_128] : memref<10112x128xf32, #tpu.memory_space<vmem_shared>> -> memref<10112x128xf32, #tpu.memory_space<vmem_shared>>
          tpu.enqueue_indirect_dma source(%arg9 : memref<128x128xf32, #tpu.memory_space<vmem>>) target(%dma_start3A_129 : memref<10112x128xf32, #tpu.memory_space<vmem_shared>>) offsets(%dma_start3A_126 : memref<128xi32, #tpu.memory_space<vmem>>) semaphore(%run_scoped3A_123 : memref<!tpu.dma_semaphore, #tpu.memory_space<semaphore_mem>>) {add = true}
          %dma_wait3A_130 = arith.constant 0 : i32
          %dma_wait3A_131 = tpu.memref_slice %arg8[%add3A_90, %dma_wait3A_130] : memref<62x128xi32, #tpu.memory_space<vmem>> -> memref<1x128xi32, #tpu.memory_space<vmem>>
          %dma_wait3A_132 = tpu.memref_squeeze %dma_wait3A_131 : memref<1x128xi32, #tpu.memory_space<vmem>> -> memref<128xi32, #tpu.memory_space<vmem>>
          %dma_wait3A_133 = arith.constant 0 : i32
          %dma_wait3A_134 = arith.constant 0 : i32
          %dma_wait3A_135 = tpu.memref_slice %arg11[%dma_wait3A_133, %dma_wait3A_134] : memref<10112x128xf32, #tpu.memory_space<vmem_shared>> -> memref<10112x128xf32, #tpu.memory_space<vmem_shared>>
          tpu.wait_indirect_dma semaphore(%run_scoped3A_123 : memref<!tpu.dma_semaphore, #tpu.memory_space<semaphore_mem>>) src(%arg9 : memref<128x128xf32, #tpu.memory_space<vmem>>) dst(%dma_wait3A_135 : memref<10112x128xf32, #tpu.memory_space<vmem_shared>>)
          tpu.yield
        }) : () -> ()
        %add3A_106 = arith.constant 2 : i32
        %add3A_107 = arith.addi %add3A_90, %add3A_106 : i32
        %dma_start3A_108 = arith.constant 0 : i32
        %dma_start3A_109 = tpu.memref_slice %arg7[%add3A_107, %dma_start3A_108] : memref<62x128xi32, #tpu.memory_space<vmem>> -> memref<1x128xi32, #tpu.memory_space<vmem>>
        %dma_start3A_110 = tpu.memref_squeeze %dma_start3A_109 : memref<1x128xi32, #tpu.memory_space<vmem>> -> memref<128xi32, #tpu.memory_space<vmem>>
        %dma_start3A_111 = arith.constant 0 : i32
        %dma_start3A_112 = arith.constant 0 : i32
        %dma_start3A_113 = tpu.memref_slice %arg2[%dma_start3A_111, %dma_start3A_112] : memref<10000x128xf32, #tpu.memory_space<hbm>> -> memref<10000x128xf32, #tpu.memory_space<hbm>>
        tpu.enqueue_indirect_dma source(%dma_start3A_113 : memref<10000x128xf32, #tpu.memory_space<hbm>>) target(%arg9 : memref<128x128xf32, #tpu.memory_space<vmem>>) offsets(%dma_start3A_110 : memref<128xi32, #tpu.memory_space<vmem>>) semaphore(%arg12 : memref<!tpu.dma_semaphore, #tpu.memory_space<semaphore_mem>>)
        %dma_wait3A_114 = arith.constant 0 : i32
        %dma_wait3A_115 = arith.constant 0 : i32
        %dma_wait3A_116 = tpu.memref_slice %arg7[%dma_wait3A_114, %dma_wait3A_115] : memref<62x128xi32, #tpu.memory_space<vmem>> -> memref<1x128xi32, #tpu.memory_space<vmem>>
        %dma_wait3A_117 = tpu.memref_squeeze %dma_wait3A_116 : memref<1x128xi32, #tpu.memory_space<vmem>> -> memref<128xi32, #tpu.memory_space<vmem>>
        %dma_wait3A_118 = arith.constant 0 : i32
        %dma_wait3A_119 = arith.constant 0 : i32
        %dma_wait3A_120 = tpu.memref_slice %arg2[%dma_wait3A_118, %dma_wait3A_119] : memref<10000x128xf32, #tpu.memory_space<hbm>> -> memref<10000x128xf32, #tpu.memory_space<hbm>>
        tpu.wait_indirect_dma semaphore(%arg13 : memref<!tpu.dma_semaphore, #tpu.memory_space<semaphore_mem>>) src(%dma_wait3A_120 : memref<10000x128xf32, #tpu.memory_space<hbm>>) dst(%arg10 : memref<128x128xf32, #tpu.memory_space<vmem>>)
        %add3A_121 = arith.constant 1 : i32
        %add3A_122 = arith.addi %add3A_90, %add3A_121 : i32
        "tpu.region"() ({
          %run_scoped3A_123 = tpu.sem_alloc : memref<!tpu.dma_semaphore, #tpu.memory_space<semaphore_mem>>
          %dma_start3A_124 = arith.constant 0 : i32
          %dma_start3A_125 = tpu.memref_slice %arg8[%add3A_122, %dma_start3A_124] : memref<62x128xi32, #tpu.memory_space<vmem>> -> memref<1x128xi32, #tpu.memory_space<vmem>>
          %dma_start3A_126 = tpu.memref_squeeze %dma_start3A_125 : memref<1x128xi32, #tpu.memory_space<vmem>> -> memref<128xi32, #tpu.memory_space<vmem>>
          %dma_start3A_127 = arith.constant 0 : i32
          %dma_start3A_128 = arith.constant 0 : i32
          %dma_start3A_129 = tpu.memref_slice %arg11[%dma_start3A_127, %dma_start3A_128] : memref<10112x128xf32, #tpu.memory_space<vmem_shared>> -> memref<10112x128xf32, #tpu.memory_space<vmem_shared>>
          tpu.enqueue_indirect_dma source(%arg10 : memref<128x128xf32, #tpu.memory_space<vmem>>) target(%dma_start3A_129 : memref<10112x128xf32, #tpu.memory_space<vmem_shared>>) offsets(%dma_start3A_126 : memref<128xi32, #tpu.memory_space<vmem>>) semaphore(%run_scoped3A_123 : memref<!tpu.dma_semaphore, #tpu.memory_space<semaphore_mem>>) {add = true}
          %dma_wait3A_130 = arith.constant 0 : i32
          %dma_wait3A_131 = tpu.memref_slice %arg8[%add3A_122, %dma_wait3A_130] : memref<62x128xi32, #tpu.memory_space<vmem>> -> memref<1x128xi32, #tpu.memory_space<vmem>>
          %dma_wait3A_132 = tpu.memref_squeeze %dma_wait3A_131 : memref<1x128xi32, #tpu.memory_space<vmem>> -> memref<128xi32, #tpu.memory_space<vmem>>
          %dma_wait3A_133 = arith.constant 0 : i32
          %dma_wait3A_134 = arith.constant 0 : i32
          %dma_wait3A_135 = tpu.memref_slice %arg11[%dma_wait3A_133, %dma_wait3A_134] : memref<10112x128xf32, #tpu.memory_space<vmem_shared>> -> memref<10112x128xf32, #tpu.memory_space<vmem_shared>>
          tpu.wait_indirect_dma semaphore(%run_scoped3A_123 : memref<!tpu.dma_semaphore, #tpu.memory_space<semaphore_mem>>) src(%arg10 : memref<128x128xf32, #tpu.memory_space<vmem>>) dst(%dma_wait3A_135 : memref<10112x128xf32, #tpu.memory_space<vmem_shared>>)
          tpu.yield
        }) : () -> ()
      }
      %scan3A_25 = arith.constant 30 : i32
      %dma_start3A_26 = arith.constant 61 : i32
      %dma_start3A_27 = arith.constant 0 : i32
      %dma_start3A_28 = tpu.memref_slice %arg7[%dma_start3A_26, %dma_start3A_27] : memref<62x128xi32, #tpu.memory_space<vmem>> -> memref<1x128xi32, #tpu.memory_space<vmem>>
      %dma_start3A_29 = tpu.memref_squeeze %dma_start3A_28 : memref<1x128xi32, #tpu.memory_space<vmem>> -> memref<128xi32, #tpu.memory_space<vmem>>
      %dma_start3A_30 = arith.constant 0 : i32
      %dma_start3A_31 = arith.constant 0 : i32
      %dma_start3A_32 = tpu.memref_slice %arg2[%dma_start3A_30, %dma_start3A_31] : memref<10000x128xf32, #tpu.memory_space<hbm>> -> memref<10000x128xf32, #tpu.memory_space<hbm>>
      tpu.enqueue_indirect_dma source(%dma_start3A_32 : memref<10000x128xf32, #tpu.memory_space<hbm>>) target(%arg10 : memref<128x128xf32, #tpu.memory_space<vmem>>) offsets(%dma_start3A_29 : memref<128xi32, #tpu.memory_space<vmem>>) semaphore(%arg13 : memref<!tpu.dma_semaphore, #tpu.memory_space<semaphore_mem>>)
      %dma_wait3A = arith.constant 0 : i32
      %dma_wait3A_33 = arith.constant 0 : i32
      %dma_wait3A_34 = tpu.memref_slice %arg7[%dma_wait3A, %dma_wait3A_33] : memref<62x128xi32, #tpu.memory_space<vmem>> -> memref<1x128xi32, #tpu.memory_space<vmem>>
      %dma_wait3A_35 = tpu.memref_squeeze %dma_wait3A_34 : memref<1x128xi32, #tpu.memory_space<vmem>> -> memref<128xi32, #tpu.memory_space<vmem>>
      %dma_wait3A_36 = arith.constant 0 : i32
      %dma_wait3A_37 = arith.constant 0 : i32
      %dma_wait3A_38 = tpu.memref_slice %arg2[%dma_wait3A_36, %dma_wait3A_37] : memref<10000x128xf32, #tpu.memory_space<hbm>> -> memref<10000x128xf32, #tpu.memory_space<hbm>>
      tpu.wait_indirect_dma semaphore(%arg12 : memref<!tpu.dma_semaphore, #tpu.memory_space<semaphore_mem>>) src(%dma_wait3A_38 : memref<10000x128xf32, #tpu.memory_space<hbm>>) dst(%arg9 : memref<128x128xf32, #tpu.memory_space<vmem>>)
      %run_scoped3A = arith.constant 60 : i32
      "tpu.region"() ({
        %run_scoped3A_86 = tpu.sem_alloc : memref<!tpu.dma_semaphore, #tpu.memory_space<semaphore_mem>>
        %dma_start3A_87 = arith.constant 0 : i32
        %dma_start3A_88 = tpu.memref_slice %arg8[%run_scoped3A, %dma_start3A_87] : memref<62x128xi32, #tpu.memory_space<vmem>> -> memref<1x128xi32, #tpu.memory_space<vmem>>
        %dma_start3A_89 = tpu.memref_squeeze %dma_start3A_88 : memref<1x128xi32, #tpu.memory_space<vmem>> -> memref<128xi32, #tpu.memory_space<vmem>>
        %dma_start3A_90 = arith.constant 0 : i32
        %dma_start3A_91 = arith.constant 0 : i32
        %dma_start3A_92 = tpu.memref_slice %arg11[%dma_start3A_90, %dma_start3A_91] : memref<10112x128xf32, #tpu.memory_space<vmem_shared>> -> memref<10112x128xf32, #tpu.memory_space<vmem_shared>>
        tpu.enqueue_indirect_dma source(%arg9 : memref<128x128xf32, #tpu.memory_space<vmem>>) target(%dma_start3A_92 : memref<10112x128xf32, #tpu.memory_space<vmem_shared>>) offsets(%dma_start3A_89 : memref<128xi32, #tpu.memory_space<vmem>>) semaphore(%run_scoped3A_86 : memref<!tpu.dma_semaphore, #tpu.memory_space<semaphore_mem>>) {add = true}
        %dma_wait3A_93 = arith.constant 0 : i32
        %dma_wait3A_94 = tpu.memref_slice %arg8[%run_scoped3A, %dma_wait3A_93] : memref<62x128xi32, #tpu.memory_space<vmem>> -> memref<1x128xi32, #tpu.memory_space<vmem>>
        %dma_wait3A_95 = tpu.memref_squeeze %dma_wait3A_94 : memref<1x128xi32, #tpu.memory_space<vmem>> -> memref<128xi32, #tpu.memory_space<vmem>>
        %dma_wait3A_96 = arith.constant 0 : i32
        %dma_wait3A_97 = arith.constant 0 : i32
        %dma_wait3A_98 = tpu.memref_slice %arg11[%dma_wait3A_96, %dma_wait3A_97] : memref<10112x128xf32, #tpu.memory_space<vmem_shared>> -> memref<10112x128xf32, #tpu.memory_space<vmem_shared>>
        tpu.wait_indirect_dma semaphore(%run_scoped3A_86 : memref<!tpu.dma_semaphore, #tpu.memory_space<semaphore_mem>>) src(%arg9 : memref<128x128xf32, #tpu.memory_space<vmem>>) dst(%dma_wait3A_98 : memref<10112x128xf32, #tpu.memory_space<vmem_shared>>)
        tpu.yield
      }) : () -> ()
      %dma_wait3A_39 = arith.constant 0 : i32
      %dma_wait3A_40 = arith.constant 0 : i32
      %dma_wait3A_41 = tpu.memref_slice %arg7[%dma_wait3A_39, %dma_wait3A_40] : memref<62x128xi32, #tpu.memory_space<vmem>> -> memref<1x128xi32, #tpu.memory_space<vmem>>
      %dma_wait3A_42 = tpu.memref_squeeze %dma_wait3A_41 : memref<1x128xi32, #tpu.memory_space<vmem>> -> memref<128xi32, #tpu.memory_space<vmem>>
      %dma_wait3A_43 = arith.constant 0 : i32
      %dma_wait3A_44 = arith.constant 0 : i32
      %dma_wait3A_45 = tpu.memref_slice %arg2[%dma_wait3A_43, %dma_wait3A_44] : memref<10000x128xf32, #tpu.memory_space<hbm>> -> memref<10000x128xf32, #tpu.memory_space<hbm>>
      tpu.wait_indirect_dma semaphore(%arg13 : memref<!tpu.dma_semaphore, #tpu.memory_space<semaphore_mem>>) src(%dma_wait3A_45 : memref<10000x128xf32, #tpu.memory_space<hbm>>) dst(%arg10 : memref<128x128xf32, #tpu.memory_space<vmem>>)
      %run_scoped3A_46 = arith.constant 61 : i32
      "tpu.region"() ({
        %run_scoped3A_86 = tpu.sem_alloc : memref<!tpu.dma_semaphore, #tpu.memory_space<semaphore_mem>>
        %dma_start3A_87 = arith.constant 0 : i32
        %dma_start3A_88 = tpu.memref_slice %arg8[%run_scoped3A_46, %dma_start3A_87] : memref<62x128xi32, #tpu.memory_space<vmem>> -> memref<1x128xi32, #tpu.memory_space<vmem>>
        %dma_start3A_89 = tpu.memref_squeeze %dma_start3A_88 : memref<1x128xi32, #tpu.memory_space<vmem>> -> memref<128xi32, #tpu.memory_space<vmem>>
        %dma_start3A_90 = arith.constant 0 : i32
        %dma_start3A_91 = arith.constant 0 : i32
        %dma_start3A_92 = tpu.memref_slice %arg11[%dma_start3A_90, %dma_start3A_91] : memref<10112x128xf32, #tpu.memory_space<vmem_shared>> -> memref<10112x128xf32, #tpu.memory_space<vmem_shared>>
        tpu.enqueue_indirect_dma source(%arg10 : memref<128x128xf32, #tpu.memory_space<vmem>>) target(%dma_start3A_92 : memref<10112x128xf32, #tpu.memory_space<vmem_shared>>) offsets(%dma_start3A_89 : memref<128xi32, #tpu.memory_space<vmem>>) semaphore(%run_scoped3A_86 : memref<!tpu.dma_semaphore, #tpu.memory_space<semaphore_mem>>) {add = true}
        %dma_wait3A_93 = arith.constant 0 : i32
        %dma_wait3A_94 = tpu.memref_slice %arg8[%run_scoped3A_46, %dma_wait3A_93] : memref<62x128xi32, #tpu.memory_space<vmem>> -> memref<1x128xi32, #tpu.memory_space<vmem>>
        %dma_wait3A_95 = tpu.memref_squeeze %dma_wait3A_94 : memref<1x128xi32, #tpu.memory_space<vmem>> -> memref<128xi32, #tpu.memory_space<vmem>>
        %dma_wait3A_96 = arith.constant 0 : i32
        %dma_wait3A_97 = arith.constant 0 : i32
        %dma_wait3A_98 = tpu.memref_slice %arg11[%dma_wait3A_96, %dma_wait3A_97] : memref<10112x128xf32, #tpu.memory_space<vmem_shared>> -> memref<10112x128xf32, #tpu.memory_space<vmem_shared>>
        tpu.wait_indirect_dma semaphore(%run_scoped3A_86 : memref<!tpu.dma_semaphore, #tpu.memory_space<semaphore_mem>>) src(%arg10 : memref<128x128xf32, #tpu.memory_space<vmem>>) dst(%dma_wait3A_98 : memref<10112x128xf32, #tpu.memory_space<vmem_shared>>)
        tpu.yield
      }) : () -> ()
      %mul3A_47 = arith.constant 124 : i32
      %mul3A_48 = arith.muli %arg1, %mul3A_47 : i32
      %add3A_49 = arith.constant 62 : i32
      %add3A_50 = arith.addi %mul3A_48, %add3A_49 : i32
      "tpu.region"() ({
        %run_scoped3A_86 = tpu.sem_alloc : memref<!tpu.dma_semaphore, #tpu.memory_space<semaphore_mem>>
        %dma_start3A_87 = arith.constant 0 : i32
        %dma_start3A_88 = tpu.memref_slice %arg3[%add3A_50, %dma_start3A_87] : memref<2618x128xi32, #tpu.memory_space<hbm>> -> memref<62x128xi32, #tpu.memory_space<hbm>>
        %dma_start3A_89 = arith.constant 0 : i32
        %dma_start3A_90 = tpu.memref_slice %arg3[%add3A_50, %dma_start3A_89] : memref<2618x128xi32, #tpu.memory_space<hbm>> -> memref<62x128xi32, #tpu.memory_space<hbm>>
        tpu.enqueue_dma source(%dma_start3A_90 : memref<62x128xi32, #tpu.memory_space<hbm>>) target(%arg7 : memref<62x128xi32, #tpu.memory_space<vmem>>) target_semaphore(%run_scoped3A_86 : memref<!tpu.dma_semaphore, #tpu.memory_space<semaphore_mem>>)
        %dma_wait3A_91 = arith.constant 0 : i32
        %dma_wait3A_92 = tpu.memref_slice %arg3[%add3A_50, %dma_wait3A_91] : memref<2618x128xi32, #tpu.memory_space<hbm>> -> memref<62x128xi32, #tpu.memory_space<hbm>>
        %dma_wait3A_93 = arith.constant 0 : i32
        %dma_wait3A_94 = tpu.memref_slice %arg3[%add3A_50, %dma_wait3A_93] : memref<2618x128xi32, #tpu.memory_space<hbm>> -> memref<62x128xi32, #tpu.memory_space<hbm>>
        tpu.wait_dma2 semaphore(%run_scoped3A_86 : memref<!tpu.dma_semaphore, #tpu.memory_space<semaphore_mem>>) src(%dma_wait3A_94 : memref<62x128xi32, #tpu.memory_space<hbm>>) dst(%arg7 : memref<62x128xi32, #tpu.memory_space<vmem>>)
        tpu.yield
      }) : () -> ()
      "tpu.region"() ({
        %run_scoped3A_86 = tpu.sem_alloc : memref<!tpu.dma_semaphore, #tpu.memory_space<semaphore_mem>>
        %dma_start3A_87 = arith.constant 0 : i32
        %dma_start3A_88 = tpu.memref_slice %arg4[%add3A_50, %dma_start3A_87] : memref<2618x128xi32, #tpu.memory_space<hbm>> -> memref<62x128xi32, #tpu.memory_space<hbm>>
        %dma_start3A_89 = arith.constant 0 : i32
        %dma_start3A_90 = tpu.memref_slice %arg4[%add3A_50, %dma_start3A_89] : memref<2618x128xi32, #tpu.memory_space<hbm>> -> memref<62x128xi32, #tpu.memory_space<hbm>>
        tpu.enqueue_dma source(%dma_start3A_90 : memref<62x128xi32, #tpu.memory_space<hbm>>) target(%arg8 : memref<62x128xi32, #tpu.memory_space<vmem>>) target_semaphore(%run_scoped3A_86 : memref<!tpu.dma_semaphore, #tpu.memory_space<semaphore_mem>>)
        %dma_wait3A_91 = arith.constant 0 : i32
        %dma_wait3A_92 = tpu.memref_slice %arg4[%add3A_50, %dma_wait3A_91] : memref<2618x128xi32, #tpu.memory_space<hbm>> -> memref<62x128xi32, #tpu.memory_space<hbm>>
        %dma_wait3A_93 = arith.constant 0 : i32
        %dma_wait3A_94 = tpu.memref_slice %arg4[%add3A_50, %dma_wait3A_93] : memref<2618x128xi32, #tpu.memory_space<hbm>> -> memref<62x128xi32, #tpu.memory_space<hbm>>
        tpu.wait_dma2 semaphore(%run_scoped3A_86 : memref<!tpu.dma_semaphore, #tpu.memory_space<semaphore_mem>>) src(%dma_wait3A_94 : memref<62x128xi32, #tpu.memory_space<hbm>>) dst(%arg8 : memref<62x128xi32, #tpu.memory_space<vmem>>)
        tpu.yield
      }) : () -> ()
      %dma_start3A_51 = arith.constant 0 : i32
      %dma_start3A_52 = arith.constant 0 : i32
      %dma_start3A_53 = tpu.memref_slice %arg7[%dma_start3A_51, %dma_start3A_52] : memref<62x128xi32, #tpu.memory_space<vmem>> -> memref<1x128xi32, #tpu.memory_space<vmem>>
      %dma_start3A_54 = tpu.memref_squeeze %dma_start3A_53 : memref<1x128xi32, #tpu.memory_space<vmem>> -> memref<128xi32, #tpu.memory_space<vmem>>
      %dma_start3A_55 = arith.constant 0 : i32
      %dma_start3A_56 = arith.constant 0 : i32
      %dma_start3A_57 = tpu.memref_slice %arg2[%dma_start3A_55, %dma_start3A_56] : memref<10000x128xf32, #tpu.memory_space<hbm>> -> memref<10000x128xf32, #tpu.memory_space<hbm>>
      tpu.enqueue_indirect_dma source(%dma_start3A_57 : memref<10000x128xf32, #tpu.memory_space<hbm>>) target(%arg9 : memref<128x128xf32, #tpu.memory_space<vmem>>) offsets(%dma_start3A_54 : memref<128xi32, #tpu.memory_space<vmem>>) semaphore(%arg12 : memref<!tpu.dma_semaphore, #tpu.memory_space<semaphore_mem>>)
      %scan3A_58 = arith.constant 0 : i32
      %scan3A_59 = arith.constant 30 : i32
      %scan3A_60 = arith.addi %scan3A_58, %scan3A_59 : i32
      %scan3A_61 = arith.constant 1 : i32
      scf.for %scan3A_86 = %scan3A_58 to %scan3A_60 step %scan3A_61  : i32 {
        %mul3A_87 = arith.constant 2 : i32
        %mul3A_88 = arith.muli %scan3A_86, %mul3A_87 : i32
        %add3A_89 = arith.constant 0 : i32
        %add3A_90 = arith.addi %add3A_89, %mul3A_88 : i32
        %add3A_91 = arith.constant 1 : i32
        %add3A_92 = arith.addi %add3A_90, %add3A_91 : i32
        %dma_start3A_93 = arith.constant 0 : i32
        %dma_start3A_94 = tpu.memref_slice %arg7[%add3A_92, %dma_start3A_93] : memref<62x128xi32, #tpu.memory_space<vmem>> -> memref<1x128xi32, #tpu.memory_space<vmem>>
        %dma_start3A_95 = tpu.memref_squeeze %dma_start3A_94 : memref<1x128xi32, #tpu.memory_space<vmem>> -> memref<128xi32, #tpu.memory_space<vmem>>
        %dma_start3A_96 = arith.constant 0 : i32
        %dma_start3A_97 = arith.constant 0 : i32
        %dma_start3A_98 = tpu.memref_slice %arg2[%dma_start3A_96, %dma_start3A_97] : memref<10000x128xf32, #tpu.memory_space<hbm>> -> memref<10000x128xf32, #tpu.memory_space<hbm>>
        tpu.enqueue_indirect_dma source(%dma_start3A_98 : memref<10000x128xf32, #tpu.memory_space<hbm>>) target(%arg10 : memref<128x128xf32, #tpu.memory_space<vmem>>) offsets(%dma_start3A_95 : memref<128xi32, #tpu.memory_space<vmem>>) semaphore(%arg13 : memref<!tpu.dma_semaphore, #tpu.memory_space<semaphore_mem>>)
        %dma_wait3A_99 = arith.constant 0 : i32
        %dma_wait3A_100 = arith.constant 0 : i32
        %dma_wait3A_101 = tpu.memref_slice %arg7[%dma_wait3A_99, %dma_wait3A_100] : memref<62x128xi32, #tpu.memory_space<vmem>> -> memref<1x128xi32, #tpu.memory_space<vmem>>
        %dma_wait3A_102 = tpu.memref_squeeze %dma_wait3A_101 : memref<1x128xi32, #tpu.memory_space<vmem>> -> memref<128xi32, #tpu.memory_space<vmem>>
        %dma_wait3A_103 = arith.constant 0 : i32
        %dma_wait3A_104 = arith.constant 0 : i32
        %dma_wait3A_105 = tpu.memref_slice %arg2[%dma_wait3A_103, %dma_wait3A_104] : memref<10000x128xf32, #tpu.memory_space<hbm>> -> memref<10000x128xf32, #tpu.memory_space<hbm>>
        tpu.wait_indirect_dma semaphore(%arg12 : memref<!tpu.dma_semaphore, #tpu.memory_space<semaphore_mem>>) src(%dma_wait3A_105 : memref<10000x128xf32, #tpu.memory_space<hbm>>) dst(%arg9 : memref<128x128xf32, #tpu.memory_space<vmem>>)
        "tpu.region"() ({
          %run_scoped3A_123 = tpu.sem_alloc : memref<!tpu.dma_semaphore, #tpu.memory_space<semaphore_mem>>
          %dma_start3A_124 = arith.constant 0 : i32
          %dma_start3A_125 = tpu.memref_slice %arg8[%add3A_90, %dma_start3A_124] : memref<62x128xi32, #tpu.memory_space<vmem>> -> memref<1x128xi32, #tpu.memory_space<vmem>>
          %dma_start3A_126 = tpu.memref_squeeze %dma_start3A_125 : memref<1x128xi32, #tpu.memory_space<vmem>> -> memref<128xi32, #tpu.memory_space<vmem>>
          %dma_start3A_127 = arith.constant 0 : i32
          %dma_start3A_128 = arith.constant 0 : i32
          %dma_start3A_129 = tpu.memref_slice %arg11[%dma_start3A_127, %dma_start3A_128] : memref<10112x128xf32, #tpu.memory_space<vmem_shared>> -> memref<10112x128xf32, #tpu.memory_space<vmem_shared>>
          tpu.enqueue_indirect_dma source(%arg9 : memref<128x128xf32, #tpu.memory_space<vmem>>) target(%dma_start3A_129 : memref<10112x128xf32, #tpu.memory_space<vmem_shared>>) offsets(%dma_start3A_126 : memref<128xi32, #tpu.memory_space<vmem>>) semaphore(%run_scoped3A_123 : memref<!tpu.dma_semaphore, #tpu.memory_space<semaphore_mem>>) {add = true}
          %dma_wait3A_130 = arith.constant 0 : i32
          %dma_wait3A_131 = tpu.memref_slice %arg8[%add3A_90, %dma_wait3A_130] : memref<62x128xi32, #tpu.memory_space<vmem>> -> memref<1x128xi32, #tpu.memory_space<vmem>>
          %dma_wait3A_132 = tpu.memref_squeeze %dma_wait3A_131 : memref<1x128xi32, #tpu.memory_space<vmem>> -> memref<128xi32, #tpu.memory_space<vmem>>
          %dma_wait3A_133 = arith.constant 0 : i32
          %dma_wait3A_134 = arith.constant 0 : i32
          %dma_wait3A_135 = tpu.memref_slice %arg11[%dma_wait3A_133, %dma_wait3A_134] : memref<10112x128xf32, #tpu.memory_space<vmem_shared>> -> memref<10112x128xf32, #tpu.memory_space<vmem_shared>>
          tpu.wait_indirect_dma semaphore(%run_scoped3A_123 : memref<!tpu.dma_semaphore, #tpu.memory_space<semaphore_mem>>) src(%arg9 : memref<128x128xf32, #tpu.memory_space<vmem>>) dst(%dma_wait3A_135 : memref<10112x128xf32, #tpu.memory_space<vmem_shared>>)
          tpu.yield
        }) : () -> ()
        %add3A_106 = arith.constant 2 : i32
        %add3A_107 = arith.addi %add3A_90, %add3A_106 : i32
        %dma_start3A_108 = arith.constant 0 : i32
        %dma_start3A_109 = tpu.memref_slice %arg7[%add3A_107, %dma_start3A_108] : memref<62x128xi32, #tpu.memory_space<vmem>> -> memref<1x128xi32, #tpu.memory_space<vmem>>
        %dma_start3A_110 = tpu.memref_squeeze %dma_start3A_109 : memref<1x128xi32, #tpu.memory_space<vmem>> -> memref<128xi32, #tpu.memory_space<vmem>>
        %dma_start3A_111 = arith.constant 0 : i32
        %dma_start3A_112 = arith.constant 0 : i32
        %dma_start3A_113 = tpu.memref_slice %arg2[%dma_start3A_111, %dma_start3A_112] : memref<10000x128xf32, #tpu.memory_space<hbm>> -> memref<10000x128xf32, #tpu.memory_space<hbm>>
        tpu.enqueue_indirect_dma source(%dma_start3A_113 : memref<10000x128xf32, #tpu.memory_space<hbm>>) target(%arg9 : memref<128x128xf32, #tpu.memory_space<vmem>>) offsets(%dma_start3A_110 : memref<128xi32, #tpu.memory_space<vmem>>) semaphore(%arg12 : memref<!tpu.dma_semaphore, #tpu.memory_space<semaphore_mem>>)
        %dma_wait3A_114 = arith.constant 0 : i32
        %dma_wait3A_115 = arith.constant 0 : i32
        %dma_wait3A_116 = tpu.memref_slice %arg7[%dma_wait3A_114, %dma_wait3A_115] : memref<62x128xi32, #tpu.memory_space<vmem>> -> memref<1x128xi32, #tpu.memory_space<vmem>>
        %dma_wait3A_117 = tpu.memref_squeeze %dma_wait3A_116 : memref<1x128xi32, #tpu.memory_space<vmem>> -> memref<128xi32, #tpu.memory_space<vmem>>
        %dma_wait3A_118 = arith.constant 0 : i32
        %dma_wait3A_119 = arith.constant 0 : i32
        %dma_wait3A_120 = tpu.memref_slice %arg2[%dma_wait3A_118, %dma_wait3A_119] : memref<10000x128xf32, #tpu.memory_space<hbm>> -> memref<10000x128xf32, #tpu.memory_space<hbm>>
        tpu.wait_indirect_dma semaphore(%arg13 : memref<!tpu.dma_semaphore, #tpu.memory_space<semaphore_mem>>) src(%dma_wait3A_120 : memref<10000x128xf32, #tpu.memory_space<hbm>>) dst(%arg10 : memref<128x128xf32, #tpu.memory_space<vmem>>)
        %add3A_121 = arith.constant 1 : i32
        %add3A_122 = arith.addi %add3A_90, %add3A_121 : i32
        "tpu.region"() ({
          %run_scoped3A_123 = tpu.sem_alloc : memref<!tpu.dma_semaphore, #tpu.memory_space<semaphore_mem>>
          %dma_start3A_124 = arith.constant 0 : i32
          %dma_start3A_125 = tpu.memref_slice %arg8[%add3A_122, %dma_start3A_124] : memref<62x128xi32, #tpu.memory_space<vmem>> -> memref<1x128xi32, #tpu.memory_space<vmem>>
          %dma_start3A_126 = tpu.memref_squeeze %dma_start3A_125 : memref<1x128xi32, #tpu.memory_space<vmem>> -> memref<128xi32, #tpu.memory_space<vmem>>
          %dma_start3A_127 = arith.constant 0 : i32
          %dma_start3A_128 = arith.constant 0 : i32
          %dma_start3A_129 = tpu.memref_slice %arg11[%dma_start3A_127, %dma_start3A_128] : memref<10112x128xf32, #tpu.memory_space<vmem_shared>> -> memref<10112x128xf32, #tpu.memory_space<vmem_shared>>
          tpu.enqueue_indirect_dma source(%arg10 : memref<128x128xf32, #tpu.memory_space<vmem>>) target(%dma_start3A_129 : memref<10112x128xf32, #tpu.memory_space<vmem_shared>>) offsets(%dma_start3A_126 : memref<128xi32, #tpu.memory_space<vmem>>) semaphore(%run_scoped3A_123 : memref<!tpu.dma_semaphore, #tpu.memory_space<semaphore_mem>>) {add = true}
          %dma_wait3A_130 = arith.constant 0 : i32
          %dma_wait3A_131 = tpu.memref_slice %arg8[%add3A_122, %dma_wait3A_130] : memref<62x128xi32, #tpu.memory_space<vmem>> -> memref<1x128xi32, #tpu.memory_space<vmem>>
          %dma_wait3A_132 = tpu.memref_squeeze %dma_wait3A_131 : memref<1x128xi32, #tpu.memory_space<vmem>> -> memref<128xi32, #tpu.memory_space<vmem>>
          %dma_wait3A_133 = arith.constant 0 : i32
          %dma_wait3A_134 = arith.constant 0 : i32
          %dma_wait3A_135 = tpu.memref_slice %arg11[%dma_wait3A_133, %dma_wait3A_134] : memref<10112x128xf32, #tpu.memory_space<vmem_shared>> -> memref<10112x128xf32, #tpu.memory_space<vmem_shared>>
          tpu.wait_indirect_dma semaphore(%run_scoped3A_123 : memref<!tpu.dma_semaphore, #tpu.memory_space<semaphore_mem>>) src(%arg10 : memref<128x128xf32, #tpu.memory_space<vmem>>) dst(%dma_wait3A_135 : memref<10112x128xf32, #tpu.memory_space<vmem_shared>>)
          tpu.yield
        }) : () -> ()
      }
      %scan3A_62 = arith.constant 30 : i32
      %dma_start3A_63 = arith.constant 61 : i32
      %dma_start3A_64 = arith.constant 0 : i32
      %dma_start3A_65 = tpu.memref_slice %arg7[%dma_start3A_63, %dma_start3A_64] : memref<62x128xi32, #tpu.memory_space<vmem>> -> memref<1x128xi32, #tpu.memory_space<vmem>>
      %dma_start3A_66 = tpu.memref_squeeze %dma_start3A_65 : memref<1x128xi32, #tpu.memory_space<vmem>> -> memref<128xi32, #tpu.memory_space<vmem>>
      %dma_start3A_67 = arith.constant 0 : i32
      %dma_start3A_68 = arith.constant 0 : i32
      %dma_start3A_69 = tpu.memref_slice %arg2[%dma_start3A_67, %dma_start3A_68] : memref<10000x128xf32, #tpu.memory_space<hbm>> -> memref<10000x128xf32, #tpu.memory_space<hbm>>
      tpu.enqueue_indirect_dma source(%dma_start3A_69 : memref<10000x128xf32, #tpu.memory_space<hbm>>) target(%arg10 : memref<128x128xf32, #tpu.memory_space<vmem>>) offsets(%dma_start3A_66 : memref<128xi32, #tpu.memory_space<vmem>>) semaphore(%arg13 : memref<!tpu.dma_semaphore, #tpu.memory_space<semaphore_mem>>)
      %dma_wait3A_70 = arith.constant 0 : i32
      %dma_wait3A_71 = arith.constant 0 : i32
      %dma_wait3A_72 = tpu.memref_slice %arg7[%dma_wait3A_70, %dma_wait3A_71] : memref<62x128xi32, #tpu.memory_space<vmem>> -> memref<1x128xi32, #tpu.memory_space<vmem>>
      %dma_wait3A_73 = tpu.memref_squeeze %dma_wait3A_72 : memref<1x128xi32, #tpu.memory_space<vmem>> -> memref<128xi32, #tpu.memory_space<vmem>>
      %dma_wait3A_74 = arith.constant 0 : i32
      %dma_wait3A_75 = arith.constant 0 : i32
      %dma_wait3A_76 = tpu.memref_slice %arg2[%dma_wait3A_74, %dma_wait3A_75] : memref<10000x128xf32, #tpu.memory_space<hbm>> -> memref<10000x128xf32, #tpu.memory_space<hbm>>
      tpu.wait_indirect_dma semaphore(%arg12 : memref<!tpu.dma_semaphore, #tpu.memory_space<semaphore_mem>>) src(%dma_wait3A_76 : memref<10000x128xf32, #tpu.memory_space<hbm>>) dst(%arg9 : memref<128x128xf32, #tpu.memory_space<vmem>>)
      %run_scoped3A_77 = arith.constant 60 : i32
      "tpu.region"() ({
        %run_scoped3A_86 = tpu.sem_alloc : memref<!tpu.dma_semaphore, #tpu.memory_space<semaphore_mem>>
        %dma_start3A_87 = arith.constant 0 : i32
        %dma_start3A_88 = tpu.memref_slice %arg8[%run_scoped3A_77, %dma_start3A_87] : memref<62x128xi32, #tpu.memory_space<vmem>> -> memref<1x128xi32, #tpu.memory_space<vmem>>
        %dma_start3A_89 = tpu.memref_squeeze %dma_start3A_88 : memref<1x128xi32, #tpu.memory_space<vmem>> -> memref<128xi32, #tpu.memory_space<vmem>>
        %dma_start3A_90 = arith.constant 0 : i32
        %dma_start3A_91 = arith.constant 0 : i32
        %dma_start3A_92 = tpu.memref_slice %arg11[%dma_start3A_90, %dma_start3A_91] : memref<10112x128xf32, #tpu.memory_space<vmem_shared>> -> memref<10112x128xf32, #tpu.memory_space<vmem_shared>>
        tpu.enqueue_indirect_dma source(%arg9 : memref<128x128xf32, #tpu.memory_space<vmem>>) target(%dma_start3A_92 : memref<10112x128xf32, #tpu.memory_space<vmem_shared>>) offsets(%dma_start3A_89 : memref<128xi32, #tpu.memory_space<vmem>>) semaphore(%run_scoped3A_86 : memref<!tpu.dma_semaphore, #tpu.memory_space<semaphore_mem>>) {add = true}
        %dma_wait3A_93 = arith.constant 0 : i32
        %dma_wait3A_94 = tpu.memref_slice %arg8[%run_scoped3A_77, %dma_wait3A_93] : memref<62x128xi32, #tpu.memory_space<vmem>> -> memref<1x128xi32, #tpu.memory_space<vmem>>
        %dma_wait3A_95 = tpu.memref_squeeze %dma_wait3A_94 : memref<1x128xi32, #tpu.memory_space<vmem>> -> memref<128xi32, #tpu.memory_space<vmem>>
        %dma_wait3A_96 = arith.constant 0 : i32
        %dma_wait3A_97 = arith.constant 0 : i32
        %dma_wait3A_98 = tpu.memref_slice %arg11[%dma_wait3A_96, %dma_wait3A_97] : memref<10112x128xf32, #tpu.memory_space<vmem_shared>> -> memref<10112x128xf32, #tpu.memory_space<vmem_shared>>
        tpu.wait_indirect_dma semaphore(%run_scoped3A_86 : memref<!tpu.dma_semaphore, #tpu.memory_space<semaphore_mem>>) src(%arg9 : memref<128x128xf32, #tpu.memory_space<vmem>>) dst(%dma_wait3A_98 : memref<10112x128xf32, #tpu.memory_space<vmem_shared>>)
        tpu.yield
      }) : () -> ()
      %dma_wait3A_78 = arith.constant 0 : i32
      %dma_wait3A_79 = arith.constant 0 : i32
      %dma_wait3A_80 = tpu.memref_slice %arg7[%dma_wait3A_78, %dma_wait3A_79] : memref<62x128xi32, #tpu.memory_space<vmem>> -> memref<1x128xi32, #tpu.memory_space<vmem>>
      %dma_wait3A_81 = tpu.memref_squeeze %dma_wait3A_80 : memref<1x128xi32, #tpu.memory_space<vmem>> -> memref<128xi32, #tpu.memory_space<vmem>>
      %dma_wait3A_82 = arith.constant 0 : i32
      %dma_wait3A_83 = arith.constant 0 : i32
      %dma_wait3A_84 = tpu.memref_slice %arg2[%dma_wait3A_82, %dma_wait3A_83] : memref<10000x128xf32, #tpu.memory_space<hbm>> -> memref<10000x128xf32, #tpu.memory_space<hbm>>
      tpu.wait_indirect_dma semaphore(%arg13 : memref<!tpu.dma_semaphore, #tpu.memory_space<semaphore_mem>>) src(%dma_wait3A_84 : memref<10000x128xf32, #tpu.memory_space<hbm>>) dst(%arg10 : memref<128x128xf32, #tpu.memory_space<vmem>>)
      %run_scoped3A_85 = arith.constant 61 : i32
      "tpu.region"() ({
        %run_scoped3A_86 = tpu.sem_alloc : memref<!tpu.dma_semaphore, #tpu.memory_space<semaphore_mem>>
        %dma_start3A_87 = arith.constant 0 : i32
        %dma_start3A_88 = tpu.memref_slice %arg8[%run_scoped3A_85, %dma_start3A_87] : memref<62x128xi32, #tpu.memory_space<vmem>> -> memref<1x128xi32, #tpu.memory_space<vmem>>
        %dma_start3A_89 = tpu.memref_squeeze %dma_start3A_88 : memref<1x128xi32, #tpu.memory_space<vmem>> -> memref<128xi32, #tpu.memory_space<vmem>>
        %dma_start3A_90 = arith.constant 0 : i32
        %dma_start3A_91 = arith.constant 0 : i32
        %dma_start3A_92 = tpu.memref_slice %arg11[%dma_start3A_90, %dma_start3A_91] : memref<10112x128xf32, #tpu.memory_space<vmem_shared>> -> memref<10112x128xf32, #tpu.memory_space<vmem_shared>>
        tpu.enqueue_indirect_dma source(%arg10 : memref<128x128xf32, #tpu.memory_space<vmem>>) target(%dma_start3A_92 : memref<10112x128xf32, #tpu.memory_space<vmem_shared>>) offsets(%dma_start3A_89 : memref<128xi32, #tpu.memory_space<vmem>>) semaphore(%run_scoped3A_86 : memref<!tpu.dma_semaphore, #tpu.memory_space<semaphore_mem>>) {add = true}
        %dma_wait3A_93 = arith.constant 0 : i32
        %dma_wait3A_94 = tpu.memref_slice %arg8[%run_scoped3A_85, %dma_wait3A_93] : memref<62x128xi32, #tpu.memory_space<vmem>> -> memref<1x128xi32, #tpu.memory_space<vmem>>
        %dma_wait3A_95 = tpu.memref_squeeze %dma_wait3A_94 : memref<1x128xi32, #tpu.memory_space<vmem>> -> memref<128xi32, #tpu.memory_space<vmem>>
        %dma_wait3A_96 = arith.constant 0 : i32
        %dma_wait3A_97 = arith.constant 0 : i32
        %dma_wait3A_98 = tpu.memref_slice %arg11[%dma_wait3A_96, %dma_wait3A_97] : memref<10112x128xf32, #tpu.memory_space<vmem_shared>> -> memref<10112x128xf32, #tpu.memory_space<vmem_shared>>
        tpu.wait_indirect_dma semaphore(%run_scoped3A_86 : memref<!tpu.dma_semaphore, #tpu.memory_space<semaphore_mem>>) src(%arg10 : memref<128x128xf32, #tpu.memory_space<vmem>>) dst(%dma_wait3A_98 : memref<10112x128xf32, #tpu.memory_space<vmem_shared>>)
        tpu.yield
      }) : () -> ()
    } else {
    }
    %eq3A_3 = arith.constant 1 : i32
    %eq3A_4 = arith.cmpi eq, %arg0, %eq3A_3 : i32
    %convert_element_type3A_5 = arith.extui %eq3A_4 : i1 to i32
    %cond3A_6 = arith.constant 0 : i32
    %cond3A_7 = arith.cmpi ne, %convert_element_type3A_5, %cond3A_6 : i32
    scf.if %cond3A_7 {
      %mul3A_13 = arith.constant 36 : i32
      %mul3A_14 = arith.muli %arg1, %mul3A_13 : i32
      %add3A = arith.constant 1984 : i32
      %add3A_15 = arith.addi %add3A, %mul3A_14 : i32
      %add3A_16 = arith.constant 0 : i32
      %add3A_17 = arith.addi %add3A_15, %add3A_16 : i32
      "tpu.region"() ({
        %run_scoped3A_90 = tpu.sem_alloc : memref<!tpu.dma_semaphore, #tpu.memory_space<semaphore_mem>>
        %dma_start3A_91 = arith.constant 0 : i32
        %dma_start3A_92 = tpu.memref_slice %arg3[%add3A_17, %dma_start3A_91] : memref<2618x128xi32, #tpu.memory_space<hbm>> -> memref<62x128xi32, #tpu.memory_space<hbm>>
        %dma_start3A_93 = arith.constant 0 : i32
        %dma_start3A_94 = tpu.memref_slice %arg3[%add3A_17, %dma_start3A_93] : memref<2618x128xi32, #tpu.memory_space<hbm>> -> memref<62x128xi32, #tpu.memory_space<hbm>>
        tpu.enqueue_dma source(%dma_start3A_94 : memref<62x128xi32, #tpu.memory_space<hbm>>) target(%arg7 : memref<62x128xi32, #tpu.memory_space<vmem>>) target_semaphore(%run_scoped3A_90 : memref<!tpu.dma_semaphore, #tpu.memory_space<semaphore_mem>>)
        %dma_wait3A_95 = arith.constant 0 : i32
        %dma_wait3A_96 = tpu.memref_slice %arg3[%add3A_17, %dma_wait3A_95] : memref<2618x128xi32, #tpu.memory_space<hbm>> -> memref<62x128xi32, #tpu.memory_space<hbm>>
        %dma_wait3A_97 = arith.constant 0 : i32
        %dma_wait3A_98 = tpu.memref_slice %arg3[%add3A_17, %dma_wait3A_97] : memref<2618x128xi32, #tpu.memory_space<hbm>> -> memref<62x128xi32, #tpu.memory_space<hbm>>
        tpu.wait_dma2 semaphore(%run_scoped3A_90 : memref<!tpu.dma_semaphore, #tpu.memory_space<semaphore_mem>>) src(%dma_wait3A_98 : memref<62x128xi32, #tpu.memory_space<hbm>>) dst(%arg7 : memref<62x128xi32, #tpu.memory_space<vmem>>)
        tpu.yield
      }) : () -> ()
      "tpu.region"() ({
        %run_scoped3A_90 = tpu.sem_alloc : memref<!tpu.dma_semaphore, #tpu.memory_space<semaphore_mem>>
        %dma_start3A_91 = arith.constant 0 : i32
        %dma_start3A_92 = tpu.memref_slice %arg4[%add3A_17, %dma_start3A_91] : memref<2618x128xi32, #tpu.memory_space<hbm>> -> memref<62x128xi32, #tpu.memory_space<hbm>>
        %dma_start3A_93 = arith.constant 0 : i32
        %dma_start3A_94 = tpu.memref_slice %arg4[%add3A_17, %dma_start3A_93] : memref<2618x128xi32, #tpu.memory_space<hbm>> -> memref<62x128xi32, #tpu.memory_space<hbm>>
        tpu.enqueue_dma source(%dma_start3A_94 : memref<62x128xi32, #tpu.memory_space<hbm>>) target(%arg8 : memref<62x128xi32, #tpu.memory_space<vmem>>) target_semaphore(%run_scoped3A_90 : memref<!tpu.dma_semaphore, #tpu.memory_space<semaphore_mem>>)
        %dma_wait3A_95 = arith.constant 0 : i32
        %dma_wait3A_96 = tpu.memref_slice %arg4[%add3A_17, %dma_wait3A_95] : memref<2618x128xi32, #tpu.memory_space<hbm>> -> memref<62x128xi32, #tpu.memory_space<hbm>>
        %dma_wait3A_97 = arith.constant 0 : i32
        %dma_wait3A_98 = tpu.memref_slice %arg4[%add3A_17, %dma_wait3A_97] : memref<2618x128xi32, #tpu.memory_space<hbm>> -> memref<62x128xi32, #tpu.memory_space<hbm>>
        tpu.wait_dma2 semaphore(%run_scoped3A_90 : memref<!tpu.dma_semaphore, #tpu.memory_space<semaphore_mem>>) src(%dma_wait3A_98 : memref<62x128xi32, #tpu.memory_space<hbm>>) dst(%arg8 : memref<62x128xi32, #tpu.memory_space<vmem>>)
        tpu.yield
      }) : () -> ()
      %dma_start3A = arith.constant 0 : i32
      %dma_start3A_18 = arith.constant 0 : i32
      %dma_start3A_19 = tpu.memref_slice %arg7[%dma_start3A, %dma_start3A_18] : memref<62x128xi32, #tpu.memory_space<vmem>> -> memref<1x128xi32, #tpu.memory_space<vmem>>
      %dma_start3A_20 = tpu.memref_squeeze %dma_start3A_19 : memref<1x128xi32, #tpu.memory_space<vmem>> -> memref<128xi32, #tpu.memory_space<vmem>>
      %dma_start3A_21 = arith.constant 0 : i32
      %dma_start3A_22 = arith.constant 0 : i32
      %dma_start3A_23 = tpu.memref_slice %arg2[%dma_start3A_21, %dma_start3A_22] : memref<10000x128xf32, #tpu.memory_space<hbm>> -> memref<10000x128xf32, #tpu.memory_space<hbm>>
      tpu.enqueue_indirect_dma source(%dma_start3A_23 : memref<10000x128xf32, #tpu.memory_space<hbm>>) target(%arg9 : memref<128x128xf32, #tpu.memory_space<vmem>>) offsets(%dma_start3A_20 : memref<128xi32, #tpu.memory_space<vmem>>) semaphore(%arg12 : memref<!tpu.dma_semaphore, #tpu.memory_space<semaphore_mem>>)
      %scan3A = arith.constant 0 : i32
      %scan3A_24 = arith.constant 8 : i32
      %scan3A_25 = arith.addi %scan3A, %scan3A_24 : i32
      %scan3A_26 = arith.constant 1 : i32
      scf.for %scan3A_90 = %scan3A to %scan3A_25 step %scan3A_26  : i32 {
        %mul3A_91 = arith.constant 2 : i32
        %mul3A_92 = arith.muli %scan3A_90, %mul3A_91 : i32
        %add3A_93 = arith.constant 0 : i32
        %add3A_94 = arith.addi %add3A_93, %mul3A_92 : i32
        %add3A_95 = arith.constant 1 : i32
        %add3A_96 = arith.addi %add3A_94, %add3A_95 : i32
        %dma_start3A_97 = arith.constant 0 : i32
        %dma_start3A_98 = tpu.memref_slice %arg7[%add3A_96, %dma_start3A_97] : memref<62x128xi32, #tpu.memory_space<vmem>> -> memref<1x128xi32, #tpu.memory_space<vmem>>
        %dma_start3A_99 = tpu.memref_squeeze %dma_start3A_98 : memref<1x128xi32, #tpu.memory_space<vmem>> -> memref<128xi32, #tpu.memory_space<vmem>>
        %dma_start3A_100 = arith.constant 0 : i32
        %dma_start3A_101 = arith.constant 0 : i32
        %dma_start3A_102 = tpu.memref_slice %arg2[%dma_start3A_100, %dma_start3A_101] : memref<10000x128xf32, #tpu.memory_space<hbm>> -> memref<10000x128xf32, #tpu.memory_space<hbm>>
        tpu.enqueue_indirect_dma source(%dma_start3A_102 : memref<10000x128xf32, #tpu.memory_space<hbm>>) target(%arg10 : memref<128x128xf32, #tpu.memory_space<vmem>>) offsets(%dma_start3A_99 : memref<128xi32, #tpu.memory_space<vmem>>) semaphore(%arg13 : memref<!tpu.dma_semaphore, #tpu.memory_space<semaphore_mem>>)
        %dma_wait3A_103 = arith.constant 0 : i32
        %dma_wait3A_104 = arith.constant 0 : i32
        %dma_wait3A_105 = tpu.memref_slice %arg7[%dma_wait3A_103, %dma_wait3A_104] : memref<62x128xi32, #tpu.memory_space<vmem>> -> memref<1x128xi32, #tpu.memory_space<vmem>>
        %dma_wait3A_106 = tpu.memref_squeeze %dma_wait3A_105 : memref<1x128xi32, #tpu.memory_space<vmem>> -> memref<128xi32, #tpu.memory_space<vmem>>
        %dma_wait3A_107 = arith.constant 0 : i32
        %dma_wait3A_108 = arith.constant 0 : i32
        %dma_wait3A_109 = tpu.memref_slice %arg2[%dma_wait3A_107, %dma_wait3A_108] : memref<10000x128xf32, #tpu.memory_space<hbm>> -> memref<10000x128xf32, #tpu.memory_space<hbm>>
        tpu.wait_indirect_dma semaphore(%arg12 : memref<!tpu.dma_semaphore, #tpu.memory_space<semaphore_mem>>) src(%dma_wait3A_109 : memref<10000x128xf32, #tpu.memory_space<hbm>>) dst(%arg9 : memref<128x128xf32, #tpu.memory_space<vmem>>)
        "tpu.region"() ({
          %run_scoped3A_127 = tpu.sem_alloc : memref<!tpu.dma_semaphore, #tpu.memory_space<semaphore_mem>>
          %dma_start3A_128 = arith.constant 0 : i32
          %dma_start3A_129 = tpu.memref_slice %arg8[%add3A_94, %dma_start3A_128] : memref<62x128xi32, #tpu.memory_space<vmem>> -> memref<1x128xi32, #tpu.memory_space<vmem>>
          %dma_start3A_130 = tpu.memref_squeeze %dma_start3A_129 : memref<1x128xi32, #tpu.memory_space<vmem>> -> memref<128xi32, #tpu.memory_space<vmem>>
          %dma_start3A_131 = arith.constant 0 : i32
          %dma_start3A_132 = arith.constant 0 : i32
          %dma_start3A_133 = tpu.memref_slice %arg11[%dma_start3A_131, %dma_start3A_132] : memref<10112x128xf32, #tpu.memory_space<vmem_shared>> -> memref<10112x128xf32, #tpu.memory_space<vmem_shared>>
          tpu.enqueue_indirect_dma source(%arg9 : memref<128x128xf32, #tpu.memory_space<vmem>>) target(%dma_start3A_133 : memref<10112x128xf32, #tpu.memory_space<vmem_shared>>) offsets(%dma_start3A_130 : memref<128xi32, #tpu.memory_space<vmem>>) semaphore(%run_scoped3A_127 : memref<!tpu.dma_semaphore, #tpu.memory_space<semaphore_mem>>) {add = true}
          %dma_wait3A_134 = arith.constant 0 : i32
          %dma_wait3A_135 = tpu.memref_slice %arg8[%add3A_94, %dma_wait3A_134] : memref<62x128xi32, #tpu.memory_space<vmem>> -> memref<1x128xi32, #tpu.memory_space<vmem>>
          %dma_wait3A_136 = tpu.memref_squeeze %dma_wait3A_135 : memref<1x128xi32, #tpu.memory_space<vmem>> -> memref<128xi32, #tpu.memory_space<vmem>>
          %dma_wait3A_137 = arith.constant 0 : i32
          %dma_wait3A_138 = arith.constant 0 : i32
          %dma_wait3A_139 = tpu.memref_slice %arg11[%dma_wait3A_137, %dma_wait3A_138] : memref<10112x128xf32, #tpu.memory_space<vmem_shared>> -> memref<10112x128xf32, #tpu.memory_space<vmem_shared>>
          tpu.wait_indirect_dma semaphore(%run_scoped3A_127 : memref<!tpu.dma_semaphore, #tpu.memory_space<semaphore_mem>>) src(%arg9 : memref<128x128xf32, #tpu.memory_space<vmem>>) dst(%dma_wait3A_139 : memref<10112x128xf32, #tpu.memory_space<vmem_shared>>)
          tpu.yield
        }) : () -> ()
        %add3A_110 = arith.constant 2 : i32
        %add3A_111 = arith.addi %add3A_94, %add3A_110 : i32
        %dma_start3A_112 = arith.constant 0 : i32
        %dma_start3A_113 = tpu.memref_slice %arg7[%add3A_111, %dma_start3A_112] : memref<62x128xi32, #tpu.memory_space<vmem>> -> memref<1x128xi32, #tpu.memory_space<vmem>>
        %dma_start3A_114 = tpu.memref_squeeze %dma_start3A_113 : memref<1x128xi32, #tpu.memory_space<vmem>> -> memref<128xi32, #tpu.memory_space<vmem>>
        %dma_start3A_115 = arith.constant 0 : i32
        %dma_start3A_116 = arith.constant 0 : i32
        %dma_start3A_117 = tpu.memref_slice %arg2[%dma_start3A_115, %dma_start3A_116] : memref<10000x128xf32, #tpu.memory_space<hbm>> -> memref<10000x128xf32, #tpu.memory_space<hbm>>
        tpu.enqueue_indirect_dma source(%dma_start3A_117 : memref<10000x128xf32, #tpu.memory_space<hbm>>) target(%arg9 : memref<128x128xf32, #tpu.memory_space<vmem>>) offsets(%dma_start3A_114 : memref<128xi32, #tpu.memory_space<vmem>>) semaphore(%arg12 : memref<!tpu.dma_semaphore, #tpu.memory_space<semaphore_mem>>)
        %dma_wait3A_118 = arith.constant 0 : i32
        %dma_wait3A_119 = arith.constant 0 : i32
        %dma_wait3A_120 = tpu.memref_slice %arg7[%dma_wait3A_118, %dma_wait3A_119] : memref<62x128xi32, #tpu.memory_space<vmem>> -> memref<1x128xi32, #tpu.memory_space<vmem>>
        %dma_wait3A_121 = tpu.memref_squeeze %dma_wait3A_120 : memref<1x128xi32, #tpu.memory_space<vmem>> -> memref<128xi32, #tpu.memory_space<vmem>>
        %dma_wait3A_122 = arith.constant 0 : i32
        %dma_wait3A_123 = arith.constant 0 : i32
        %dma_wait3A_124 = tpu.memref_slice %arg2[%dma_wait3A_122, %dma_wait3A_123] : memref<10000x128xf32, #tpu.memory_space<hbm>> -> memref<10000x128xf32, #tpu.memory_space<hbm>>
        tpu.wait_indirect_dma semaphore(%arg13 : memref<!tpu.dma_semaphore, #tpu.memory_space<semaphore_mem>>) src(%dma_wait3A_124 : memref<10000x128xf32, #tpu.memory_space<hbm>>) dst(%arg10 : memref<128x128xf32, #tpu.memory_space<vmem>>)
        %add3A_125 = arith.constant 1 : i32
        %add3A_126 = arith.addi %add3A_94, %add3A_125 : i32
        "tpu.region"() ({
          %run_scoped3A_127 = tpu.sem_alloc : memref<!tpu.dma_semaphore, #tpu.memory_space<semaphore_mem>>
          %dma_start3A_128 = arith.constant 0 : i32
          %dma_start3A_129 = tpu.memref_slice %arg8[%add3A_126, %dma_start3A_128] : memref<62x128xi32, #tpu.memory_space<vmem>> -> memref<1x128xi32, #tpu.memory_space<vmem>>
          %dma_start3A_130 = tpu.memref_squeeze %dma_start3A_129 : memref<1x128xi32, #tpu.memory_space<vmem>> -> memref<128xi32, #tpu.memory_space<vmem>>
          %dma_start3A_131 = arith.constant 0 : i32
          %dma_start3A_132 = arith.constant 0 : i32
          %dma_start3A_133 = tpu.memref_slice %arg11[%dma_start3A_131, %dma_start3A_132] : memref<10112x128xf32, #tpu.memory_space<vmem_shared>> -> memref<10112x128xf32, #tpu.memory_space<vmem_shared>>
          tpu.enqueue_indirect_dma source(%arg10 : memref<128x128xf32, #tpu.memory_space<vmem>>) target(%dma_start3A_133 : memref<10112x128xf32, #tpu.memory_space<vmem_shared>>) offsets(%dma_start3A_130 : memref<128xi32, #tpu.memory_space<vmem>>) semaphore(%run_scoped3A_127 : memref<!tpu.dma_semaphore, #tpu.memory_space<semaphore_mem>>) {add = true}
          %dma_wait3A_134 = arith.constant 0 : i32
          %dma_wait3A_135 = tpu.memref_slice %arg8[%add3A_126, %dma_wait3A_134] : memref<62x128xi32, #tpu.memory_space<vmem>> -> memref<1x128xi32, #tpu.memory_space<vmem>>
          %dma_wait3A_136 = tpu.memref_squeeze %dma_wait3A_135 : memref<1x128xi32, #tpu.memory_space<vmem>> -> memref<128xi32, #tpu.memory_space<vmem>>
          %dma_wait3A_137 = arith.constant 0 : i32
          %dma_wait3A_138 = arith.constant 0 : i32
          %dma_wait3A_139 = tpu.memref_slice %arg11[%dma_wait3A_137, %dma_wait3A_138] : memref<10112x128xf32, #tpu.memory_space<vmem_shared>> -> memref<10112x128xf32, #tpu.memory_space<vmem_shared>>
          tpu.wait_indirect_dma semaphore(%run_scoped3A_127 : memref<!tpu.dma_semaphore, #tpu.memory_space<semaphore_mem>>) src(%arg10 : memref<128x128xf32, #tpu.memory_space<vmem>>) dst(%dma_wait3A_139 : memref<10112x128xf32, #tpu.memory_space<vmem_shared>>)
          tpu.yield
        }) : () -> ()
      }
      %scan3A_27 = arith.constant 8 : i32
      %dma_start3A_28 = arith.constant 17 : i32
      %dma_start3A_29 = arith.constant 0 : i32
      %dma_start3A_30 = tpu.memref_slice %arg7[%dma_start3A_28, %dma_start3A_29] : memref<62x128xi32, #tpu.memory_space<vmem>> -> memref<1x128xi32, #tpu.memory_space<vmem>>
      %dma_start3A_31 = tpu.memref_squeeze %dma_start3A_30 : memref<1x128xi32, #tpu.memory_space<vmem>> -> memref<128xi32, #tpu.memory_space<vmem>>
      %dma_start3A_32 = arith.constant 0 : i32
      %dma_start3A_33 = arith.constant 0 : i32
      %dma_start3A_34 = tpu.memref_slice %arg2[%dma_start3A_32, %dma_start3A_33] : memref<10000x128xf32, #tpu.memory_space<hbm>> -> memref<10000x128xf32, #tpu.memory_space<hbm>>
      tpu.enqueue_indirect_dma source(%dma_start3A_34 : memref<10000x128xf32, #tpu.memory_space<hbm>>) target(%arg10 : memref<128x128xf32, #tpu.memory_space<vmem>>) offsets(%dma_start3A_31 : memref<128xi32, #tpu.memory_space<vmem>>) semaphore(%arg13 : memref<!tpu.dma_semaphore, #tpu.memory_space<semaphore_mem>>)
      %dma_wait3A = arith.constant 0 : i32
      %dma_wait3A_35 = arith.constant 0 : i32
      %dma_wait3A_36 = tpu.memref_slice %arg7[%dma_wait3A, %dma_wait3A_35] : memref<62x128xi32, #tpu.memory_space<vmem>> -> memref<1x128xi32, #tpu.memory_space<vmem>>
      %dma_wait3A_37 = tpu.memref_squeeze %dma_wait3A_36 : memref<1x128xi32, #tpu.memory_space<vmem>> -> memref<128xi32, #tpu.memory_space<vmem>>
      %dma_wait3A_38 = arith.constant 0 : i32
      %dma_wait3A_39 = arith.constant 0 : i32
      %dma_wait3A_40 = tpu.memref_slice %arg2[%dma_wait3A_38, %dma_wait3A_39] : memref<10000x128xf32, #tpu.memory_space<hbm>> -> memref<10000x128xf32, #tpu.memory_space<hbm>>
      tpu.wait_indirect_dma semaphore(%arg12 : memref<!tpu.dma_semaphore, #tpu.memory_space<semaphore_mem>>) src(%dma_wait3A_40 : memref<10000x128xf32, #tpu.memory_space<hbm>>) dst(%arg9 : memref<128x128xf32, #tpu.memory_space<vmem>>)
      %run_scoped3A = arith.constant 16 : i32
      "tpu.region"() ({
        %run_scoped3A_90 = tpu.sem_alloc : memref<!tpu.dma_semaphore, #tpu.memory_space<semaphore_mem>>
        %dma_start3A_91 = arith.constant 0 : i32
        %dma_start3A_92 = tpu.memref_slice %arg8[%run_scoped3A, %dma_start3A_91] : memref<62x128xi32, #tpu.memory_space<vmem>> -> memref<1x128xi32, #tpu.memory_space<vmem>>
        %dma_start3A_93 = tpu.memref_squeeze %dma_start3A_92 : memref<1x128xi32, #tpu.memory_space<vmem>> -> memref<128xi32, #tpu.memory_space<vmem>>
        %dma_start3A_94 = arith.constant 0 : i32
        %dma_start3A_95 = arith.constant 0 : i32
        %dma_start3A_96 = tpu.memref_slice %arg11[%dma_start3A_94, %dma_start3A_95] : memref<10112x128xf32, #tpu.memory_space<vmem_shared>> -> memref<10112x128xf32, #tpu.memory_space<vmem_shared>>
        tpu.enqueue_indirect_dma source(%arg9 : memref<128x128xf32, #tpu.memory_space<vmem>>) target(%dma_start3A_96 : memref<10112x128xf32, #tpu.memory_space<vmem_shared>>) offsets(%dma_start3A_93 : memref<128xi32, #tpu.memory_space<vmem>>) semaphore(%run_scoped3A_90 : memref<!tpu.dma_semaphore, #tpu.memory_space<semaphore_mem>>) {add = true}
        %dma_wait3A_97 = arith.constant 0 : i32
        %dma_wait3A_98 = tpu.memref_slice %arg8[%run_scoped3A, %dma_wait3A_97] : memref<62x128xi32, #tpu.memory_space<vmem>> -> memref<1x128xi32, #tpu.memory_space<vmem>>
        %dma_wait3A_99 = tpu.memref_squeeze %dma_wait3A_98 : memref<1x128xi32, #tpu.memory_space<vmem>> -> memref<128xi32, #tpu.memory_space<vmem>>
        %dma_wait3A_100 = arith.constant 0 : i32
        %dma_wait3A_101 = arith.constant 0 : i32
        %dma_wait3A_102 = tpu.memref_slice %arg11[%dma_wait3A_100, %dma_wait3A_101] : memref<10112x128xf32, #tpu.memory_space<vmem_shared>> -> memref<10112x128xf32, #tpu.memory_space<vmem_shared>>
        tpu.wait_indirect_dma semaphore(%run_scoped3A_90 : memref<!tpu.dma_semaphore, #tpu.memory_space<semaphore_mem>>) src(%arg9 : memref<128x128xf32, #tpu.memory_space<vmem>>) dst(%dma_wait3A_102 : memref<10112x128xf32, #tpu.memory_space<vmem_shared>>)
        tpu.yield
      }) : () -> ()
      %dma_wait3A_41 = arith.constant 0 : i32
      %dma_wait3A_42 = arith.constant 0 : i32
      %dma_wait3A_43 = tpu.memref_slice %arg7[%dma_wait3A_41, %dma_wait3A_42] : memref<62x128xi32, #tpu.memory_space<vmem>> -> memref<1x128xi32, #tpu.memory_space<vmem>>
      %dma_wait3A_44 = tpu.memref_squeeze %dma_wait3A_43 : memref<1x128xi32, #tpu.memory_space<vmem>> -> memref<128xi32, #tpu.memory_space<vmem>>
      %dma_wait3A_45 = arith.constant 0 : i32
      %dma_wait3A_46 = arith.constant 0 : i32
      %dma_wait3A_47 = tpu.memref_slice %arg2[%dma_wait3A_45, %dma_wait3A_46] : memref<10000x128xf32, #tpu.memory_space<hbm>> -> memref<10000x128xf32, #tpu.memory_space<hbm>>
      tpu.wait_indirect_dma semaphore(%arg13 : memref<!tpu.dma_semaphore, #tpu.memory_space<semaphore_mem>>) src(%dma_wait3A_47 : memref<10000x128xf32, #tpu.memory_space<hbm>>) dst(%arg10 : memref<128x128xf32, #tpu.memory_space<vmem>>)
      %run_scoped3A_48 = arith.constant 17 : i32
      "tpu.region"() ({
        %run_scoped3A_90 = tpu.sem_alloc : memref<!tpu.dma_semaphore, #tpu.memory_space<semaphore_mem>>
        %dma_start3A_91 = arith.constant 0 : i32
        %dma_start3A_92 = tpu.memref_slice %arg8[%run_scoped3A_48, %dma_start3A_91] : memref<62x128xi32, #tpu.memory_space<vmem>> -> memref<1x128xi32, #tpu.memory_space<vmem>>
        %dma_start3A_93 = tpu.memref_squeeze %dma_start3A_92 : memref<1x128xi32, #tpu.memory_space<vmem>> -> memref<128xi32, #tpu.memory_space<vmem>>
        %dma_start3A_94 = arith.constant 0 : i32
        %dma_start3A_95 = arith.constant 0 : i32
        %dma_start3A_96 = tpu.memref_slice %arg11[%dma_start3A_94, %dma_start3A_95] : memref<10112x128xf32, #tpu.memory_space<vmem_shared>> -> memref<10112x128xf32, #tpu.memory_space<vmem_shared>>
        tpu.enqueue_indirect_dma source(%arg10 : memref<128x128xf32, #tpu.memory_space<vmem>>) target(%dma_start3A_96 : memref<10112x128xf32, #tpu.memory_space<vmem_shared>>) offsets(%dma_start3A_93 : memref<128xi32, #tpu.memory_space<vmem>>) semaphore(%run_scoped3A_90 : memref<!tpu.dma_semaphore, #tpu.memory_space<semaphore_mem>>) {add = true}
        %dma_wait3A_97 = arith.constant 0 : i32
        %dma_wait3A_98 = tpu.memref_slice %arg8[%run_scoped3A_48, %dma_wait3A_97] : memref<62x128xi32, #tpu.memory_space<vmem>> -> memref<1x128xi32, #tpu.memory_space<vmem>>
        %dma_wait3A_99 = tpu.memref_squeeze %dma_wait3A_98 : memref<1x128xi32, #tpu.memory_space<vmem>> -> memref<128xi32, #tpu.memory_space<vmem>>
        %dma_wait3A_100 = arith.constant 0 : i32
        %dma_wait3A_101 = arith.constant 0 : i32
        %dma_wait3A_102 = tpu.memref_slice %arg11[%dma_wait3A_100, %dma_wait3A_101] : memref<10112x128xf32, #tpu.memory_space<vmem_shared>> -> memref<10112x128xf32, #tpu.memory_space<vmem_shared>>
        tpu.wait_indirect_dma semaphore(%run_scoped3A_90 : memref<!tpu.dma_semaphore, #tpu.memory_space<semaphore_mem>>) src(%arg10 : memref<128x128xf32, #tpu.memory_space<vmem>>) dst(%dma_wait3A_102 : memref<10112x128xf32, #tpu.memory_space<vmem_shared>>)
        tpu.yield
      }) : () -> ()
      %mul3A_49 = arith.constant 36 : i32
      %mul3A_50 = arith.muli %arg1, %mul3A_49 : i32
      %add3A_51 = arith.constant 1984 : i32
      %add3A_52 = arith.addi %add3A_51, %mul3A_50 : i32
      %add3A_53 = arith.constant 18 : i32
      %add3A_54 = arith.addi %add3A_52, %add3A_53 : i32
      "tpu.region"() ({
        %run_scoped3A_90 = tpu.sem_alloc : memref<!tpu.dma_semaphore, #tpu.memory_space<semaphore_mem>>
        %dma_start3A_91 = arith.constant 0 : i32
        %dma_start3A_92 = tpu.memref_slice %arg3[%add3A_54, %dma_start3A_91] : memref<2618x128xi32, #tpu.memory_space<hbm>> -> memref<62x128xi32, #tpu.memory_space<hbm>>
        %dma_start3A_93 = arith.constant 0 : i32
        %dma_start3A_94 = tpu.memref_slice %arg3[%add3A_54, %dma_start3A_93] : memref<2618x128xi32, #tpu.memory_space<hbm>> -> memref<62x128xi32, #tpu.memory_space<hbm>>
        tpu.enqueue_dma source(%dma_start3A_94 : memref<62x128xi32, #tpu.memory_space<hbm>>) target(%arg7 : memref<62x128xi32, #tpu.memory_space<vmem>>) target_semaphore(%run_scoped3A_90 : memref<!tpu.dma_semaphore, #tpu.memory_space<semaphore_mem>>)
        %dma_wait3A_95 = arith.constant 0 : i32
        %dma_wait3A_96 = tpu.memref_slice %arg3[%add3A_54, %dma_wait3A_95] : memref<2618x128xi32, #tpu.memory_space<hbm>> -> memref<62x128xi32, #tpu.memory_space<hbm>>
        %dma_wait3A_97 = arith.constant 0 : i32
        %dma_wait3A_98 = tpu.memref_slice %arg3[%add3A_54, %dma_wait3A_97] : memref<2618x128xi32, #tpu.memory_space<hbm>> -> memref<62x128xi32, #tpu.memory_space<hbm>>
        tpu.wait_dma2 semaphore(%run_scoped3A_90 : memref<!tpu.dma_semaphore, #tpu.memory_space<semaphore_mem>>) src(%dma_wait3A_98 : memref<62x128xi32, #tpu.memory_space<hbm>>) dst(%arg7 : memref<62x128xi32, #tpu.memory_space<vmem>>)
        tpu.yield
      }) : () -> ()
      "tpu.region"() ({
        %run_scoped3A_90 = tpu.sem_alloc : memref<!tpu.dma_semaphore, #tpu.memory_space<semaphore_mem>>
        %dma_start3A_91 = arith.constant 0 : i32
        %dma_start3A_92 = tpu.memref_slice %arg4[%add3A_54, %dma_start3A_91] : memref<2618x128xi32, #tpu.memory_space<hbm>> -> memref<62x128xi32, #tpu.memory_space<hbm>>
        %dma_start3A_93 = arith.constant 0 : i32
        %dma_start3A_94 = tpu.memref_slice %arg4[%add3A_54, %dma_start3A_93] : memref<2618x128xi32, #tpu.memory_space<hbm>> -> memref<62x128xi32, #tpu.memory_space<hbm>>
        tpu.enqueue_dma source(%dma_start3A_94 : memref<62x128xi32, #tpu.memory_space<hbm>>) target(%arg8 : memref<62x128xi32, #tpu.memory_space<vmem>>) target_semaphore(%run_scoped3A_90 : memref<!tpu.dma_semaphore, #tpu.memory_space<semaphore_mem>>)
        %dma_wait3A_95 = arith.constant 0 : i32
        %dma_wait3A_96 = tpu.memref_slice %arg4[%add3A_54, %dma_wait3A_95] : memref<2618x128xi32, #tpu.memory_space<hbm>> -> memref<62x128xi32, #tpu.memory_space<hbm>>
        %dma_wait3A_97 = arith.constant 0 : i32
        %dma_wait3A_98 = tpu.memref_slice %arg4[%add3A_54, %dma_wait3A_97] : memref<2618x128xi32, #tpu.memory_space<hbm>> -> memref<62x128xi32, #tpu.memory_space<hbm>>
        tpu.wait_dma2 semaphore(%run_scoped3A_90 : memref<!tpu.dma_semaphore, #tpu.memory_space<semaphore_mem>>) src(%dma_wait3A_98 : memref<62x128xi32, #tpu.memory_space<hbm>>) dst(%arg8 : memref<62x128xi32, #tpu.memory_space<vmem>>)
        tpu.yield
      }) : () -> ()
      %dma_start3A_55 = arith.constant 0 : i32
      %dma_start3A_56 = arith.constant 0 : i32
      %dma_start3A_57 = tpu.memref_slice %arg7[%dma_start3A_55, %dma_start3A_56] : memref<62x128xi32, #tpu.memory_space<vmem>> -> memref<1x128xi32, #tpu.memory_space<vmem>>
      %dma_start3A_58 = tpu.memref_squeeze %dma_start3A_57 : memref<1x128xi32, #tpu.memory_space<vmem>> -> memref<128xi32, #tpu.memory_space<vmem>>
      %dma_start3A_59 = arith.constant 0 : i32
      %dma_start3A_60 = arith.constant 0 : i32
      %dma_start3A_61 = tpu.memref_slice %arg2[%dma_start3A_59, %dma_start3A_60] : memref<10000x128xf32, #tpu.memory_space<hbm>> -> memref<10000x128xf32, #tpu.memory_space<hbm>>
      tpu.enqueue_indirect_dma source(%dma_start3A_61 : memref<10000x128xf32, #tpu.memory_space<hbm>>) target(%arg9 : memref<128x128xf32, #tpu.memory_space<vmem>>) offsets(%dma_start3A_58 : memref<128xi32, #tpu.memory_space<vmem>>) semaphore(%arg12 : memref<!tpu.dma_semaphore, #tpu.memory_space<semaphore_mem>>)
      %scan3A_62 = arith.constant 0 : i32
      %scan3A_63 = arith.constant 8 : i32
      %scan3A_64 = arith.addi %scan3A_62, %scan3A_63 : i32
      %scan3A_65 = arith.constant 1 : i32
      scf.for %scan3A_90 = %scan3A_62 to %scan3A_64 step %scan3A_65  : i32 {
        %mul3A_91 = arith.constant 2 : i32
        %mul3A_92 = arith.muli %scan3A_90, %mul3A_91 : i32
        %add3A_93 = arith.constant 0 : i32
        %add3A_94 = arith.addi %add3A_93, %mul3A_92 : i32
        %add3A_95 = arith.constant 1 : i32
        %add3A_96 = arith.addi %add3A_94, %add3A_95 : i32
        %dma_start3A_97 = arith.constant 0 : i32
        %dma_start3A_98 = tpu.memref_slice %arg7[%add3A_96, %dma_start3A_97] : memref<62x128xi32, #tpu.memory_space<vmem>> -> memref<1x128xi32, #tpu.memory_space<vmem>>
        %dma_start3A_99 = tpu.memref_squeeze %dma_start3A_98 : memref<1x128xi32, #tpu.memory_space<vmem>> -> memref<128xi32, #tpu.memory_space<vmem>>
        %dma_start3A_100 = arith.constant 0 : i32
        %dma_start3A_101 = arith.constant 0 : i32
        %dma_start3A_102 = tpu.memref_slice %arg2[%dma_start3A_100, %dma_start3A_101] : memref<10000x128xf32, #tpu.memory_space<hbm>> -> memref<10000x128xf32, #tpu.memory_space<hbm>>
        tpu.enqueue_indirect_dma source(%dma_start3A_102 : memref<10000x128xf32, #tpu.memory_space<hbm>>) target(%arg10 : memref<128x128xf32, #tpu.memory_space<vmem>>) offsets(%dma_start3A_99 : memref<128xi32, #tpu.memory_space<vmem>>) semaphore(%arg13 : memref<!tpu.dma_semaphore, #tpu.memory_space<semaphore_mem>>)
        %dma_wait3A_103 = arith.constant 0 : i32
        %dma_wait3A_104 = arith.constant 0 : i32
        %dma_wait3A_105 = tpu.memref_slice %arg7[%dma_wait3A_103, %dma_wait3A_104] : memref<62x128xi32, #tpu.memory_space<vmem>> -> memref<1x128xi32, #tpu.memory_space<vmem>>
        %dma_wait3A_106 = tpu.memref_squeeze %dma_wait3A_105 : memref<1x128xi32, #tpu.memory_space<vmem>> -> memref<128xi32, #tpu.memory_space<vmem>>
        %dma_wait3A_107 = arith.constant 0 : i32
        %dma_wait3A_108 = arith.constant 0 : i32
        %dma_wait3A_109 = tpu.memref_slice %arg2[%dma_wait3A_107, %dma_wait3A_108] : memref<10000x128xf32, #tpu.memory_space<hbm>> -> memref<10000x128xf32, #tpu.memory_space<hbm>>
        tpu.wait_indirect_dma semaphore(%arg12 : memref<!tpu.dma_semaphore, #tpu.memory_space<semaphore_mem>>) src(%dma_wait3A_109 : memref<10000x128xf32, #tpu.memory_space<hbm>>) dst(%arg9 : memref<128x128xf32, #tpu.memory_space<vmem>>)
        "tpu.region"() ({
          %run_scoped3A_127 = tpu.sem_alloc : memref<!tpu.dma_semaphore, #tpu.memory_space<semaphore_mem>>
          %dma_start3A_128 = arith.constant 0 : i32
          %dma_start3A_129 = tpu.memref_slice %arg8[%add3A_94, %dma_start3A_128] : memref<62x128xi32, #tpu.memory_space<vmem>> -> memref<1x128xi32, #tpu.memory_space<vmem>>
          %dma_start3A_130 = tpu.memref_squeeze %dma_start3A_129 : memref<1x128xi32, #tpu.memory_space<vmem>> -> memref<128xi32, #tpu.memory_space<vmem>>
          %dma_start3A_131 = arith.constant 0 : i32
          %dma_start3A_132 = arith.constant 0 : i32
          %dma_start3A_133 = tpu.memref_slice %arg11[%dma_start3A_131, %dma_start3A_132] : memref<10112x128xf32, #tpu.memory_space<vmem_shared>> -> memref<10112x128xf32, #tpu.memory_space<vmem_shared>>
          tpu.enqueue_indirect_dma source(%arg9 : memref<128x128xf32, #tpu.memory_space<vmem>>) target(%dma_start3A_133 : memref<10112x128xf32, #tpu.memory_space<vmem_shared>>) offsets(%dma_start3A_130 : memref<128xi32, #tpu.memory_space<vmem>>) semaphore(%run_scoped3A_127 : memref<!tpu.dma_semaphore, #tpu.memory_space<semaphore_mem>>) {add = true}
          %dma_wait3A_134 = arith.constant 0 : i32
          %dma_wait3A_135 = tpu.memref_slice %arg8[%add3A_94, %dma_wait3A_134] : memref<62x128xi32, #tpu.memory_space<vmem>> -> memref<1x128xi32, #tpu.memory_space<vmem>>
          %dma_wait3A_136 = tpu.memref_squeeze %dma_wait3A_135 : memref<1x128xi32, #tpu.memory_space<vmem>> -> memref<128xi32, #tpu.memory_space<vmem>>
          %dma_wait3A_137 = arith.constant 0 : i32
          %dma_wait3A_138 = arith.constant 0 : i32
          %dma_wait3A_139 = tpu.memref_slice %arg11[%dma_wait3A_137, %dma_wait3A_138] : memref<10112x128xf32, #tpu.memory_space<vmem_shared>> -> memref<10112x128xf32, #tpu.memory_space<vmem_shared>>
          tpu.wait_indirect_dma semaphore(%run_scoped3A_127 : memref<!tpu.dma_semaphore, #tpu.memory_space<semaphore_mem>>) src(%arg9 : memref<128x128xf32, #tpu.memory_space<vmem>>) dst(%dma_wait3A_139 : memref<10112x128xf32, #tpu.memory_space<vmem_shared>>)
          tpu.yield
        }) : () -> ()
        %add3A_110 = arith.constant 2 : i32
        %add3A_111 = arith.addi %add3A_94, %add3A_110 : i32
        %dma_start3A_112 = arith.constant 0 : i32
        %dma_start3A_113 = tpu.memref_slice %arg7[%add3A_111, %dma_start3A_112] : memref<62x128xi32, #tpu.memory_space<vmem>> -> memref<1x128xi32, #tpu.memory_space<vmem>>
        %dma_start3A_114 = tpu.memref_squeeze %dma_start3A_113 : memref<1x128xi32, #tpu.memory_space<vmem>> -> memref<128xi32, #tpu.memory_space<vmem>>
        %dma_start3A_115 = arith.constant 0 : i32
        %dma_start3A_116 = arith.constant 0 : i32
        %dma_start3A_117 = tpu.memref_slice %arg2[%dma_start3A_115, %dma_start3A_116] : memref<10000x128xf32, #tpu.memory_space<hbm>> -> memref<10000x128xf32, #tpu.memory_space<hbm>>
        tpu.enqueue_indirect_dma source(%dma_start3A_117 : memref<10000x128xf32, #tpu.memory_space<hbm>>) target(%arg9 : memref<128x128xf32, #tpu.memory_space<vmem>>) offsets(%dma_start3A_114 : memref<128xi32, #tpu.memory_space<vmem>>) semaphore(%arg12 : memref<!tpu.dma_semaphore, #tpu.memory_space<semaphore_mem>>)
        %dma_wait3A_118 = arith.constant 0 : i32
        %dma_wait3A_119 = arith.constant 0 : i32
        %dma_wait3A_120 = tpu.memref_slice %arg7[%dma_wait3A_118, %dma_wait3A_119] : memref<62x128xi32, #tpu.memory_space<vmem>> -> memref<1x128xi32, #tpu.memory_space<vmem>>
        %dma_wait3A_121 = tpu.memref_squeeze %dma_wait3A_120 : memref<1x128xi32, #tpu.memory_space<vmem>> -> memref<128xi32, #tpu.memory_space<vmem>>
        %dma_wait3A_122 = arith.constant 0 : i32
        %dma_wait3A_123 = arith.constant 0 : i32
        %dma_wait3A_124 = tpu.memref_slice %arg2[%dma_wait3A_122, %dma_wait3A_123] : memref<10000x128xf32, #tpu.memory_space<hbm>> -> memref<10000x128xf32, #tpu.memory_space<hbm>>
        tpu.wait_indirect_dma semaphore(%arg13 : memref<!tpu.dma_semaphore, #tpu.memory_space<semaphore_mem>>) src(%dma_wait3A_124 : memref<10000x128xf32, #tpu.memory_space<hbm>>) dst(%arg10 : memref<128x128xf32, #tpu.memory_space<vmem>>)
        %add3A_125 = arith.constant 1 : i32
        %add3A_126 = arith.addi %add3A_94, %add3A_125 : i32
        "tpu.region"() ({
          %run_scoped3A_127 = tpu.sem_alloc : memref<!tpu.dma_semaphore, #tpu.memory_space<semaphore_mem>>
          %dma_start3A_128 = arith.constant 0 : i32
          %dma_start3A_129 = tpu.memref_slice %arg8[%add3A_126, %dma_start3A_128] : memref<62x128xi32, #tpu.memory_space<vmem>> -> memref<1x128xi32, #tpu.memory_space<vmem>>
          %dma_start3A_130 = tpu.memref_squeeze %dma_start3A_129 : memref<1x128xi32, #tpu.memory_space<vmem>> -> memref<128xi32, #tpu.memory_space<vmem>>
          %dma_start3A_131 = arith.constant 0 : i32
          %dma_start3A_132 = arith.constant 0 : i32
          %dma_start3A_133 = tpu.memref_slice %arg11[%dma_start3A_131, %dma_start3A_132] : memref<10112x128xf32, #tpu.memory_space<vmem_shared>> -> memref<10112x128xf32, #tpu.memory_space<vmem_shared>>
          tpu.enqueue_indirect_dma source(%arg10 : memref<128x128xf32, #tpu.memory_space<vmem>>) target(%dma_start3A_133 : memref<10112x128xf32, #tpu.memory_space<vmem_shared>>) offsets(%dma_start3A_130 : memref<128xi32, #tpu.memory_space<vmem>>) semaphore(%run_scoped3A_127 : memref<!tpu.dma_semaphore, #tpu.memory_space<semaphore_mem>>) {add = true}
          %dma_wait3A_134 = arith.constant 0 : i32
          %dma_wait3A_135 = tpu.memref_slice %arg8[%add3A_126, %dma_wait3A_134] : memref<62x128xi32, #tpu.memory_space<vmem>> -> memref<1x128xi32, #tpu.memory_space<vmem>>
          %dma_wait3A_136 = tpu.memref_squeeze %dma_wait3A_135 : memref<1x128xi32, #tpu.memory_space<vmem>> -> memref<128xi32, #tpu.memory_space<vmem>>
          %dma_wait3A_137 = arith.constant 0 : i32
          %dma_wait3A_138 = arith.constant 0 : i32
          %dma_wait3A_139 = tpu.memref_slice %arg11[%dma_wait3A_137, %dma_wait3A_138] : memref<10112x128xf32, #tpu.memory_space<vmem_shared>> -> memref<10112x128xf32, #tpu.memory_space<vmem_shared>>
          tpu.wait_indirect_dma semaphore(%run_scoped3A_127 : memref<!tpu.dma_semaphore, #tpu.memory_space<semaphore_mem>>) src(%arg10 : memref<128x128xf32, #tpu.memory_space<vmem>>) dst(%dma_wait3A_139 : memref<10112x128xf32, #tpu.memory_space<vmem_shared>>)
          tpu.yield
        }) : () -> ()
      }
      %scan3A_66 = arith.constant 8 : i32
      %dma_start3A_67 = arith.constant 17 : i32
      %dma_start3A_68 = arith.constant 0 : i32
      %dma_start3A_69 = tpu.memref_slice %arg7[%dma_start3A_67, %dma_start3A_68] : memref<62x128xi32, #tpu.memory_space<vmem>> -> memref<1x128xi32, #tpu.memory_space<vmem>>
      %dma_start3A_70 = tpu.memref_squeeze %dma_start3A_69 : memref<1x128xi32, #tpu.memory_space<vmem>> -> memref<128xi32, #tpu.memory_space<vmem>>
      %dma_start3A_71 = arith.constant 0 : i32
      %dma_start3A_72 = arith.constant 0 : i32
      %dma_start3A_73 = tpu.memref_slice %arg2[%dma_start3A_71, %dma_start3A_72] : memref<10000x128xf32, #tpu.memory_space<hbm>> -> memref<10000x128xf32, #tpu.memory_space<hbm>>
      tpu.enqueue_indirect_dma source(%dma_start3A_73 : memref<10000x128xf32, #tpu.memory_space<hbm>>) target(%arg10 : memref<128x128xf32, #tpu.memory_space<vmem>>) offsets(%dma_start3A_70 : memref<128xi32, #tpu.memory_space<vmem>>) semaphore(%arg13 : memref<!tpu.dma_semaphore, #tpu.memory_space<semaphore_mem>>)
      %dma_wait3A_74 = arith.constant 0 : i32
      %dma_wait3A_75 = arith.constant 0 : i32
      %dma_wait3A_76 = tpu.memref_slice %arg7[%dma_wait3A_74, %dma_wait3A_75] : memref<62x128xi32, #tpu.memory_space<vmem>> -> memref<1x128xi32, #tpu.memory_space<vmem>>
      %dma_wait3A_77 = tpu.memref_squeeze %dma_wait3A_76 : memref<1x128xi32, #tpu.memory_space<vmem>> -> memref<128xi32, #tpu.memory_space<vmem>>
      %dma_wait3A_78 = arith.constant 0 : i32
      %dma_wait3A_79 = arith.constant 0 : i32
      %dma_wait3A_80 = tpu.memref_slice %arg2[%dma_wait3A_78, %dma_wait3A_79] : memref<10000x128xf32, #tpu.memory_space<hbm>> -> memref<10000x128xf32, #tpu.memory_space<hbm>>
      tpu.wait_indirect_dma semaphore(%arg12 : memref<!tpu.dma_semaphore, #tpu.memory_space<semaphore_mem>>) src(%dma_wait3A_80 : memref<10000x128xf32, #tpu.memory_space<hbm>>) dst(%arg9 : memref<128x128xf32, #tpu.memory_space<vmem>>)
      %run_scoped3A_81 = arith.constant 16 : i32
      "tpu.region"() ({
        %run_scoped3A_90 = tpu.sem_alloc : memref<!tpu.dma_semaphore, #tpu.memory_space<semaphore_mem>>
        %dma_start3A_91 = arith.constant 0 : i32
        %dma_start3A_92 = tpu.memref_slice %arg8[%run_scoped3A_81, %dma_start3A_91] : memref<62x128xi32, #tpu.memory_space<vmem>> -> memref<1x128xi32, #tpu.memory_space<vmem>>
        %dma_start3A_93 = tpu.memref_squeeze %dma_start3A_92 : memref<1x128xi32, #tpu.memory_space<vmem>> -> memref<128xi32, #tpu.memory_space<vmem>>
        %dma_start3A_94 = arith.constant 0 : i32
        %dma_start3A_95 = arith.constant 0 : i32
        %dma_start3A_96 = tpu.memref_slice %arg11[%dma_start3A_94, %dma_start3A_95] : memref<10112x128xf32, #tpu.memory_space<vmem_shared>> -> memref<10112x128xf32, #tpu.memory_space<vmem_shared>>
        tpu.enqueue_indirect_dma source(%arg9 : memref<128x128xf32, #tpu.memory_space<vmem>>) target(%dma_start3A_96 : memref<10112x128xf32, #tpu.memory_space<vmem_shared>>) offsets(%dma_start3A_93 : memref<128xi32, #tpu.memory_space<vmem>>) semaphore(%run_scoped3A_90 : memref<!tpu.dma_semaphore, #tpu.memory_space<semaphore_mem>>) {add = true}
        %dma_wait3A_97 = arith.constant 0 : i32
        %dma_wait3A_98 = tpu.memref_slice %arg8[%run_scoped3A_81, %dma_wait3A_97] : memref<62x128xi32, #tpu.memory_space<vmem>> -> memref<1x128xi32, #tpu.memory_space<vmem>>
        %dma_wait3A_99 = tpu.memref_squeeze %dma_wait3A_98 : memref<1x128xi32, #tpu.memory_space<vmem>> -> memref<128xi32, #tpu.memory_space<vmem>>
        %dma_wait3A_100 = arith.constant 0 : i32
        %dma_wait3A_101 = arith.constant 0 : i32
        %dma_wait3A_102 = tpu.memref_slice %arg11[%dma_wait3A_100, %dma_wait3A_101] : memref<10112x128xf32, #tpu.memory_space<vmem_shared>> -> memref<10112x128xf32, #tpu.memory_space<vmem_shared>>
        tpu.wait_indirect_dma semaphore(%run_scoped3A_90 : memref<!tpu.dma_semaphore, #tpu.memory_space<semaphore_mem>>) src(%arg9 : memref<128x128xf32, #tpu.memory_space<vmem>>) dst(%dma_wait3A_102 : memref<10112x128xf32, #tpu.memory_space<vmem_shared>>)
        tpu.yield
      }) : () -> ()
      %dma_wait3A_82 = arith.constant 0 : i32
      %dma_wait3A_83 = arith.constant 0 : i32
      %dma_wait3A_84 = tpu.memref_slice %arg7[%dma_wait3A_82, %dma_wait3A_83] : memref<62x128xi32, #tpu.memory_space<vmem>> -> memref<1x128xi32, #tpu.memory_space<vmem>>
      %dma_wait3A_85 = tpu.memref_squeeze %dma_wait3A_84 : memref<1x128xi32, #tpu.memory_space<vmem>> -> memref<128xi32, #tpu.memory_space<vmem>>
      %dma_wait3A_86 = arith.constant 0 : i32
      %dma_wait3A_87 = arith.constant 0 : i32
      %dma_wait3A_88 = tpu.memref_slice %arg2[%dma_wait3A_86, %dma_wait3A_87] : memref<10000x128xf32, #tpu.memory_space<hbm>> -> memref<10000x128xf32, #tpu.memory_space<hbm>>
      tpu.wait_indirect_dma semaphore(%arg13 : memref<!tpu.dma_semaphore, #tpu.memory_space<semaphore_mem>>) src(%dma_wait3A_88 : memref<10000x128xf32, #tpu.memory_space<hbm>>) dst(%arg10 : memref<128x128xf32, #tpu.memory_space<vmem>>)
      %run_scoped3A_89 = arith.constant 17 : i32
      "tpu.region"() ({
        %run_scoped3A_90 = tpu.sem_alloc : memref<!tpu.dma_semaphore, #tpu.memory_space<semaphore_mem>>
        %dma_start3A_91 = arith.constant 0 : i32
        %dma_start3A_92 = tpu.memref_slice %arg8[%run_scoped3A_89, %dma_start3A_91] : memref<62x128xi32, #tpu.memory_space<vmem>> -> memref<1x128xi32, #tpu.memory_space<vmem>>
        %dma_start3A_93 = tpu.memref_squeeze %dma_start3A_92 : memref<1x128xi32, #tpu.memory_space<vmem>> -> memref<128xi32, #tpu.memory_space<vmem>>
        %dma_start3A_94 = arith.constant 0 : i32
        %dma_start3A_95 = arith.constant 0 : i32
        %dma_start3A_96 = tpu.memref_slice %arg11[%dma_start3A_94, %dma_start3A_95] : memref<10112x128xf32, #tpu.memory_space<vmem_shared>> -> memref<10112x128xf32, #tpu.memory_space<vmem_shared>>
        tpu.enqueue_indirect_dma source(%arg10 : memref<128x128xf32, #tpu.memory_space<vmem>>) target(%dma_start3A_96 : memref<10112x128xf32, #tpu.memory_space<vmem_shared>>) offsets(%dma_start3A_93 : memref<128xi32, #tpu.memory_space<vmem>>) semaphore(%run_scoped3A_90 : memref<!tpu.dma_semaphore, #tpu.memory_space<semaphore_mem>>) {add = true}
        %dma_wait3A_97 = arith.constant 0 : i32
        %dma_wait3A_98 = tpu.memref_slice %arg8[%run_scoped3A_89, %dma_wait3A_97] : memref<62x128xi32, #tpu.memory_space<vmem>> -> memref<1x128xi32, #tpu.memory_space<vmem>>
        %dma_wait3A_99 = tpu.memref_squeeze %dma_wait3A_98 : memref<1x128xi32, #tpu.memory_space<vmem>> -> memref<128xi32, #tpu.memory_space<vmem>>
        %dma_wait3A_100 = arith.constant 0 : i32
        %dma_wait3A_101 = arith.constant 0 : i32
        %dma_wait3A_102 = tpu.memref_slice %arg11[%dma_wait3A_100, %dma_wait3A_101] : memref<10112x128xf32, #tpu.memory_space<vmem_shared>> -> memref<10112x128xf32, #tpu.memory_space<vmem_shared>>
        tpu.wait_indirect_dma semaphore(%run_scoped3A_90 : memref<!tpu.dma_semaphore, #tpu.memory_space<semaphore_mem>>) src(%arg10 : memref<128x128xf32, #tpu.memory_space<vmem>>) dst(%dma_wait3A_102 : memref<10112x128xf32, #tpu.memory_space<vmem_shared>>)
        tpu.yield
      }) : () -> ()
    } else {
    }
    %barrier3A_8 = arith.constant 0 : index
    tpu.barrier barrier_id(%barrier3A_8)
    %mul3A_9 = arith.constant 632 : i32
    %mul3A_10 = arith.muli %arg1, %mul3A_9 : i32
    %mul3A_11 = arith.constant 632 : i32
    %mul3A_12 = arith.muli %arg1, %mul3A_11 : i32
    "tpu.region"() ({
      %run_scoped3A = tpu.sem_alloc : memref<!tpu.dma_semaphore, #tpu.memory_space<semaphore_mem>>
      %dma_start3A = arith.constant 0 : i32
      %dma_start3A_13 = arith.constant 0 : i32
      %dma_start3A_14 = tpu.memref_slice %arg6[%arg0, %dma_start3A, %dma_start3A_13] : memref<2x10112x128xf32, #tpu.memory_space<hbm>> -> memref<1x10112x128xf32, #tpu.memory_space<hbm>>
      %dma_start3A_15 = tpu.memref_squeeze %dma_start3A_14 : memref<1x10112x128xf32, #tpu.memory_space<hbm>> -> memref<10112x128xf32, #tpu.memory_space<hbm>>
      %dma_start3A_16 = arith.constant 0 : i32
      %dma_start3A_17 = tpu.memref_slice %dma_start3A_15[%mul3A_12, %dma_start3A_16] : memref<10112x128xf32, #tpu.memory_space<hbm>> -> memref<632x128xf32, #tpu.memory_space<hbm>>
      %dma_start3A_18 = arith.constant 0 : i32
      %dma_start3A_19 = tpu.memref_slice %arg11[%mul3A_10, %dma_start3A_18] : memref<10112x128xf32, #tpu.memory_space<vmem_shared>> -> memref<632x128xf32, #tpu.memory_space<vmem_shared>>
      tpu.enqueue_dma source(%dma_start3A_19 : memref<632x128xf32, #tpu.memory_space<vmem_shared>>) target(%dma_start3A_17 : memref<632x128xf32, #tpu.memory_space<hbm>>) target_semaphore(%run_scoped3A : memref<!tpu.dma_semaphore, #tpu.memory_space<semaphore_mem>>)
      %dma_wait3A = arith.constant 0 : i32
      %dma_wait3A_20 = arith.constant 0 : i32
      %dma_wait3A_21 = tpu.memref_slice %arg6[%arg0, %dma_wait3A, %dma_wait3A_20] : memref<2x10112x128xf32, #tpu.memory_space<hbm>> -> memref<1x10112x128xf32, #tpu.memory_space<hbm>>
      %dma_wait3A_22 = tpu.memref_squeeze %dma_wait3A_21 : memref<1x10112x128xf32, #tpu.memory_space<hbm>> -> memref<10112x128xf32, #tpu.memory_space<hbm>>
      %dma_wait3A_23 = arith.constant 0 : i32
      %dma_wait3A_24 = tpu.memref_slice %dma_wait3A_22[%mul3A_12, %dma_wait3A_23] : memref<10112x128xf32, #tpu.memory_space<hbm>> -> memref<632x128xf32, #tpu.memory_space<hbm>>
      %dma_wait3A_25 = arith.constant 0 : i32
      %dma_wait3A_26 = tpu.memref_slice %arg11[%mul3A_10, %dma_wait3A_25] : memref<10112x128xf32, #tpu.memory_space<vmem_shared>> -> memref<632x128xf32, #tpu.memory_space<vmem_shared>>
      tpu.wait_dma2 semaphore(%run_scoped3A : memref<!tpu.dma_semaphore, #tpu.memory_space<semaphore_mem>>) src(%dma_wait3A_26 : memref<632x128xf32, #tpu.memory_space<vmem_shared>>) dst(%dma_wait3A_24 : memref<632x128xf32, #tpu.memory_space<hbm>>)
      tpu.yield
    }) : () -> ()
    return
  }
}

module attributes {stable_mosaic.version = 14 : i64} {
  func.func @body(%arg0: i32, %arg1: memref<1000x128xf32, #tpu.memory_space<vmem>>, %arg2: memref<128x128xf32, #tpu.memory_space<vmem>>, %arg3: memref<2x1000x16xf32, #tpu.memory_space<vmem>>, %arg4: memref<1000x128xf32, #tpu.memory_space<vmem>>) attributes {dimension_semantics = [#tpu.dimension_semantics<arbitrary>], iteration_bounds = array<i64: 10>, scalar_prefetch = 0 : i64, scratch_operands = 0 : i64, tpu.core_type = #tpu.core_type<tc>, window_params = [{transform_indices = @transform_0, window_bounds = array<i64: 1000, 128>}, {pipeline_mode = #tpu.pipeline_mode<synchronous>, transform_indices = @transform_1, window_bounds = array<i64: 128, 128>}, {transform_indices = @transform_2, window_bounds = array<i64: 2, 1000, 16>}, {transform_indices = @transform_3, window_bounds = array<i64: 1000, 128>}]} {
    %get3A = arith.constant 0 : index
    %get3A_0 = arith.constant 0 : index
    %get3A_1 = arith.constant 0 : index
    %get3A_2 = vector.load %arg3[%get3A, %get3A_0, %get3A_1] : memref<2x1000x16xf32, #tpu.memory_space<vmem>>, vector<1x1000x1xf32>
    %get3A_3 = vector.shape_cast %get3A_2 : vector<1x1000x1xf32> to vector<1000x1xf32>
    %get3A_4 = arith.constant 1 : index
    %get3A_5 = arith.constant 0 : index
    %get3A_6 = arith.constant 0 : index
    %get3A_7 = vector.load %arg3[%get3A_4, %get3A_5, %get3A_6] : memref<2x1000x16xf32, #tpu.memory_space<vmem>>, vector<1x1000x1xf32>
    %get3A_8 = vector.shape_cast %get3A_7 : vector<1x1000x1xf32> to vector<1000x1xf32>
    %add3A = arith.addf %get3A_3, %get3A_8 : vector<1000x1xf32>
    %add3A_9 = arith.constant 1.000000e+00 : f32
    %add3A_10 = vector.broadcast %add3A_9 : f32 to vector<1000x1xf32>
    %add3A_11 = arith.addf %add3A, %add3A_10 : vector<1000x1xf32>
    %rsqrt3A = math.rsqrt %add3A_11 : vector<1000x1xf32>
    %get3A_12 = arith.constant 0 : index
    %get3A_13 = arith.constant 0 : index
    %get3A_14 = vector.load %arg1[%get3A_12, %get3A_13] : memref<1000x128xf32, #tpu.memory_space<vmem>>, vector<1000x128xf32>
    %get3A_15 = arith.constant 0 : index
    %get3A_16 = arith.constant 0 : index
    %get3A_17 = vector.load %arg2[%get3A_15, %get3A_16] : memref<128x128xf32, #tpu.memory_space<vmem>>, vector<128x128xf32>
    %dot_general3A = arith.constant dense<0.000000e+00> : vector<1000x128xf32>
    %dot_general3A_18 = tpu.matmul %get3A_14, %get3A_17, %dot_general3A {dimension_numbers = #tpu.dot_dimension_numbers<[1], [0], [0], [1], [0, 0, 1, 1], [], []>, transpose_lhs_hint = false} : vector<1000x128xf32>, vector<128x128xf32>, vector<1000x128xf32> -> vector<1000x128xf32>
    %mul3A = vector.broadcast %rsqrt3A : vector<1000x1xf32> to vector<1000x128xf32>
    %mul3A_19 = arith.mulf %dot_general3A_18, %mul3A : vector<1000x128xf32>
    %swap3A = arith.constant 0 : index
    %swap3A_20 = arith.constant 0 : index
    %swap3A_21 = vector.load %arg4[%swap3A, %swap3A_20] : memref<1000x128xf32, #tpu.memory_space<vmem>>, vector<1000x128xf32>
    tpu.vector_store %arg4[%swap3A, %swap3A_20], %mul3A_19 {strides = array<i32>} : memref<1000x128xf32, #tpu.memory_space<vmem>>, vector<1000x128xf32>,
    return
  }
  func.func @transform_0(%arg0: i32) -> (i32, i32) {
    %c0_i32 = arith.constant 0 : i32
    %c0_i32_0 = arith.constant 0 : i32
    return %arg0, %c0_i32 : i32, i32
  }
  func.func @transform_1(%arg0: i32) -> (i32, i32) {
    %c0_i32 = arith.constant 0 : i32
    %c0_i32_0 = arith.constant 0 : i32
    %c0_i32_1 = arith.constant 0 : i32
    return %c0_i32, %c0_i32_0 : i32, i32
  }
  func.func @transform_2(%arg0: i32) -> (i32, i32, i32) {
    %c0_i32 = arith.constant 0 : i32
    %c0_i32_0 = arith.constant 0 : i32
    %c0_i32_1 = arith.constant 0 : i32
    return %c0_i32, %arg0, %c0_i32_0 : i32, i32, i32
  }
  func.func @transform_3(%arg0: i32) -> (i32, i32) {
    %c0_i32 = arith.constant 0 : i32
    %c0_i32_0 = arith.constant 0 : i32
    return %arg0, %c0_i32 : i32, i32
  }
}

module attributes {stable_mosaic.version = 14 : i64} {
  func.func @body(%arg0: i32, %arg1: memref<2x1000x128xf32, #tpu.memory_space<vmem>>, %arg2: memref<1000x128xf32, #tpu.memory_space<vmem>>, %arg3: memref<2x1000x16xf32, #tpu.memory_space<vmem>>, %arg4: memref<1x128xf32, #tpu.memory_space<vmem>>, %arg5: memref<128x16xf32, #tpu.memory_space<vmem>>, %arg6: memref<1000x16xf32, #tpu.memory_space<vmem>>) attributes {dimension_semantics = [#tpu.dimension_semantics<arbitrary>], iteration_bounds = array<i64: 10>, scalar_prefetch = 0 : i64, scratch_operands = 0 : i64, tpu.core_type = #tpu.core_type<tc>, window_params = [{transform_indices = @transform_0, window_bounds = array<i64: 2, 1000, 128>}, {transform_indices = @transform_1, window_bounds = array<i64: 1000, 128>}, {transform_indices = @transform_2, window_bounds = array<i64: 2, 1000, 16>}, {pipeline_mode = #tpu.pipeline_mode<synchronous>, transform_indices = @transform_3, window_bounds = array<i64: 1, 128>}, {pipeline_mode = #tpu.pipeline_mode<synchronous>, transform_indices = @transform_4, window_bounds = array<i64: 128, 16>}, {transform_indices = @transform_5, window_bounds = array<i64: 1000, 16>}]} {
    %get3A = arith.constant 0 : index
    %get3A_0 = arith.constant 0 : index
    %get3A_1 = arith.constant 0 : index
    %get3A_2 = vector.load %arg3[%get3A, %get3A_0, %get3A_1] : memref<2x1000x16xf32, #tpu.memory_space<vmem>>, vector<1x1000x1xf32>
    %get3A_3 = vector.shape_cast %get3A_2 : vector<1x1000x1xf32> to vector<1000x1xf32>
    %get3A_4 = arith.constant 1 : index
    %get3A_5 = arith.constant 0 : index
    %get3A_6 = arith.constant 0 : index
    %get3A_7 = vector.load %arg3[%get3A_4, %get3A_5, %get3A_6] : memref<2x1000x16xf32, #tpu.memory_space<vmem>>, vector<1x1000x1xf32>
    %get3A_8 = vector.shape_cast %get3A_7 : vector<1x1000x1xf32> to vector<1000x1xf32>
    %add3A = arith.addf %get3A_3, %get3A_8 : vector<1000x1xf32>
    %add3A_9 = arith.constant 1.000000e+00 : f32
    %add3A_10 = vector.broadcast %add3A_9 : f32 to vector<1000x1xf32>
    %add3A_11 = arith.addf %add3A, %add3A_10 : vector<1000x1xf32>
    %rsqrt3A = math.rsqrt %add3A_11 : vector<1000x1xf32>
    %get3A_12 = arith.constant 0 : index
    %get3A_13 = arith.constant 0 : index
    %get3A_14 = arith.constant 0 : index
    %get3A_15 = vector.load %arg1[%get3A_12, %get3A_13, %get3A_14] : memref<2x1000x128xf32, #tpu.memory_space<vmem>>, vector<1x1000x128xf32>
    %get3A_16 = vector.shape_cast %get3A_15 : vector<1x1000x128xf32> to vector<1000x128xf32>
    %get3A_17 = arith.constant 1 : index
    %get3A_18 = arith.constant 0 : index
    %get3A_19 = arith.constant 0 : index
    %get3A_20 = vector.load %arg1[%get3A_17, %get3A_18, %get3A_19] : memref<2x1000x128xf32, #tpu.memory_space<vmem>>, vector<1x1000x128xf32>
    %get3A_21 = vector.shape_cast %get3A_20 : vector<1x1000x128xf32> to vector<1000x128xf32>
    %add3A_22 = arith.addf %get3A_16, %get3A_21 : vector<1000x128xf32>
    %get3A_23 = arith.constant 0 : index
    %get3A_24 = arith.constant 0 : index
    %get3A_25 = vector.load %arg2[%get3A_23, %get3A_24] : memref<1000x128xf32, #tpu.memory_space<vmem>>, vector<1000x128xf32>
    %add3A_26 = arith.addf %add3A_22, %get3A_25 : vector<1000x128xf32>
    %mul3A = vector.broadcast %rsqrt3A : vector<1000x1xf32> to vector<1000x128xf32>
    %mul3A_27 = arith.mulf %add3A_26, %mul3A : vector<1000x128xf32>
    %get3A_28 = arith.constant 0 : index
    %get3A_29 = arith.constant 0 : index
    %get3A_30 = vector.load %arg4[%get3A_28, %get3A_29] : memref<1x128xf32, #tpu.memory_space<vmem>>, vector<1x128xf32>
    %add3A_31 = vector.broadcast %get3A_30 : vector<1x128xf32> to vector<1000x128xf32>
    %add3A_32 = arith.addf %mul3A_27, %add3A_31 : vector<1000x128xf32>
    %max3A = arith.constant 0.000000e+00 : f32
    %max3A_33 = vector.broadcast %max3A : f32 to vector<1000x128xf32>
    %max3A_34 = arith.maximumf %add3A_32, %max3A_33 : vector<1000x128xf32>
    %get3A_35 = arith.constant 0 : index
    %get3A_36 = arith.constant 0 : index
    %get3A_37 = vector.load %arg5[%get3A_35, %get3A_36] : memref<128x16xf32, #tpu.memory_space<vmem>>, vector<128x16xf32>
    %dot_general3A = arith.constant dense<0.000000e+00> : vector<1000x16xf32>
    %dot_general3A_38 = tpu.matmul %max3A_34, %get3A_37, %dot_general3A {dimension_numbers = #tpu.dot_dimension_numbers<[1], [0], [0], [1], [0, 0, 1, 1], [], []>, transpose_lhs_hint = false} : vector<1000x128xf32>, vector<128x16xf32>, vector<1000x16xf32> -> vector<1000x16xf32>
    %mul3A_39 = vector.broadcast %rsqrt3A : vector<1000x1xf32> to vector<1000x16xf32>
    %mul3A_40 = arith.mulf %dot_general3A_38, %mul3A_39 : vector<1000x16xf32>
    %swap3A = arith.constant 0 : index
    %swap3A_41 = arith.constant 0 : index
    %swap3A_42 = vector.load %arg6[%swap3A, %swap3A_41] : memref<1000x16xf32, #tpu.memory_space<vmem>>, vector<1000x16xf32>
    tpu.vector_store %arg6[%swap3A, %swap3A_41], %mul3A_40 {strides = array<i32>} : memref<1000x16xf32, #tpu.memory_space<vmem>>, vector<1000x16xf32>,
    return
  }
  func.func @transform_0(%arg0: i32) -> (i32, i32, i32) {
    %c0_i32 = arith.constant 0 : i32
    %c0_i32_0 = arith.constant 0 : i32
    %c0_i32_1 = arith.constant 0 : i32
    return %c0_i32, %arg0, %c0_i32_0 : i32, i32, i32
  }
  func.func @transform_1(%arg0: i32) -> (i32, i32) {
    %c0_i32 = arith.constant 0 : i32
    %c0_i32_0 = arith.constant 0 : i32
    return %arg0, %c0_i32 : i32, i32
  }
  func.func @transform_2(%arg0: i32) -> (i32, i32, i32) {
    %c0_i32 = arith.constant 0 : i32
    %c0_i32_0 = arith.constant 0 : i32
    %c0_i32_1 = arith.constant 0 : i32
    return %c0_i32, %arg0, %c0_i32_0 : i32, i32, i32
  }
  func.func @transform_3(%arg0: i32) -> (i32, i32) {
    %c0_i32 = arith.constant 0 : i32
    %c0_i32_0 = arith.constant 0 : i32
    %c0_i32_1 = arith.constant 0 : i32
    return %c0_i32, %c0_i32_0 : i32, i32
  }
  func.func @transform_4(%arg0: i32) -> (i32, i32) {
    %c0_i32 = arith.constant 0 : i32
    %c0_i32_0 = arith.constant 0 : i32
    %c0_i32_1 = arith.constant 0 : i32
    return %c0_i32, %c0_i32_0 : i32, i32
  }
  func.func @transform_5(%arg0: i32) -> (i32, i32) {
    %c0_i32 = arith.constant 0 : i32
    %c0_i32_0 = arith.constant 0 : i32
    return %arg0, %c0_i32 : i32, i32
  }
}

module attributes {stable_mosaic.version = 14 : i64} {
  func.func @body(%arg0: i32, %arg1: memref<2x1000x16xf32, #tpu.memory_space<vmem>>, %arg2: memref<1000x16xf32, #tpu.memory_space<vmem>>, %arg3: memref<2x1000x16xf32, #tpu.memory_space<vmem>>, %arg4: memref<1x16xf32, #tpu.memory_space<vmem>>, %arg5: memref<1000x16xf32, #tpu.memory_space<vmem>>) attributes {dimension_semantics = [#tpu.dimension_semantics<arbitrary>], iteration_bounds = array<i64: 10>, scalar_prefetch = 0 : i64, scratch_operands = 0 : i64, tpu.core_type = #tpu.core_type<tc>, window_params = [{transform_indices = @transform_0, window_bounds = array<i64: 2, 1000, 16>}, {transform_indices = @transform_1, window_bounds = array<i64: 1000, 16>}, {transform_indices = @transform_2, window_bounds = array<i64: 2, 1000, 16>}, {pipeline_mode = #tpu.pipeline_mode<synchronous>, transform_indices = @transform_3, window_bounds = array<i64: 1, 16>}, {transform_indices = @transform_4, window_bounds = array<i64: 1000, 16>}]} {
    %get3A = arith.constant 0 : index
    %get3A_0 = arith.constant 0 : index
    %get3A_1 = arith.constant 0 : index
    %get3A_2 = vector.load %arg3[%get3A, %get3A_0, %get3A_1] : memref<2x1000x16xf32, #tpu.memory_space<vmem>>, vector<1x1000x1xf32>
    %get3A_3 = vector.shape_cast %get3A_2 : vector<1x1000x1xf32> to vector<1000x1xf32>
    %get3A_4 = arith.constant 1 : index
    %get3A_5 = arith.constant 0 : index
    %get3A_6 = arith.constant 0 : index
    %get3A_7 = vector.load %arg3[%get3A_4, %get3A_5, %get3A_6] : memref<2x1000x16xf32, #tpu.memory_space<vmem>>, vector<1x1000x1xf32>
    %get3A_8 = vector.shape_cast %get3A_7 : vector<1x1000x1xf32> to vector<1000x1xf32>
    %add3A = arith.addf %get3A_3, %get3A_8 : vector<1000x1xf32>
    %add3A_9 = arith.constant 1.000000e+00 : f32
    %add3A_10 = vector.broadcast %add3A_9 : f32 to vector<1000x1xf32>
    %add3A_11 = arith.addf %add3A, %add3A_10 : vector<1000x1xf32>
    %rsqrt3A = math.rsqrt %add3A_11 : vector<1000x1xf32>
    %get3A_12 = arith.constant 0 : index
    %get3A_13 = arith.constant 0 : index
    %get3A_14 = arith.constant 0 : index
    %get3A_15 = vector.load %arg1[%get3A_12, %get3A_13, %get3A_14] : memref<2x1000x16xf32, #tpu.memory_space<vmem>>, vector<1x1000x16xf32>
    %get3A_16 = vector.shape_cast %get3A_15 : vector<1x1000x16xf32> to vector<1000x16xf32>
    %get3A_17 = arith.constant 1 : index
    %get3A_18 = arith.constant 0 : index
    %get3A_19 = arith.constant 0 : index
    %get3A_20 = vector.load %arg1[%get3A_17, %get3A_18, %get3A_19] : memref<2x1000x16xf32, #tpu.memory_space<vmem>>, vector<1x1000x16xf32>
    %get3A_21 = vector.shape_cast %get3A_20 : vector<1x1000x16xf32> to vector<1000x16xf32>
    %add3A_22 = arith.addf %get3A_16, %get3A_21 : vector<1000x16xf32>
    %get3A_23 = arith.constant 0 : index
    %get3A_24 = arith.constant 0 : index
    %get3A_25 = vector.load %arg2[%get3A_23, %get3A_24] : memref<1000x16xf32, #tpu.memory_space<vmem>>, vector<1000x16xf32>
    %add3A_26 = arith.addf %add3A_22, %get3A_25 : vector<1000x16xf32>
    %mul3A = vector.broadcast %rsqrt3A : vector<1000x1xf32> to vector<1000x16xf32>
    %mul3A_27 = arith.mulf %add3A_26, %mul3A : vector<1000x16xf32>
    %get3A_28 = arith.constant 0 : index
    %get3A_29 = arith.constant 0 : index
    %get3A_30 = vector.load %arg4[%get3A_28, %get3A_29] : memref<1x16xf32, #tpu.memory_space<vmem>>, vector<1x16xf32>
    %add3A_31 = vector.broadcast %get3A_30 : vector<1x16xf32> to vector<1000x16xf32>
    %add3A_32 = arith.addf %mul3A_27, %add3A_31 : vector<1000x16xf32>
    %reduce_max3A = arith.constant dense<0xFF800000> : vector<1000xf32>
    %reduce_max3A_33 = vector.multi_reduction <maximumf>, %add3A_32, %reduce_max3A [1] : vector<1000x16xf32> to vector<1000xf32>
    %broadcast_in_dim3A = vector.shape_cast %reduce_max3A_33 : vector<1000xf32> to vector<1000x1xf32>
    %sub3A = vector.broadcast %broadcast_in_dim3A : vector<1000x1xf32> to vector<1000x16xf32>
    %sub3A_34 = arith.subf %add3A_32, %sub3A : vector<1000x16xf32>
    %exp3A = math.exp %sub3A_34 : vector<1000x16xf32>
    %reduce_sum3A = arith.constant dense<0.000000e+00> : vector<1000xf32>
    %reduce_sum3A_35 = vector.multi_reduction <add>, %exp3A, %reduce_sum3A [1] : vector<1000x16xf32> to vector<1000xf32>
    %broadcast_in_dim3A_36 = vector.shape_cast %reduce_sum3A_35 : vector<1000xf32> to vector<1000x1xf32>
    %log3A = math.log %broadcast_in_dim3A_36 : vector<1000x1xf32>
    %add3A_37 = arith.addf %broadcast_in_dim3A, %log3A : vector<1000x1xf32>
    %sub3A_38 = vector.broadcast %add3A_37 : vector<1000x1xf32> to vector<1000x16xf32>
    %sub3A_39 = arith.subf %add3A_32, %sub3A_38 : vector<1000x16xf32>
    %swap3A = arith.constant 0 : index
    %swap3A_40 = arith.constant 0 : index
    %swap3A_41 = vector.load %arg5[%swap3A, %swap3A_40] : memref<1000x16xf32, #tpu.memory_space<vmem>>, vector<1000x16xf32>
    tpu.vector_store %arg5[%swap3A, %swap3A_40], %sub3A_39 {strides = array<i32>} : memref<1000x16xf32, #tpu.memory_space<vmem>>, vector<1000x16xf32>,
    return
  }
  func.func @transform_0(%arg0: i32) -> (i32, i32, i32) {
    %c0_i32 = arith.constant 0 : i32
    %c0_i32_0 = arith.constant 0 : i32
    %c0_i32_1 = arith.constant 0 : i32
    return %c0_i32, %arg0, %c0_i32_0 : i32, i32, i32
  }
  func.func @transform_1(%arg0: i32) -> (i32, i32) {
    %c0_i32 = arith.constant 0 : i32
    %c0_i32_0 = arith.constant 0 : i32
    return %arg0, %c0_i32 : i32, i32
  }
  func.func @transform_2(%arg0: i32) -> (i32, i32, i32) {
    %c0_i32 = arith.constant 0 : i32
    %c0_i32_0 = arith.constant 0 : i32
    %c0_i32_1 = arith.constant 0 : i32
    return %c0_i32, %arg0, %c0_i32_0 : i32, i32, i32
  }
  func.func @transform_3(%arg0: i32) -> (i32, i32) {
    %c0_i32 = arith.constant 0 : i32
    %c0_i32_0 = arith.constant 0 : i32
    %c0_i32_1 = arith.constant 0 : i32
    return %c0_i32, %c0_i32_0 : i32, i32
  }
  func.func @transform_4(%arg0: i32) -> (i32, i32) {
    %c0_i32 = arith.constant 0 : i32
    %c0_i32_0 = arith.constant 0 : i32
    return %arg0, %c0_i32 : i32, i32
  }
}

</mosaic_0001>

<sc_bundles>
// kernel: kernel.11.cloned.1.call-start
scs
__scs_entry_jumppad:
0x0: {  	(pc) =	sbr.rel $0x88, $3  }
0x1: {  	(tag) =	ssettag $0x0;
	lr =	simm.s32 $0x1  }
0x2: {  	[smem:$0x3F9B] =	sst lr;
	_ =	strace $0xD0000000  }
0x3: {  	_ = 	snop  }
0x4: {  	_ = 	snop  }
0x5: {  	_ = 	snop  }
0x6: {  	_ = 	snop  }
0x7: {  	_ = 	snop  }
__scs_overlays_trampoline_lowered:
0x8: {  	[smem:$0x3FAA] =	sst s0  }
0x9: {  	[smem:$0x3FAB] =	sst s1  }
0xa: {  	[smem:$0x3FAC] =	sst s2  }
0xb: {  	[smem:$0x3FAD] =	sst s3  }
0xc: {  	[smem:$0x3FAE] =	sst s4  }
0xd: {  	[smem:$0x3FAF] =	sst s5  }
0xe: {  	[smem:$0x3FB0] =	sst s6  }
0xf: {  	[smem:$0x3FB1] =	sst s7  }
0x10: {  	[smem:$0x3FB2] =	sst s8  }
0x11: {  	[smem:$0x3FB3] =	sst s9;
	s0 =	simm.s32 @!p0 $0x0  }
0x12: {  	s1 =	sld [smem:$0x3F99];
	s0 =	simm.s32 @p0 $0x1  }
0x13: {  	[smem:$0x3FB4] =	sst s0;
	s0 =	simm.s32 @!p1 $0x0  }
0x14: {  	s2 =	sld [smem:$0x3F98];
	s0 =	simm.s32 @p1 $0x1  }
0x15: {  	[smem:$0x3FB5] =	sst s0;
	s0 =	simm.s32 @!p2 $0x0  }
0x16: {  	s3 =	sld [smem:$0x3FDB];
	s0 =	simm.s32 @p2 $0x1  }
0x17: {  	s4 =	simm.s32 $0x1BF5;
	[smem:$0x3FB7] =	sst s0  }
0x18: {  	s0 =	sld [smem:$0x3F9A];
	_ =	swait.ge [sflag:s4], $0x0  }
0x19: {  	s7 =	sld [smem:$0x3F9B]  }
0x1a: {  	s8 =	sadd.s32 $0xFFFFE003, lr  }
0x1b: {  	s9 =	sadd.s32 $0xFFFFFEF7, lr;
	s5 =	simm.s32 $0xFFFFFFFF;
	p2 =	slt.u32 s8, $0xFFFFF086  }
0x1c: {  	p1 =	slt.u32 s9, $0xF7A;
	s5 =	simm.s32 @!p2 $0x0  }
0x1d: {  	s5 =	simm.s32 @p1 $0x1;
	p0 =	seq.s32 s7, s2  }
0x1e: {  	s7 =	smul.u32 @!p0 $0xF7A, s2;
	p2 =	seq.s32 @!p0 s5, $0x0  }
0x1f: {  	s9 =	smul.u32 $0xF7A, s1;
	s8 =	simm.s32 @!p0 $0x1BF5;
	p2 =	por !p2, p0  }
0x20: {  	[sflag:s8] =	ssyncset.s32 @!p0 $0xFFFFF086;
	s6 =	sadd.s32 @!p0 s3, s7;
	s7 =	simm.s32 @!p0 $0x108  }
0x21: {  	s3 =	sadd.s32 s3, s9;
	s6 =	sadd.s32 @!p0 $0x88, s6;
	s7 =	simm.s32 @p2 $0x1082  }
0x22: {  	[simem:s7], [sflag:s8] =	dma.local @!p0 [hbm:s6], $0xF7A  }
0x23: {  	s9 =	sor.u32 $0xD0000000, s2;
	s6 =	simm.s32 $0x108;
	_ =	swait.ge @!p0 [sflag:s8], $0x0  }
0x24: {  	s3 =	sadd.s32 $0x88, s3;
	s6 =	simm.s32 @!p1 $0x1082;
	[sflag:s4] =	ssyncset.s32 $0xFFFFF086  }
0x25: {  	[simem:s6], [sflag:s4] =	dma.local [hbm:s3], $0xF7A  }
0x26: {  	[smem:$0x3F9B] =	sst s1;
	(tag) =	ssettag s2;
	_ =	strace s9  }
0x27: {  	s1 =	sld [smem:$0x3FAB]  }
0x28: {  	s2 =	sld [smem:$0x3FAC]  }
0x29: {  	s4 =	sld [smem:$0x3FAE]  }
0x2a: {  	p0 =	seq.s32 s5, $0x0;
	s5 =	sld [smem:$0x3FAF]  }
0x2b: {  	s6 =	sld [smem:$0x3FB0]  }
0x2c: {  	s7 =	sld [smem:$0x3FB1]  }
0x2d: {  	s3 =	simm.s32 $0x108;
	s8 =	sld [smem:$0x3FB2]  }
0x2e: {  	s3 =	simm.s32 @!p0 $0x1082;
	s9 =	sld [smem:$0x3FB3]  }
0x2f: {  	lr =	sadd.s32 s0, s3;
	s0 =	sld [smem:$0x3FAA]  }
0x30: {  	s3 =	sld [smem:$0x3FAD]  }
0x31: {  	[smem:$0x3FB6] =	sst s10  }
0x32: {  	s10 =	sld [smem:$0x3FB4];
	_ =	sdelay $0x3  }
0x33: {  	p0 =	seq.s32 s10, $0x1;
	s10 =	sld [smem:$0x3FB6];
	_ =	sdelay $0x3  }
0x34: {  	[smem:$0x3FB6] =	sst s10  }
0x35: {  	s10 =	sld [smem:$0x3FB5];
	_ =	sdelay $0x3  }
0x36: {  	p1 =	seq.s32 s10, $0x1;
	s10 =	sld [smem:$0x3FB6];
	_ =	sdelay $0x3  }
0x37: {  	[smem:$0x3FB6] =	sst s10  }
0x38: {  	s10 =	sld [smem:$0x3FB7]  }
0x39: {  	_ = 	snop;
	(pc) =	sbr.ind lr, $3  }
0x3a: {  	_ = 	snop  }
0x3b: {  	_ = 	snop  }
0x3c: {  	p2 =	seq.s32 s10, $0x1;
	s10 =	sld [smem:$0x3FB6]  }
0x3d: {  	_ =	shalt  }
0x3e: {  	_ =	shalt  }
0x3f: {  	_ =	shalt  }
0x40: {  	_ =	shalt  }
0x41: {  	_ =	shalt  }
0x42: {  	_ =	shalt  }
0x43: {  	_ =	shalt  }
0x44: {  	_ =	shalt  }
0x45: {  	_ =	shalt  }
0x46: {  	_ =	shalt  }
0x47: {  	_ =	shalt  }
0x48: {  	_ =	shalt  }
0x49: {  	_ =	shalt  }
0x4a: {  	_ =	shalt  }
0x4b: {  	_ =	shalt  }
0x4c: {  	_ =	shalt  }
0x4d: {  	_ =	shalt  }
0x4e: {  	_ =	shalt  }
0x4f: {  	_ =	shalt  }
0x50: {  	_ =	shalt  }
0x51: {  	_ =	shalt  }
0x52: {  	_ =	shalt  }
0x53: {  	_ =	shalt  }
0x54: {  	_ =	shalt  }
0x55: {  	_ =	shalt  }
0x56: {  	_ =	shalt  }
0x57: {  	_ =	shalt  }
0x58: {  	_ =	shalt  }
0x59: {  	_ =	shalt  }
0x5a: {  	_ =	shalt  }
0x5b: {  	_ =	shalt  }
0x5c: {  	_ =	shalt  }
0x5d: {  	_ =	shalt  }
0x5e: {  	_ =	shalt  }
0x5f: {  	_ =	shalt  }
0x60: {  	_ =	shalt  }
0x61: {  	_ =	shalt  }
0x62: {  	_ =	shalt  }
0x63: {  	_ =	shalt  }
0x64: {  	_ =	shalt  }
0x65: {  	_ =	shalt  }
0x66: {  	_ =	shalt  }
0x67: {  	_ =	shalt  }
0x68: {  	_ =	shalt  }
0x69: {  	_ =	shalt  }
0x6a: {  	_ =	shalt  }
0x6b: {  	_ =	shalt  }
0x6c: {  	_ =	shalt  }
0x6d: {  	_ =	shalt  }
0x6e: {  	_ =	shalt  }
0x6f: {  	_ =	shalt  }
0x70: {  	_ =	shalt  }
0x71: {  	_ =	shalt  }
0x72: {  	_ =	shalt  }
0x73: {  	_ =	shalt  }
0x74: {  	_ =	shalt  }
0x75: {  	_ =	shalt  }
0x76: {  	_ =	shalt  }
0x77: {  	_ =	shalt  }
0x78: {  	_ =	shalt  }
0x79: {  	_ =	shalt  }
0x7a: {  	_ =	shalt  }
0x7b: {  	_ =	shalt  }
0x7c: {  	_ =	shalt  }
0x7d: {  	_ =	shalt  }
0x7e: {  	_ =	shalt  }
0x7f: {  	_ =	shalt  }
0x80: {  	_ =	shalt  }
0x81: {  	_ =	shalt  }
0x82: {  	_ =	shalt  }
0x83: {  	_ =	shalt  }
0x84: {  	_ =	shalt  }
0x85: {  	_ =	shalt  }
0x86: {  	_ =	shalt  }
0x87: {  	_ =	shalt  }
.Lfunc_end0:
.L_simem_size_0:
called_computation.1_lowered:
.L_overlay_start_0:
0x88: {  	s2 =	sld [smem:$0x3FD9]  }
0x89: {  	s3 =	sld [smem:$0x3FFE];
	_ =	sdelay $0x1  }
0x8a: {  	s1 =	srdreg.scid  }
0x8b: {  	s0 =	sand.u32 $0x1, s1  }
0x8c: {  	s17 =	sshll.u32 s0, $0xA;
	s2 =	sadd.s32 s3, s2  }
0x8d: {  	s2 =	sadd.s32 s2, s17  }
0x8e: {  	[smem:$0x3FC2] =	sst s2  }
0x8f: {  	_ = 	snop  }
0x90: {  	s2 =	sld [smem:$0x3FD0];
	(tm) =	ssettm $0x1  }
0x91: {  	s18 =	sld [smem:$0x3FFB];
	_ =	sdelay $0x3  }
0x92: {  	_ =	strace s18  }
0x93: {  	s3 =	sld [smem:$0x3FFC];
	_ =	sdelay $0x3  }
0x94: {  	_ =	strace s3  }
0x95: {  	s3 =	sld [smem:$0x3FFD];
	_ =	sdelay $0x3  }
0x96: {  	_ =	strace s3  }
0x97: {  	_ =	strace $0x8FFFFFFF  }
0x98: {  	s19 =	sld [smem:$0x3FDB];
	_ =	sdelay $0x1  }
0x99: {  	s4 =	simm.s32 $_scs_section_size  }
0x9a: {  	s5 =	simm.s32 $_size__tile_overlayer_lowered;
	s6 =	simm.s32 $_tile_overlayer_lowered  }
0x9b: {  	s22 =	simm.s32 $0x1BFF;
	s21 =	sshll.u32 s6, $0x1;
	s3 =	sadd.s32 s4, s19  }
0x9c: {  	s7 =	simm.s32 $0x0;
	s20 =	sshll.u32 s5, $0x1;
	s5 =	sadd.s32 s21, s3  }
0x9d: {  	[timem:s7], [sflag:s22] =	dma.local [hbm:s5], s20  }
0x9e: {  	_ =	swait.ge [sflag:s22], s20  }
0x9f: {  	s4 =	ssub.s32 $0x0, s20;
	[sflag:s22] =	ssyncset.done $0x0  }
0xa0: {  	[sflag:s22] =	ssyncadd.s32 s4;
	_ =	sdelay $0x1  }
0xa1: {  	s23 =	simm.s32 $0x1B8B  }
0xa2: {  	_ =	swait.ge [sflag:s23], $0x1  }
0xa3: {  	[sflag:s23] =	ssyncset.done $0x0  }
0xa4: {  	s25 =	simm.s32 $0x1B8E;
	s24 =	sld [smem:$0x3FFE];
	[sflag:s23] =	ssyncadd.s32 $0xFFFFFFFF  }
0xa5: {  	s26 =	simm.s32 $execute0_lowered;
	[smem:$0x3FD2] =	sst s25  }
0xa6: {  	s5 =	sshll.u32 s26, $0x1;
	_ =	strace $0x80000049;
	[dreg:$0x1] =	wrdreg $0xFFFFFFFF  }
0xa7: {  	s28 =	simm.s32 $_size_execute0_lowered;
	s3 =	sadd.s32 s3, s5;
	[dreg:$0x0] =	wrdreg $0x0  }
0xa8: {  	s5 =	sshll.u32 s28, $0x1;
	[dreg:$0x2] =	wrdreg s3  }
0xa9: {  	[dreg:$0x3] =	wrdreg s5  }
0xaa: {  	[dreg:$0x4] =	wrdreg $0xC0  }
0xab: {  	_ =	task [dreg:s7], $0x5FFFF  }
0xac: {  	[dreg:$0x1] =	wrdreg $0xFFFFFFFF  }
0xad: {  	[dreg:$0x0] =	wrdreg $0x60  }
0xae: {  	[dreg:$0x2] =	wrdreg s24  }
0xaf: {  	[dreg:$0x3] =	wrdreg s2  }
0xb0: {  	[dreg:$0x4] =	wrdreg $0xBE000  }
0xb1: {  	[dreg:$0x5] =	wrdreg $0x9  }
0xb2: {  	_ =	task.clear_ibuf [dreg:s7], $0x6FFFF;
	_ =	strace $0x90000049  }
0xb3: {  	s29 =	simm.s32 $0x9;
	_ =	strace $0x8000004B  }
0xb4: {  	_ =	swait.ge [sflag:s29], $0x1  }
0xb5: {  	[sflag:s29] =	ssyncadd.s32 $0xFFFFFFFF  }
0xb6: {  	_ =	strace $0x9000004B  }
0xb7: {  	_ =	sfence  }
0xb8: {  	s30 =	sld [smem:$0x0];
	_ =	sdelay $0x2  }
0xb9: {  	s31 =	sshll.u32 s1, $0xD;
	s1 =	sshrl.u32 s1, $0x2  }
0xba: {  	s3 =	sand.u32 $0x4000, s31;
	s1 =	sadd.s32 s1, s30  }
0xbb: {  	s0 =	sor.u32 s3, s0;
	s1 =	sshll.u32 s1, $0x11  }
0xbc: {  	s0 =	sor.u32 s1, s0  }
0xbd: {  	s0 =	sadd.s32 $0x8F2B, s0  }
0xbe: {  	[sflag:s0] =	ssyncadd.remote.s32 $0x1  }
0xbf: {  	_ =	sfence.sel $0xFFFF  }
0xc0: {  	[dreg:$0x0] =	wrdreg $0xFFFFFFFF;
	(pc) =	sbr.abs _section_cstart, $3  }
0xc1: {  	[dreg:$0x1] =	wrdreg $0xFFFFFFFF  }
0xc2: {  	_ =	task.clear_ibuf [dreg:s7], $0x2FFFF;
	_ =	strace $0x9FFFFFFF  }
0xc3: {  	(tm) =	ssettm $0x7FFFFFFF  }
tec
execute0_lowered:
.L_overlay_start_1:
0x0: {  	(tag) =	ssettag $0x1  }
0x1: {  	s0 =	rddreg [dreg:$0x0]  }
0x2: {  	s30 =	rddreg [dreg:$0x1]  }
0x3: {  	s2 =	rddreg [dreg:$0x2];
	s1 =	simm.s32 $0x0  }
0x4: {  	s19 =	srdreg.scid;
	s13 =	stileid.u32;
	s17 =	simm.s32 $0x3  }
0x5: {  	s3 =	simm.s32 $0x1F00;
	s18 =	simm.s32 $0x0;
	s14 =	simm.s32 $0x1F80  }
0x6: {  	s15 =	simm.s32 $0x2000;
	s16 =	simm.s32 $0x380;
	s9 =	smul.u32 $0x13C00, s13  }
0x7: {  	[smem:$0x7FF] =	sst s1;
	s1 =	sand.u32 $0x1, s19;
	s11 =	smul.u32 $0x7C0, s13  }
0x8: {  	s5 =	sadd.s32 $0x6FE00, s0;
	s8 =	sadd.s32 $0x16A00, s0;
	s12 =	smul.u32 $0x3E00, s13  }
0x9: {  	s10 =	sadd.s32 $0x2200, s0;
	s21 =	sshll.u32 s13, $0x6;
	s13 =	smul.u32 $0x1200, s13  }
0xa: {  	s19 =	simm.s32 $0x80;
	_ =	strace $0x8000004A;
	s6 =	ssub.s32 $0x2, s1  }
0xb: {  	s4 =	smul.u32 $0x27800, s1;
	p0 =	seq.s32 s1, $0x1;
	s7 =	sshrl.u32 s6, $0x1  }
0xc: {  	s22 =	sshrl.u32 s12, $0x3;
	s23 =	sadd.s32 s8, s11;
	s24 =	sshrl.u32 s13, $0x3  }
0xd: {  	s11 =	sadd.s32 s10, s11;
	s31 =	sshrl.u32 s9, $0x3;
	s0 =	sadd.s32 s4, s0  }
0xe: {  	s20 =	ssub.s32 s6, s7;
	s6 =	sadd.s32 s9, s2;
	[dreg:$0x4] =	wrdreg s23  }
0xf: {  	s7 =	sor.u32 $0x1C03, s21;
	s1 =	sadd.s32 $0x3E0, s22;
	[dreg:$0x5] =	wrdreg s11  }
0x10: {  	s26 =	sadd.s32 $0x7C00, s24;
	s29 =	sadd.s32 $0x7D20, s24;
	s21 =	simm.s32 $0x7E00  }
0x11: {  	s22 =	simm.s32 $0x1;
	s24 =	simm.s32 $0x200;
	s23 =	simm.s32 $0x2100  }
0x12: {  	s9 =	simm.s32 $0x300;
	s25 =	sadd.s32 s8, s1;
	s1 =	sadd.s32 s10, s1  }
0x13: {  	s28 =	sadd.s32 s8, s26;
	s11 =	sadd.s32 s10, s26;
	[dreg:$0x6] =	wrdreg s25  }
.Ltmp0:
0x14: {  	s8 =	sadd.s32 s8, s29;
	[dreg:$0x7] =	wrdreg s1;
	(pc) =	sbr.rel .LBB2_1-.Ltmp0, $4  }
0x15: {  	s0 =	sadd.s32 $0x97000, s0;
	s4 =	smax.u32 s20, $0x1;
	[dreg:$0x8] =	wrdreg s28  }
0x16: {  	s20 =	simm.s32 $0x3E00;
	s26 =	simm.s32 $0x0;
	[dreg:$0x9] =	wrdreg s11  }
0x17: {  	[dreg:$0xa] =	wrdreg s8;
	s1 =	sadd.s32 s10, s29;
	s0 =	sadd.s32 s31, s0  }
0x18: {  	s25 =	simm.s32 $0x2;
	s10 =	simm.s32 $0x2180;
	[dreg:$0xb] =	wrdreg s1  }
.LBB2_8:
0x19: {  	s12 =	rddreg [dreg:$0x8]  }
0x1a: {  	[tilespmem:s18], [sflag:$0x3] =	stream.linear.gather [hbm4b:s12+s18], $0x1F00, $0x38;
	[tilespmem:$0x1FA00] =	vst v63  }
0x1b: {  	_ =	swait.ge [sflag:s17], $0x1F00  }
0x1c: {  	[sflag:s17] =	ssyncset.done $0x0  }
0x1d: {  	s8 =	rddreg [dreg:$0x9];
	[sflag:s17] =	ssyncadd.s32 $0xFFFFE100  }
0x1e: {  	[tilespmem:s3], [sflag:$0x3] =	stream.linear.gather [hbm4b:s8+s18], $0x1F00, $0x38;
	[tilespmem:$0x1FA00] =	vst v63  }
0x1f: {  	_ =	swait.ge [sflag:s17], $0x1F00  }
0x20: {  	[sflag:s17] =	ssyncset.done $0x0  }
0x21: {  	[sflag:s17] =	ssyncadd.s32 $0xFFFFE100  }
0x22: {  	[tilespmem:s20], [sflag:$0x1] =	stream.indirect.gather [hbm4b:s5+s19], $0x80, s18, s19, $0xb8;
	[tilespmem:$0x1FA00] =	vst v63  }
0x23: {  	_ = 	snop  }
0x24: {  	[tilespmem:s21], [sflag:$0x2] =	stream.indirect.gather [hbm4b:s5+s19], $0x80, s19, s19, $0xb8;
	[tilespmem:$0x1FA00] =	vst v63  }
0x25: {  	_ =	swait.ge [sflag:s22], $0x4000  }
0x26: {  	[sflag:s22] =	ssyncset.done $0x0  }
0x27: {  	[sflag:s22] =	ssyncadd.s32 $0xFFFFC000  }
0x28: {  	[spmem:s2] =	stream.indirect.scatter.add.f32 [tilespmem:s20], [sflag:$0x3], $0x80, s3, s19, $0xb8;
	[tilespmem:$0x1FA00] =	vst v63  }
0x29: {  	_ =	swait.ge [sflag:s17], $0x4000  }
0x2a: {  	[sflag:s17] =	ssyncset.done $0x0  }
0x2b: {  	s31 =	simm.s32 $0x100;
	[sflag:s17] =	ssyncadd.s32 $0xFFFFC000  }
0x2c: {  	[tilespmem:s20], [sflag:$0x1] =	stream.indirect.gather [hbm4b:s5+s19], $0x80, s31, s19, $0xb8;
	[tilespmem:$0x1FA00] =	vst v63  }
0x2d: {  	_ =	swait.ge [sflag:s25], $0x4000  }
0x2e: {  	[sflag:s25] =	ssyncset.done $0x0  }
0x2f: {  	[sflag:s25] =	ssyncadd.s32 $0xFFFFC000  }
0x30: {  	[spmem:s2] =	stream.indirect.scatter.add.f32 [tilespmem:s21], [sflag:$0x3], $0x80, s14, s19, $0xb8;
	[tilespmem:$0x1FA00] =	vst v63  }
0x31: {  	_ =	swait.ge [sflag:s17], $0x4000  }
0x32: {  	[sflag:s17] =	ssyncset.done $0x0  }
0x33: {  	s3 =	simm.s32 $0x180;
	[sflag:s17] =	ssyncadd.s32 $0xFFFFC000  }
0x34: {  	[tilespmem:s21], [sflag:$0x2] =	stream.indirect.gather [hbm4b:s5+s19], $0x80, s3, s19, $0xb8;
	[tilespmem:$0x1FA00] =	vst v63  }
0x35: {  	_ =	swait.ge [sflag:s22], $0x4000  }
0x36: {  	[sflag:s22] =	ssyncset.done $0x0  }
0x37: {  	[sflag:s22] =	ssyncadd.s32 $0xFFFFC000  }
0x38: {  	[spmem:s2] =	stream.indirect.scatter.add.f32 [tilespmem:s20], [sflag:$0x3], $0x80, s15, s19, $0xb8;
	[tilespmem:$0x1FA00] =	vst v63  }
0x39: {  	_ =	swait.ge [sflag:s17], $0x4000  }
0x3a: {  	[sflag:s17] =	ssyncset.done $0x0  }
0x3b: {  	[sflag:s17] =	ssyncadd.s32 $0xFFFFC000  }
0x3c: {  	[tilespmem:s20], [sflag:$0x1] =	stream.indirect.gather [hbm4b:s5+s19], $0x80, s24, s19, $0xb8;
	[tilespmem:$0x1FA00] =	vst v63  }
0x3d: {  	_ =	swait.ge [sflag:s25], $0x4000  }
0x3e: {  	[sflag:s25] =	ssyncset.done $0x0  }
0x3f: {  	s8 =	simm.s32 $0x2080;
	[sflag:s25] =	ssyncadd.s32 $0xFFFFC000  }
0x40: {  	[spmem:s2] =	stream.indirect.scatter.add.f32 [tilespmem:s21], [sflag:$0x3], $0x80, s8, s19, $0xb8;
	[tilespmem:$0x1FA00] =	vst v63  }
0x41: {  	_ =	swait.ge [sflag:s17], $0x4000  }
0x42: {  	[sflag:s17] =	ssyncset.done $0x0  }
0x43: {  	s8 =	simm.s32 $0x280;
	[sflag:s17] =	ssyncadd.s32 $0xFFFFC000  }
0x44: {  	[tilespmem:s21], [sflag:$0x2] =	stream.indirect.gather [hbm4b:s5+s19], $0x80, s8, s19, $0xb8;
	[tilespmem:$0x1FA00] =	vst v63  }
0x45: {  	_ =	swait.ge [sflag:s22], $0x4000  }
0x46: {  	[sflag:s22] =	ssyncset.done $0x0  }
0x47: {  	[sflag:s22] =	ssyncadd.s32 $0xFFFFC000  }
0x48: {  	[spmem:s2] =	stream.indirect.scatter.add.f32 [tilespmem:s20], [sflag:$0x3], $0x80, s23, s19, $0xb8;
	[tilespmem:$0x1FA00] =	vst v63  }
0x49: {  	_ =	swait.ge [sflag:s17], $0x4000  }
0x4a: {  	[sflag:s17] =	ssyncset.done $0x0  }
0x4b: {  	[sflag:s17] =	ssyncadd.s32 $0xFFFFC000  }
0x4c: {  	[tilespmem:s20], [sflag:$0x1] =	stream.indirect.gather [hbm4b:s5+s19], $0x80, s9, s19, $0xb8;
	[tilespmem:$0x1FA00] =	vst v63  }
0x4d: {  	_ =	swait.ge [sflag:s25], $0x4000  }
0x4e: {  	[sflag:s25] =	ssyncset.done $0x0  }
0x4f: {  	[sflag:s25] =	ssyncadd.s32 $0xFFFFC000  }
0x50: {  	[spmem:s2] =	stream.indirect.scatter.add.f32 [tilespmem:s21], [sflag:$0x3], $0x80, s10, s19, $0xb8;
	[tilespmem:$0x1FA00] =	vst v63  }
0x51: {  	_ =	swait.ge [sflag:s17], $0x4000  }
0x52: {  	[sflag:s17] =	ssyncset.done $0x0  }
0x53: {  	[sflag:s17] =	ssyncadd.s32 $0xFFFFC000  }
0x54: {  	[tilespmem:s21], [sflag:$0x2] =	stream.indirect.gather [hbm4b:s5+s19], $0x80, s16, s19, $0xb8;
	[tilespmem:$0x1FA00] =	vst v63  }
0x55: {  	_ =	swait.ge [sflag:s22], $0x4000  }
0x56: {  	[sflag:s22] =	ssyncset.done $0x0  }
0x57: {  	s13 =	simm.s32 $0x2200;
	[sflag:s22] =	ssyncadd.s32 $0xFFFFC000  }
0x58: {  	[spmem:s2] =	stream.indirect.scatter.add.f32 [tilespmem:s20], [sflag:$0x3], $0x80, s13, s19, $0xb8;
	[tilespmem:$0x1FA00] =	vst v63  }
0x59: {  	_ =	swait.ge [sflag:s17], $0x4000  }
0x5a: {  	[sflag:s17] =	ssyncset.done $0x0  }
0x5b: {  	s13 =	simm.s32 $0x400;
	[sflag:s17] =	ssyncadd.s32 $0xFFFFC000  }
0x5c: {  	[tilespmem:s20], [sflag:$0x1] =	stream.indirect.gather [hbm4b:s5+s19], $0x80, s13, s19, $0xb8;
	[tilespmem:$0x1FA00] =	vst v63  }
0x5d: {  	_ =	swait.ge [sflag:s25], $0x4000  }
0x5e: {  	[sflag:s25] =	ssyncset.done $0x0  }
0x5f: {  	s13 =	simm.s32 $0x2280;
	[sflag:s25] =	ssyncadd.s32 $0xFFFFC000  }
0x60: {  	[spmem:s2] =	stream.indirect.scatter.add.f32 [tilespmem:s21], [sflag:$0x3], $0x80, s13, s19, $0xb8;
	[tilespmem:$0x1FA00] =	vst v63  }
0x61: {  	_ =	swait.ge [sflag:s17], $0x4000  }
0x62: {  	[sflag:s17] =	ssyncset.done $0x0  }
0x63: {  	s13 =	simm.s32 $0x480;
	[sflag:s17] =	ssyncadd.s32 $0xFFFFC000  }
0x64: {  	[tilespmem:s21], [sflag:$0x2] =	stream.indirect.gather [hbm4b:s5+s19], $0x80, s13, s19, $0xb8;
	[tilespmem:$0x1FA00] =	vst v63  }
0x65: {  	_ =	swait.ge [sflag:s22], $0x4000  }
0x66: {  	[sflag:s22] =	ssyncset.done $0x0  }
0x67: {  	s13 =	simm.s32 $0x2300;
	[sflag:s22] =	ssyncadd.s32 $0xFFFFC000  }
0x68: {  	[spmem:s2] =	stream.indirect.scatter.add.f32 [tilespmem:s20], [sflag:$0x3], $0x80, s13, s19, $0xb8;
	[tilespmem:$0x1FA00] =	vst v63  }
0x69: {  	_ =	swait.ge [sflag:s17], $0x4000  }
0x6a: {  	[sflag:s17] =	ssyncset.done $0x0  }
0x6b: {  	s13 =	simm.s32 $0x500;
	[sflag:s17] =	ssyncadd.s32 $0xFFFFC000  }
0x6c: {  	[tilespmem:s20], [sflag:$0x1] =	stream.indirect.gather [hbm4b:s5+s19], $0x80, s13, s19, $0xb8;
	[tilespmem:$0x1FA00] =	vst v63  }
0x6d: {  	_ =	swait.ge [sflag:s25], $0x4000  }
0x6e: {  	[sflag:s25] =	ssyncset.done $0x0  }
0x6f: {  	s13 =	simm.s32 $0x2380;
	[sflag:s25] =	ssyncadd.s32 $0xFFFFC000  }
0x70: {  	[spmem:s2] =	stream.indirect.scatter.add.f32 [tilespmem:s21], [sflag:$0x3], $0x80, s13, s19, $0xb8;
	[tilespmem:$0x1FA00] =	vst v63  }
0x71: {  	_ =	swait.ge [sflag:s17], $0x4000  }
0x72: {  	[sflag:s17] =	ssyncset.done $0x0  }
0x73: {  	s13 =	simm.s32 $0x580;
	[sflag:s17] =	ssyncadd.s32 $0xFFFFC000  }
0x74: {  	[tilespmem:s21], [sflag:$0x2] =	stream.indirect.gather [hbm4b:s5+s19], $0x80, s13, s19, $0xb8;
	[tilespmem:$0x1FA00] =	vst v63  }
0x75: {  	_ =	swait.ge [sflag:s22], $0x4000  }
0x76: {  	[sflag:s22] =	ssyncset.done $0x0  }
0x77: {  	s13 =	simm.s32 $0x2400;
	[sflag:s22] =	ssyncadd.s32 $0xFFFFC000  }
0x78: {  	[spmem:s2] =	stream.indirect.scatter.add.f32 [tilespmem:s20], [sflag:$0x3], $0x80, s13, s19, $0xb8;
	[tilespmem:$0x1FA00] =	vst v63  }
0x79: {  	_ =	swait.ge [sflag:s17], $0x4000  }
0x7a: {  	[sflag:s17] =	ssyncset.done $0x0  }
0x7b: {  	s13 =	simm.s32 $0x600;
	[sflag:s17] =	ssyncadd.s32 $0xFFFFC000  }
0x7c: {  	[tilespmem:s20], [sflag:$0x1] =	stream.indirect.gather [hbm4b:s5+s19], $0x80, s13, s19, $0xb8;
	[tilespmem:$0x1FA00] =	vst v63  }
0x7d: {  	_ =	swait.ge [sflag:s25], $0x4000  }
0x7e: {  	[sflag:s25] =	ssyncset.done $0x0  }
0x7f: {  	s13 =	simm.s32 $0x2480;
	[sflag:s25] =	ssyncadd.s32 $0xFFFFC000  }
0x80: {  	[spmem:s2] =	stream.indirect.scatter.add.f32 [tilespmem:s21], [sflag:$0x3], $0x80, s13, s19, $0xb8;
	[tilespmem:$0x1FA00] =	vst v63  }
0x81: {  	_ =	swait.ge [sflag:s17], $0x4000  }
0x82: {  	[sflag:s17] =	ssyncset.done $0x0  }
0x83: {  	s13 =	simm.s32 $0x680;
	[sflag:s17] =	ssyncadd.s32 $0xFFFFC000  }
0x84: {  	[tilespmem:s21], [sflag:$0x2] =	stream.indirect.gather [hbm4b:s5+s19], $0x80, s13, s19, $0xb8;
	[tilespmem:$0x1FA00] =	vst v63  }
0x85: {  	_ =	swait.ge [sflag:s22], $0x4000  }
0x86: {  	[sflag:s22] =	ssyncset.done $0x0  }
0x87: {  	s13 =	simm.s32 $0x2500;
	[sflag:s22] =	ssyncadd.s32 $0xFFFFC000  }
0x88: {  	[spmem:s2] =	stream.indirect.scatter.add.f32 [tilespmem:s20], [sflag:$0x3], $0x80, s13, s19, $0xb8;
	[tilespmem:$0x1FA00] =	vst v63  }
0x89: {  	_ =	swait.ge [sflag:s17], $0x4000  }
0x8a: {  	[sflag:s17] =	ssyncset.done $0x0  }
0x8b: {  	s13 =	simm.s32 $0x700;
	[sflag:s17] =	ssyncadd.s32 $0xFFFFC000  }
0x8c: {  	[tilespmem:s20], [sflag:$0x1] =	stream.indirect.gather [hbm4b:s5+s19], $0x80, s13, s19, $0xb8;
	[tilespmem:$0x1FA00] =	vst v63  }
0x8d: {  	_ =	swait.ge [sflag:s25], $0x4000  }
0x8e: {  	[sflag:s25] =	ssyncset.done $0x0  }
0x8f: {  	s13 =	simm.s32 $0x2580;
	[sflag:s25] =	ssyncadd.s32 $0xFFFFC000  }
0x90: {  	[spmem:s2] =	stream.indirect.scatter.add.f32 [tilespmem:s21], [sflag:$0x3], $0x80, s13, s19, $0xb8;
	[tilespmem:$0x1FA00] =	vst v63  }
0x91: {  	_ =	swait.ge [sflag:s17], $0x4000  }
0x92: {  	[sflag:s17] =	ssyncset.done $0x0  }
0x93: {  	s13 =	simm.s32 $0x780;
	[sflag:s17] =	ssyncadd.s32 $0xFFFFC000  }
0x94: {  	[tilespmem:s21], [sflag:$0x2] =	stream.indirect.gather [hbm4b:s5+s19], $0x80, s13, s19, $0xb8;
	[tilespmem:$0x1FA00] =	vst v63  }
0x95: {  	_ =	swait.ge [sflag:s22], $0x4000  }
0x96: {  	[sflag:s22] =	ssyncset.done $0x0  }
0x97: {  	s13 =	simm.s32 $0x2600;
	[sflag:s22] =	ssyncadd.s32 $0xFFFFC000  }
0x98: {  	[spmem:s2] =	stream.indirect.scatter.add.f32 [tilespmem:s20], [sflag:$0x3], $0x80, s13, s19, $0xb8;
	[tilespmem:$0x1FA00] =	vst v63  }
0x99: {  	_ =	swait.ge [sflag:s17], $0x4000  }
0x9a: {  	[sflag:s17] =	ssyncset.done $0x0  }
0x9b: {  	s13 =	simm.s32 $0x800;
	[sflag:s17] =	ssyncadd.s32 $0xFFFFC000  }
0x9c: {  	[tilespmem:s20], [sflag:$0x1] =	stream.indirect.gather [hbm4b:s5+s19], $0x80, s13, s19, $0xb8;
	[tilespmem:$0x1FA00] =	vst v63  }
0x9d: {  	_ =	swait.ge [sflag:s25], $0x4000  }
0x9e: {  	[sflag:s25] =	ssyncset.done $0x0  }
0x9f: {  	s13 =	simm.s32 $0x2680;
	[sflag:s25] =	ssyncadd.s32 $0xFFFFC000  }
0xa0: {  	[spmem:s2] =	stream.indirect.scatter.add.f32 [tilespmem:s21], [sflag:$0x3], $0x80, s13, s19, $0xb8;
	[tilespmem:$0x1FA00] =	vst v63  }
0xa1: {  	_ =	swait.ge [sflag:s17], $0x4000  }
0xa2: {  	[sflag:s17] =	ssyncset.done $0x0  }
0xa3: {  	s28 =	simm.s32 $0x880;
	[sflag:s17] =	ssyncadd.s32 $0xFFFFC000  }
0xa4: {  	[tilespmem:s21], [sflag:$0x2] =	stream.indirect.gather [hbm4b:s5+s19], $0x80, s28, s19, $0xb8;
	[tilespmem:$0x1FA00] =	vst v63  }
0xa5: {  	_ =	swait.ge [sflag:s22], $0x4000  }
0xa6: {  	[sflag:s22] =	ssyncset.done $0x0  }
0xa7: {  	s12 =	simm.s32 $0x2700;
	[sflag:s22] =	ssyncadd.s32 $0xFFFFC000  }
0xa8: {  	[spmem:s2] =	stream.indirect.scatter.add.f32 [tilespmem:s20], [sflag:$0x3], $0x80, s12, s19, $0xb8;
	[tilespmem:$0x1FA00] =	vst v63  }
0xa9: {  	_ =	swait.ge [sflag:s17], $0x4000  }
0xaa: {  	[sflag:s17] =	ssyncset.done $0x0  }
0xab: {  	[sflag:s17] =	ssyncadd.s32 $0xFFFFC000  }
0xac: {  	_ =	swait.ge [sflag:s25], $0x4000  }
0xad: {  	[sflag:s25] =	ssyncset.done $0x0  }
0xae: {  	s29 =	simm.s32 $0x2780;
	[sflag:s25] =	ssyncadd.s32 $0xFFFFC000  }
0xaf: {  	[spmem:s2] =	stream.indirect.scatter.add.f32 [tilespmem:s21], [sflag:$0x3], $0x80, s29, s19, $0xb8;
	[tilespmem:$0x1FA00] =	vst v63  }
0xb0: {  	_ =	swait.ge [sflag:s17], $0x4000  }
0xb1: {  	[sflag:s17] =	ssyncset.done $0x0  }
0xb2: {  	s13 =	rddreg [dreg:$0xa];
	[sflag:s17] =	ssyncadd.s32 $0xFFFFC000  }
0xb3: {  	[tilespmem:s18], [sflag:$0x3] =	stream.linear.gather [hbm4b:s13+s18], $0x1F00, $0x38;
	[tilespmem:$0x1FA00] =	vst v63  }
0xb4: {  	_ =	swait.ge [sflag:s17], $0x1F00  }
0xb5: {  	[sflag:s17] =	ssyncset.done $0x0  }
0xb6: {  	s1 =	simm.s32 $0x1F00;
	s13 =	rddreg [dreg:$0xb];
	[sflag:s17] =	ssyncadd.s32 $0xFFFFE100  }
0xb7: {  	[tilespmem:s1], [sflag:$0x3] =	stream.linear.gather [hbm4b:s13+s18], $0x1F00, $0x38;
	[tilespmem:$0x1FA00] =	vst v63  }
0xb8: {  	_ =	swait.ge [sflag:s17], $0x1F00  }
0xb9: {  	[sflag:s17] =	ssyncset.done $0x0  }
0xba: {  	[sflag:s17] =	ssyncadd.s32 $0xFFFFE100  }
0xbb: {  	[tilespmem:s20], [sflag:$0x1] =	stream.indirect.gather [hbm4b:s5+s19], $0x80, s18, s19, $0xb8;
	[tilespmem:$0x1FA00] =	vst v63  }
0xbc: {  	_ = 	snop  }
0xbd: {  	[tilespmem:s21], [sflag:$0x2] =	stream.indirect.gather [hbm4b:s5+s19], $0x80, s19, s19, $0xb8;
	[tilespmem:$0x1FA00] =	vst v63  }
0xbe: {  	_ =	swait.ge [sflag:s22], $0x4000  }
0xbf: {  	[sflag:s22] =	ssyncset.done $0x0  }
0xc0: {  	[sflag:s22] =	ssyncadd.s32 $0xFFFFC000  }
0xc1: {  	[spmem:s2] =	stream.indirect.scatter.add.f32 [tilespmem:s20], [sflag:$0x3], $0x80, s1, s19, $0xb8;
	[tilespmem:$0x1FA00] =	vst v63  }
0xc2: {  	_ =	swait.ge [sflag:s17], $0x4000  }
0xc3: {  	[sflag:s17] =	ssyncset.done $0x0  }
0xc4: {  	[sflag:s17] =	ssyncadd.s32 $0xFFFFC000  }
0xc5: {  	[tilespmem:s20], [sflag:$0x1] =	stream.indirect.gather [hbm4b:s5+s19], $0x80, s31, s19, $0xb8;
	[tilespmem:$0x1FA00] =	vst v63  }
0xc6: {  	_ =	swait.ge [sflag:s25], $0x4000  }
0xc7: {  	[sflag:s25] =	ssyncset.done $0x0  }
0xc8: {  	[sflag:s25] =	ssyncadd.s32 $0xFFFFC000  }
0xc9: {  	[spmem:s2] =	stream.indirect.scatter.add.f32 [tilespmem:s21], [sflag:$0x3], $0x80, s14, s19, $0xb8;
	[tilespmem:$0x1FA00] =	vst v63  }
0xca: {  	_ =	swait.ge [sflag:s17], $0x4000  }
0xcb: {  	[sflag:s17] =	ssyncset.done $0x0  }
0xcc: {  	[sflag:s17] =	ssyncadd.s32 $0xFFFFC000  }
0xcd: {  	[tilespmem:s21], [sflag:$0x2] =	stream.indirect.gather [hbm4b:s5+s19], $0x80, s3, s19, $0xb8;
	[tilespmem:$0x1FA00] =	vst v63  }
0xce: {  	_ =	swait.ge [sflag:s22], $0x4000  }
0xcf: {  	[sflag:s22] =	ssyncset.done $0x0  }
0xd0: {  	[sflag:s22] =	ssyncadd.s32 $0xFFFFC000  }
0xd1: {  	[spmem:s2] =	stream.indirect.scatter.add.f32 [tilespmem:s20], [sflag:$0x3], $0x80, s15, s19, $0xb8;
	[tilespmem:$0x1FA00] =	vst v63  }
0xd2: {  	_ =	swait.ge [sflag:s17], $0x4000  }
0xd3: {  	[sflag:s17] =	ssyncset.done $0x0  }
0xd4: {  	[sflag:s17] =	ssyncadd.s32 $0xFFFFC000  }
0xd5: {  	[tilespmem:s20], [sflag:$0x1] =	stream.indirect.gather [hbm4b:s5+s19], $0x80, s24, s19, $0xb8;
	[tilespmem:$0x1FA00] =	vst v63  }
0xd6: {  	_ =	swait.ge [sflag:s25], $0x4000  }
0xd7: {  	[sflag:s25] =	ssyncset.done $0x0  }
0xd8: {  	s13 =	simm.s32 $0x2080;
	[sflag:s25] =	ssyncadd.s32 $0xFFFFC000  }
0xd9: {  	[spmem:s2] =	stream.indirect.scatter.add.f32 [tilespmem:s21], [sflag:$0x3], $0x80, s13, s19, $0xb8;
	[tilespmem:$0x1FA00] =	vst v63  }
0xda: {  	_ =	swait.ge [sflag:s17], $0x4000  }
0xdb: {  	[sflag:s17] =	ssyncset.done $0x0  }
0xdc: {  	[sflag:s17] =	ssyncadd.s32 $0xFFFFC000  }
0xdd: {  	[tilespmem:s21], [sflag:$0x2] =	stream.indirect.gather [hbm4b:s5+s19], $0x80, s8, s19, $0xb8;
	[tilespmem:$0x1FA00] =	vst v63  }
0xde: {  	_ =	swait.ge [sflag:s22], $0x4000  }
0xdf: {  	[sflag:s22] =	ssyncset.done $0x0  }
0xe0: {  	[sflag:s22] =	ssyncadd.s32 $0xFFFFC000  }
0xe1: {  	[spmem:s2] =	stream.indirect.scatter.add.f32 [tilespmem:s20], [sflag:$0x3], $0x80, s23, s19, $0xb8;
	[tilespmem:$0x1FA00] =	vst v63  }
0xe2: {  	_ =	swait.ge [sflag:s17], $0x4000  }
0xe3: {  	[sflag:s17] =	ssyncset.done $0x0  }
0xe4: {  	[sflag:s17] =	ssyncadd.s32 $0xFFFFC000  }
0xe5: {  	[tilespmem:s20], [sflag:$0x1] =	stream.indirect.gather [hbm4b:s5+s19], $0x80, s9, s19, $0xb8;
	[tilespmem:$0x1FA00] =	vst v63  }
0xe6: {  	_ =	swait.ge [sflag:s25], $0x4000  }
0xe7: {  	[sflag:s25] =	ssyncset.done $0x0  }
0xe8: {  	[sflag:s25] =	ssyncadd.s32 $0xFFFFC000  }
0xe9: {  	[spmem:s2] =	stream.indirect.scatter.add.f32 [tilespmem:s21], [sflag:$0x3], $0x80, s10, s19, $0xb8;
	[tilespmem:$0x1FA00] =	vst v63  }
0xea: {  	_ =	swait.ge [sflag:s17], $0x4000  }
0xeb: {  	[sflag:s17] =	ssyncset.done $0x0  }
0xec: {  	[sflag:s17] =	ssyncadd.s32 $0xFFFFC000  }
0xed: {  	[tilespmem:s21], [sflag:$0x2] =	stream.indirect.gather [hbm4b:s5+s19], $0x80, s16, s19, $0xb8;
	[tilespmem:$0x1FA00] =	vst v63  }
0xee: {  	_ =	swait.ge [sflag:s22], $0x4000  }
0xef: {  	[sflag:s22] =	ssyncset.done $0x0  }
0xf0: {  	s31 =	simm.s32 $0x2200;
	[sflag:s22] =	ssyncadd.s32 $0xFFFFC000  }
0xf1: {  	[spmem:s2] =	stream.indirect.scatter.add.f32 [tilespmem:s20], [sflag:$0x3], $0x80, s31, s19, $0xb8;
	[tilespmem:$0x1FA00] =	vst v63  }
0xf2: {  	_ =	swait.ge [sflag:s17], $0x4000  }
0xf3: {  	[sflag:s17] =	ssyncset.done $0x0  }
0xf4: {  	s8 =	simm.s32 $0x400;
	[sflag:s17] =	ssyncadd.s32 $0xFFFFC000  }
0xf5: {  	[tilespmem:s20], [sflag:$0x1] =	stream.indirect.gather [hbm4b:s5+s19], $0x80, s8, s19, $0xb8;
	[tilespmem:$0x1FA00] =	vst v63  }
0xf6: {  	_ =	swait.ge [sflag:s25], $0x4000  }
0xf7: {  	[sflag:s25] =	ssyncset.done $0x0  }
0xf8: {  	s13 =	simm.s32 $0x2280;
	[sflag:s25] =	ssyncadd.s32 $0xFFFFC000  }
0xf9: {  	[spmem:s2] =	stream.indirect.scatter.add.f32 [tilespmem:s21], [sflag:$0x3], $0x80, s13, s19, $0xb8;
	[tilespmem:$0x1FA00] =	vst v63  }
0xfa: {  	_ =	swait.ge [sflag:s17], $0x4000  }
0xfb: {  	[sflag:s17] =	ssyncset.done $0x0  }
0xfc: {  	s31 =	simm.s32 $0x480;
	[sflag:s17] =	ssyncadd.s32 $0xFFFFC000  }
0xfd: {  	[tilespmem:s21], [sflag:$0x2] =	stream.indirect.gather [hbm4b:s5+s19], $0x80, s31, s19, $0xb8;
	[tilespmem:$0x1FA00] =	vst v63  }
0xfe: {  	_ =	swait.ge [sflag:s22], $0x4000  }
0xff: {  	[sflag:s22] =	ssyncset.done $0x0  }
0x100: {  	s8 =	simm.s32 $0x2300;
	[sflag:s22] =	ssyncadd.s32 $0xFFFFC000  }
0x101: {  	[spmem:s2] =	stream.indirect.scatter.add.f32 [tilespmem:s20], [sflag:$0x3], $0x80, s8, s19, $0xb8;
	[tilespmem:$0x1FA00] =	vst v63  }
0x102: {  	_ =	swait.ge [sflag:s17], $0x4000  }
0x103: {  	[sflag:s17] =	ssyncset.done $0x0  }
0x104: {  	s13 =	simm.s32 $0x500;
	[sflag:s17] =	ssyncadd.s32 $0xFFFFC000  }
0x105: {  	[tilespmem:s20], [sflag:$0x1] =	stream.indirect.gather [hbm4b:s5+s19], $0x80, s13, s19, $0xb8;
	[tilespmem:$0x1FA00] =	vst v63  }
0x106: {  	_ =	swait.ge [sflag:s25], $0x4000  }
0x107: {  	[sflag:s25] =	ssyncset.done $0x0  }
0x108: {  	s31 =	simm.s32 $0x2380;
	[sflag:s25] =	ssyncadd.s32 $0xFFFFC000  }
0x109: {  	[spmem:s2] =	stream.indirect.scatter.add.f32 [tilespmem:s21], [sflag:$0x3], $0x80, s31, s19, $0xb8;
	[tilespmem:$0x1FA00] =	vst v63  }
0x10a: {  	_ =	swait.ge [sflag:s17], $0x4000  }
0x10b: {  	[sflag:s17] =	ssyncset.done $0x0  }
0x10c: {  	s8 =	simm.s32 $0x580;
	[sflag:s17] =	ssyncadd.s32 $0xFFFFC000  }
0x10d: {  	[tilespmem:s21], [sflag:$0x2] =	stream.indirect.gather [hbm4b:s5+s19], $0x80, s8, s19, $0xb8;
	[tilespmem:$0x1FA00] =	vst v63  }
0x10e: {  	_ =	swait.ge [sflag:s22], $0x4000  }
0x10f: {  	[sflag:s22] =	ssyncset.done $0x0  }
0x110: {  	s13 =	simm.s32 $0x2400;
	[sflag:s22] =	ssyncadd.s32 $0xFFFFC000  }
0x111: {  	[spmem:s2] =	stream.indirect.scatter.add.f32 [tilespmem:s20], [sflag:$0x3], $0x80, s13, s19, $0xb8;
	[tilespmem:$0x1FA00] =	vst v63  }
0x112: {  	_ =	swait.ge [sflag:s17], $0x4000  }
0x113: {  	[sflag:s17] =	ssyncset.done $0x0  }
0x114: {  	s31 =	simm.s32 $0x600;
	[sflag:s17] =	ssyncadd.s32 $0xFFFFC000  }
0x115: {  	[tilespmem:s20], [sflag:$0x1] =	stream.indirect.gather [hbm4b:s5+s19], $0x80, s31, s19, $0xb8;
	[tilespmem:$0x1FA00] =	vst v63  }
0x116: {  	_ =	swait.ge [sflag:s25], $0x4000  }
0x117: {  	[sflag:s25] =	ssyncset.done $0x0  }
0x118: {  	s8 =	simm.s32 $0x2480;
	[sflag:s25] =	ssyncadd.s32 $0xFFFFC000  }
0x119: {  	[spmem:s2] =	stream.indirect.scatter.add.f32 [tilespmem:s21], [sflag:$0x3], $0x80, s8, s19, $0xb8;
	[tilespmem:$0x1FA00] =	vst v63  }
0x11a: {  	_ =	swait.ge [sflag:s17], $0x4000  }
0x11b: {  	[sflag:s17] =	ssyncset.done $0x0  }
0x11c: {  	s13 =	simm.s32 $0x680;
	[sflag:s17] =	ssyncadd.s32 $0xFFFFC000  }
0x11d: {  	[tilespmem:s21], [sflag:$0x2] =	stream.indirect.gather [hbm4b:s5+s19], $0x80, s13, s19, $0xb8;
	[tilespmem:$0x1FA00] =	vst v63  }
0x11e: {  	_ =	swait.ge [sflag:s22], $0x4000  }
0x11f: {  	[sflag:s22] =	ssyncset.done $0x0  }
0x120: {  	s31 =	simm.s32 $0x2500;
	[sflag:s22] =	ssyncadd.s32 $0xFFFFC000  }
0x121: {  	[spmem:s2] =	stream.indirect.scatter.add.f32 [tilespmem:s20], [sflag:$0x3], $0x80, s31, s19, $0xb8;
	[tilespmem:$0x1FA00] =	vst v63  }
0x122: {  	_ =	swait.ge [sflag:s17], $0x4000  }
0x123: {  	[sflag:s17] =	ssyncset.done $0x0  }
0x124: {  	s8 =	simm.s32 $0x700;
	[sflag:s17] =	ssyncadd.s32 $0xFFFFC000  }
0x125: {  	[tilespmem:s20], [sflag:$0x1] =	stream.indirect.gather [hbm4b:s5+s19], $0x80, s8, s19, $0xb8;
	[tilespmem:$0x1FA00] =	vst v63  }
0x126: {  	_ =	swait.ge [sflag:s25], $0x4000  }
0x127: {  	[sflag:s25] =	ssyncset.done $0x0  }
0x128: {  	s13 =	simm.s32 $0x2580;
	[sflag:s25] =	ssyncadd.s32 $0xFFFFC000  }
0x129: {  	[spmem:s2] =	stream.indirect.scatter.add.f32 [tilespmem:s21], [sflag:$0x3], $0x80, s13, s19, $0xb8;
	[tilespmem:$0x1FA00] =	vst v63  }
0x12a: {  	_ =	swait.ge [sflag:s17], $0x4000  }
0x12b: {  	[sflag:s17] =	ssyncset.done $0x0  }
0x12c: {  	s31 =	simm.s32 $0x780;
	[sflag:s17] =	ssyncadd.s32 $0xFFFFC000  }
0x12d: {  	[tilespmem:s21], [sflag:$0x2] =	stream.indirect.gather [hbm4b:s5+s19], $0x80, s31, s19, $0xb8;
	[tilespmem:$0x1FA00] =	vst v63  }
0x12e: {  	_ =	swait.ge [sflag:s22], $0x4000  }
0x12f: {  	[sflag:s22] =	ssyncset.done $0x0  }
0x130: {  	s8 =	simm.s32 $0x2600;
	[sflag:s22] =	ssyncadd.s32 $0xFFFFC000  }
0x131: {  	[spmem:s2] =	stream.indirect.scatter.add.f32 [tilespmem:s20], [sflag:$0x3], $0x80, s8, s19, $0xb8;
	[tilespmem:$0x1FA00] =	vst v63  }
0x132: {  	_ =	swait.ge [sflag:s17], $0x4000  }
0x133: {  	[sflag:s17] =	ssyncset.done $0x0  }
0x134: {  	s13 =	simm.s32 $0x800;
	[sflag:s17] =	ssyncadd.s32 $0xFFFFC000  }
0x135: {  	[tilespmem:s20], [sflag:$0x1] =	stream.indirect.gather [hbm4b:s5+s19], $0x80, s13, s19, $0xb8;
	[tilespmem:$0x1FA00] =	vst v63  }
0x136: {  	_ =	swait.ge [sflag:s25], $0x4000  }
0x137: {  	[sflag:s25] =	ssyncset.done $0x0  }
0x138: {  	s31 =	simm.s32 $0x2680;
	[sflag:s25] =	ssyncadd.s32 $0xFFFFC000  }
0x139: {  	[spmem:s2] =	stream.indirect.scatter.add.f32 [tilespmem:s21], [sflag:$0x3], $0x80, s31, s19, $0xb8;
	[tilespmem:$0x1FA00] =	vst v63  }
0x13a: {  	_ =	swait.ge [sflag:s17], $0x4000  }
0x13b: {  	[sflag:s17] =	ssyncset.done $0x0  }
0x13c: {  	s3 =	simm.s32 $0x1F00;
	[sflag:s17] =	ssyncadd.s32 $0xFFFFC000  }
.LBB2_9:
0x13d: {  	[tilespmem:s21], [sflag:$0x2] =	stream.indirect.gather [hbm4b:s5+s19], $0x80, s28, s19, $0xb8;
	[tilespmem:$0x1FA00] =	vst v63  }
0x13e: {  	_ =	swait.ge [sflag:s22], $0x4000  }
0x13f: {  	[sflag:s22] =	ssyncset.done $0x0  }
0x140: {  	[sflag:s22] =	ssyncadd.s32 $0xFFFFC000  }
0x141: {  	[spmem:s2] =	stream.indirect.scatter.add.f32 [tilespmem:s20], [sflag:$0x3], $0x80, s12, s19, $0xb8;
	[tilespmem:$0x1FA00] =	vst v63  }
0x142: {  	_ =	swait.ge [sflag:s17], $0x4000  }
0x143: {  	[sflag:s17] =	ssyncset.done $0x0  }
0x144: {  	[sflag:s17] =	ssyncadd.s32 $0xFFFFC000  }
0x145: {  	_ =	swait.ge [sflag:s25], $0x4000  }
0x146: {  	[sflag:s25] =	ssyncset.done $0x0  }
0x147: {  	[sflag:s25] =	ssyncadd.s32 $0xFFFFC000  }
0x148: {  	[spmem:s2] =	stream.indirect.scatter.add.f32 [tilespmem:s21], [sflag:$0x3], $0x80, s29, s19, $0xb8;
	[tilespmem:$0x1FA00] =	vst v63  }
0x149: {  	_ =	swait.ge [sflag:s17], $0x4000  }
0x14a: {  	s26 =	sadd.s32 $0x1, s26;
	[sflag:s17] =	ssyncset.done $0x0  }
0x14b: {  	p1 =	sne.s32 s26, s4;
	[sflag:s17] =	ssyncadd.s32 $0xFFFFC000  }
.Ltmp1:
0x14c: {  	[bflag:$0x0] =	sbarrier.arrive $0xFFFF;
	(pc) =	sbr.rel @!p1 .LBB2_10-.Ltmp1, $4  }
0x14d: {  	[hbm:s0], [sflag:s7] =	dma.local [spmem:s11], $0x2780  }
0x14e: {  	_ =	swait.ge [sflag:s17], $0x2780  }
0x14f: {  	[sflag:s17] =	ssyncset.done $0x0  }
0x150: {  	[sflag:s17] =	ssyncadd.s32 $0xFFFFD880  }
.LBB2_1:
0x151: {  	s11 =	sshrl.u32 s6, $0x3  }
0x152: {  	[spmem:s11], [sflag:s7] =	dma.local [hbm:s30], $0x2780  }
.Ltmp2:
0x153: {  	_ =	swait.ge [sflag:s17], $0x2780;
	(pc) =	sbr.rel @p0 .LBB2_8-.Ltmp2, $3  }
0x154: {  	[sflag:s17] =	ssyncset.done $0x0  }
0x155: {  	[sflag:s17] =	ssyncadd.s32 $0xFFFFD880  }
0x156: {  	[bflag:$0x0] =	sbarrier.arrive $0xFFFF;
	_ =	sdelay $0x1  }
0x157: {  	s12 =	simm.s32 $0x0;
	s13 =	rddreg [dreg:$0x4]  }
0x158: {  	[tilespmem:s12], [sflag:$0x3] =	stream.linear.gather [hbm4b:s13+s12], $0x1F00, $0x38;
	[tilespmem:$0x1FA00] =	vst v63  }
0x159: {  	_ =	swait.ge [sflag:s17], $0x1F00  }
0x15a: {  	[sflag:s17] =	ssyncset.done $0x0  }
0x15b: {  	s1 =	rddreg [dreg:$0x5];
	[sflag:s17] =	ssyncadd.s32 $0xFFFFE100  }
0x15c: {  	[tilespmem:s3], [sflag:$0x3] =	stream.linear.gather [hbm4b:s1+s12], $0x1F00, $0x38;
	[tilespmem:$0x1FA00] =	vst v63  }
0x15d: {  	_ =	swait.ge [sflag:s17], $0x1F00  }
0x15e: {  	[sflag:s17] =	ssyncset.done $0x0  }
0x15f: {  	[sflag:s17] =	ssyncadd.s32 $0xFFFFE100  }
0x160: {  	[tilespmem:s20], [sflag:$0x1] =	stream.indirect.gather [hbm4b:s5+s19], $0x80, s12, s19, $0xb8;
	[tilespmem:$0x1FA00] =	vst v63  }
0x161: {  	s8 =	simm.s32 $0x80  }
0x162: {  	[tilespmem:s21], [sflag:$0x2] =	stream.indirect.gather [hbm4b:s5+s19], $0x80, s8, s19, $0xb8;
	[tilespmem:$0x1FA00] =	vst v63  }
0x163: {  	_ =	swait.ge [sflag:s22], $0x4000  }
0x164: {  	[sflag:s22] =	ssyncset.done $0x0  }
0x165: {  	s13 =	simm.s32 $0x1F00;
	[sflag:s22] =	ssyncadd.s32 $0xFFFFC000  }
0x166: {  	[spmem:s2] =	stream.indirect.scatter.add.f32 [tilespmem:s20], [sflag:$0x3], $0x80, s13, s19, $0xb8;
	[tilespmem:$0x1FA00] =	vst v63  }
0x167: {  	_ =	swait.ge [sflag:s17], $0x4000  }
0x168: {  	[sflag:s17] =	ssyncset.done $0x0  }
0x169: {  	s29 =	simm.s32 $0x100;
	[sflag:s17] =	ssyncadd.s32 $0xFFFFC000  }
0x16a: {  	[tilespmem:s20], [sflag:$0x1] =	stream.indirect.gather [hbm4b:s5+s19], $0x80, s29, s19, $0xb8;
	[tilespmem:$0x1FA00] =	vst v63  }
0x16b: {  	_ =	swait.ge [sflag:s25], $0x4000  }
0x16c: {  	[sflag:s25] =	ssyncset.done $0x0  }
0x16d: {  	s31 =	smov.u32 s30;
	s30 =	simm.s32 $0x1F80;
	[sflag:s25] =	ssyncadd.s32 $0xFFFFC000  }
0x16e: {  	[spmem:s2] =	stream.indirect.scatter.add.f32 [tilespmem:s21], [sflag:$0x3], $0x80, s30, s19, $0xb8;
	[tilespmem:$0x1FA00] =	vst v63  }
0x16f: {  	_ =	swait.ge [sflag:s17], $0x4000  }
0x170: {  	s28 =	simm.s32 $0x800;
	s12 =	simm.s32 $0x100;
	[sflag:s17] =	ssyncset.done $0x0  }
.LBB2_3:
0x171: {  	s29 =	sadd.s32 $0x80, s12  }
0x172: {  	[sflag:s17] =	ssyncadd.s32 $0xFFFFC000;
	s30 =	smov.u32 s28;
	s13 =	sadd.s32 $0x400, s28  }
0x173: {  	[tilespmem:s21], [sflag:$0x2] =	stream.indirect.gather [hbm4b:s5+s19], $0x80, s29, s19, $0xb8;
	[tilespmem:$0x1FA00] =	vst v63  }
0x174: {  	p1 =	sne.s32 s28, $0x7400;
	_ =	swait.ge [sflag:s22], $0x4000  }
0x175: {  	[sflag:s22] =	ssyncset.done $0x0  }
0x176: {  	s28 =	sadd.s32 $0x1F00, s12;
	[sflag:s22] =	ssyncadd.s32 $0xFFFFC000  }
0x177: {  	[spmem:s2] =	stream.indirect.scatter.add.f32 [tilespmem:s20], [sflag:$0x3], $0x80, s28, s19, $0xb8;
	[tilespmem:$0x1FA00] =	vst v63  }
0x178: {  	_ =	swait.ge [sflag:s17], $0x4000  }
0x179: {  	[sflag:s17] =	ssyncset.done $0x0  }
0x17a: {  	s28 =	sadd.s32 $0x100, s12;
	[sflag:s17] =	ssyncadd.s32 $0xFFFFC000  }
0x17b: {  	[tilespmem:s20], [sflag:$0x1] =	stream.indirect.gather [hbm4b:s5+s19], $0x80, s28, s19, $0xb8;
	[tilespmem:$0x1FA00] =	vst v63  }
0x17c: {  	_ =	swait.ge [sflag:s25], $0x4000  }
.Ltmp3:
0x17d: {  	[sflag:s25] =	ssyncset.done $0x0;
	(pc) =	sbr.rel @p1 .LBB2_3-.Ltmp3, $4  }
0x17e: {  	s12 =	sadd.s32 $0x1F80, s12;
	[sflag:s25] =	ssyncadd.s32 $0xFFFFC000  }
0x17f: {  	[spmem:s2] =	stream.indirect.scatter.add.f32 [tilespmem:s21], [sflag:$0x3], $0x80, s12, s19, $0xb8;
	[tilespmem:$0x1FA00] =	vst v63  }
0x180: {  	_ =	swait.ge [sflag:s17], $0x4000  }
0x181: {  	s28 =	smov.u32 s13;
	s12 =	sshra.s32 s30, $0x2;
	[sflag:s17] =	ssyncset.done $0x0  }
0x182: {  	s13 =	sadd.s32 $0x80, s12;
	[sflag:s17] =	ssyncadd.s32 $0xFFFFC000  }
0x183: {  	[tilespmem:s21], [sflag:$0x2] =	stream.indirect.gather [hbm4b:s5+s19], $0x80, s13, s19, $0xb8;
	[tilespmem:$0x1FA00] =	vst v63  }
0x184: {  	_ =	swait.ge [sflag:s22], $0x4000  }
0x185: {  	[sflag:s22] =	ssyncset.done $0x0  }
0x186: {  	s30 =	sadd.s32 $0x1F00, s12;
	[sflag:s22] =	ssyncadd.s32 $0xFFFFC000  }
0x187: {  	[spmem:s2] =	stream.indirect.scatter.add.f32 [tilespmem:s20], [sflag:$0x3], $0x80, s30, s19, $0xb8;
	[tilespmem:$0x1FA00] =	vst v63  }
0x188: {  	_ =	swait.ge [sflag:s17], $0x4000  }
0x189: {  	[sflag:s17] =	ssyncset.done $0x0  }
0x18a: {  	s1 =	sadd.s32 $0x100, s12;
	[sflag:s17] =	ssyncadd.s32 $0xFFFFC000  }
0x18b: {  	[tilespmem:s20], [sflag:$0x1] =	stream.indirect.gather [hbm4b:s5+s19], $0x80, s1, s19, $0xb8;
	[tilespmem:$0x1FA00] =	vst v63  }
0x18c: {  	_ =	swait.ge [sflag:s25], $0x4000  }
0x18d: {  	[sflag:s25] =	ssyncset.done $0x0  }
0x18e: {  	s8 =	sadd.s32 $0x1F80, s12;
	[sflag:s25] =	ssyncadd.s32 $0xFFFFC000  }
0x18f: {  	[spmem:s2] =	stream.indirect.scatter.add.f32 [tilespmem:s21], [sflag:$0x3], $0x80, s8, s19, $0xb8;
	[tilespmem:$0x1FA00] =	vst v63  }
0x190: {  	_ =	swait.ge [sflag:s17], $0x4000  }
0x191: {  	[sflag:s17] =	ssyncset.done $0x0  }
0x192: {  	s1 =	simm.s32 $0x1E80;
	[sflag:s17] =	ssyncadd.s32 $0xFFFFC000  }
0x193: {  	[tilespmem:s21], [sflag:$0x2] =	stream.indirect.gather [hbm4b:s5+s19], $0x80, s1, s19, $0xb8;
	[tilespmem:$0x1FA00] =	vst v63  }
0x194: {  	_ =	swait.ge [sflag:s22], $0x4000  }
0x195: {  	[sflag:s22] =	ssyncset.done $0x0  }
0x196: {  	s12 =	simm.s32 $0x3D00;
	[sflag:s22] =	ssyncadd.s32 $0xFFFFC000  }
0x197: {  	[spmem:s2] =	stream.indirect.scatter.add.f32 [tilespmem:s20], [sflag:$0x3], $0x80, s12, s19, $0xb8;
	[tilespmem:$0x1FA00] =	vst v63  }
0x198: {  	_ =	swait.ge [sflag:s17], $0x4000  }
0x199: {  	[sflag:s17] =	ssyncset.done $0x0  }
0x19a: {  	[sflag:s17] =	ssyncadd.s32 $0xFFFFC000  }
0x19b: {  	_ =	swait.ge [sflag:s25], $0x4000  }
0x19c: {  	[sflag:s25] =	ssyncset.done $0x0  }
0x19d: {  	s13 =	simm.s32 $0x3D80;
	[sflag:s25] =	ssyncadd.s32 $0xFFFFC000  }
0x19e: {  	[spmem:s2] =	stream.indirect.scatter.add.f32 [tilespmem:s21], [sflag:$0x3], $0x80, s13, s19, $0xb8;
	[tilespmem:$0x1FA00] =	vst v63  }
0x19f: {  	_ =	swait.ge [sflag:s17], $0x4000  }
0x1a0: {  	[sflag:s17] =	ssyncset.done $0x0  }
0x1a1: {  	s28 =	simm.s32 $0x0;
	s29 =	rddreg [dreg:$0x6];
	[sflag:s17] =	ssyncadd.s32 $0xFFFFC000  }
0x1a2: {  	[tilespmem:s28], [sflag:$0x3] =	stream.linear.gather [hbm4b:s29+s28], $0x1F00, $0x38;
	[tilespmem:$0x1FA00] =	vst v63  }
0x1a3: {  	_ =	swait.ge [sflag:s17], $0x1F00  }
0x1a4: {  	[sflag:s17] =	ssyncset.done $0x0  }
0x1a5: {  	p2 =	por $0x0, $0x0;
	s30 =	rddreg [dreg:$0x7];
	[sflag:s17] =	ssyncadd.s32 $0xFFFFE100  }
0x1a6: {  	[tilespmem:s3], [sflag:$0x3] =	stream.linear.gather [hbm4b:s30+s28], $0x1F00, $0x38;
	[tilespmem:$0x1FA00] =	vst v63  }
.Ltmp4:
0x1a7: {  	_ = 	snop;
	(pc) =	sbr.rel @p2 .LBB2_7-.Ltmp4, $4  }
0x1a8: {  	_ =	swait.ge [sflag:s17], $0x1F00  }
0x1a9: {  	[sflag:s17] =	ssyncset.done $0x0  }
0x1aa: {  	p1 =	por $0x0, $0x0;
	s12 =	simm.s32 $0x0;
	[sflag:s17] =	ssyncadd.s32 $0xFFFFE100  }
0x1ab: {  	[tilespmem:s20], [sflag:$0x1] =	stream.indirect.gather [hbm4b:s5+s19], $0x80, s28, s19, $0xb8;
	[tilespmem:$0x1FA00] =	vst v63  }
0x1ac: {  	s12 =	simm.s32 $0x80  }
0x1ad: {  	[tilespmem:s21], [sflag:$0x2] =	stream.indirect.gather [hbm4b:s5+s19], $0x80, s12, s19, $0xb8;
	[tilespmem:$0x1FA00] =	vst v63  }
0x1ae: {  	_ =	swait.ge [sflag:s22], $0x4000  }
0x1af: {  	[sflag:s22] =	ssyncset.done $0x0  }
0x1b0: {  	s13 =	simm.s32 $0x1F00;
	[sflag:s22] =	ssyncadd.s32 $0xFFFFC000  }
0x1b1: {  	[spmem:s2] =	stream.indirect.scatter.add.f32 [tilespmem:s20], [sflag:$0x3], $0x80, s13, s19, $0xb8;
	[tilespmem:$0x1FA00] =	vst v63  }
0x1b2: {  	_ =	swait.ge [sflag:s17], $0x4000  }
0x1b3: {  	[sflag:s17] =	ssyncset.done $0x0  }
0x1b4: {  	s29 =	simm.s32 $0x100;
	[sflag:s17] =	ssyncadd.s32 $0xFFFFC000  }
0x1b5: {  	[tilespmem:s20], [sflag:$0x1] =	stream.indirect.gather [hbm4b:s5+s19], $0x80, s29, s19, $0xb8;
	[tilespmem:$0x1FA00] =	vst v63  }
0x1b6: {  	p2 =	por $0x0, $0x0;
	_ =	swait.ge [sflag:s25], $0x4000  }
.Ltmp5:
0x1b7: {  	[sflag:s25] =	ssyncset.done $0x0;
	(pc) =	sbr.rel @p2 .LBB2_7-.Ltmp5, $4  }
0x1b8: {  	s30 =	simm.s32 $0x1F80;
	[sflag:s25] =	ssyncadd.s32 $0xFFFFC000  }
0x1b9: {  	[spmem:s2] =	stream.indirect.scatter.add.f32 [tilespmem:s21], [sflag:$0x3], $0x80, s30, s19, $0xb8;
	[tilespmem:$0x1FA00] =	vst v63  }
0x1ba: {  	s28 =	simm.s32 $0x800;
	_ =	swait.ge [sflag:s17], $0x4000  }
0x1bb: {  	p1 =	por $0x1, $0x1;
	s12 =	simm.s32 $0x100;
	[sflag:s17] =	ssyncset.done $0x0  }
.LBB2_6:
0x1bc: {  	s13 =	sadd.s32 $0x80, s12  }
0x1bd: {  	[sflag:s17] =	ssyncadd.s32 $0xFFFFC000;
	s29 =	smov.u32 s28;
	s30 =	sadd.s32 $0x400, s28  }
0x1be: {  	[tilespmem:s21], [sflag:$0x2] =	stream.indirect.gather [hbm4b:s5+s19], $0x80, s13, s19, $0xb8;
	[tilespmem:$0x1FA00] =	vst v63  }
0x1bf: {  	p2 =	seq.s32 s28, $0x7400;
	_ =	swait.ge [sflag:s22], $0x4000  }
0x1c0: {  	[sflag:s22] =	ssyncset.done $0x0  }
0x1c1: {  	s13 =	sadd.s32 $0x1F00, s12;
	[sflag:s22] =	ssyncadd.s32 $0xFFFFC000  }
0x1c2: {  	[spmem:s2] =	stream.indirect.scatter.add.f32 [tilespmem:s20], [sflag:$0x3], $0x80, s13, s19, $0xb8;
	[tilespmem:$0x1FA00] =	vst v63  }
0x1c3: {  	_ =	swait.ge [sflag:s17], $0x4000  }
0x1c4: {  	[sflag:s17] =	ssyncset.done $0x0  }
0x1c5: {  	s13 =	sadd.s32 $0x100, s12;
	[sflag:s17] =	ssyncadd.s32 $0xFFFFC000  }
0x1c6: {  	[tilespmem:s20], [sflag:$0x1] =	stream.indirect.gather [hbm4b:s5+s19], $0x80, s13, s19, $0xb8;
	[tilespmem:$0x1FA00] =	vst v63  }
0x1c7: {  	_ =	swait.ge [sflag:s25], $0x4000  }
.Ltmp6:
0x1c8: {  	[sflag:s25] =	ssyncset.done $0x0;
	(pc) =	sbr.rel @!p2 .LBB2_6-.Ltmp6, $4  }
0x1c9: {  	s12 =	sadd.s32 $0x1F80, s12;
	[sflag:s25] =	ssyncadd.s32 $0xFFFFC000  }
0x1ca: {  	[spmem:s2] =	stream.indirect.scatter.add.f32 [tilespmem:s21], [sflag:$0x3], $0x80, s12, s19, $0xb8;
	[tilespmem:$0x1FA00] =	vst v63  }
0x1cb: {  	_ =	swait.ge [sflag:s17], $0x4000  }
0x1cc: {  	s28 =	smov.u32 s30;
	s12 =	sshra.s32 s29, $0x2;
	[sflag:s17] =	ssyncset.done $0x0  }
.LBB2_7:
0x1cd: {  	s13 =	sadd.s32 $0x80, s12;
	[sflag:s17] =	ssyncadd.s32 @p1 $0xFFFFC000  }
0x1ce: {  	[tilespmem:s21], [sflag:$0x2] =	stream.indirect.gather [hbm4b:s5+s19], $0x80, s13, s19, $0xb8;
	[tilespmem:$0x1FA00] =	vst v63  }
0x1cf: {  	_ =	swait.ge [sflag:s22], $0x4000  }
0x1d0: {  	[sflag:s22] =	ssyncset.done $0x0  }
0x1d1: {  	s1 =	sadd.s32 $0x1F00, s12;
	[sflag:s22] =	ssyncadd.s32 $0xFFFFC000  }
0x1d2: {  	[spmem:s2] =	stream.indirect.scatter.add.f32 [tilespmem:s20], [sflag:$0x3], $0x80, s1, s19, $0xb8;
	[tilespmem:$0x1FA00] =	vst v63  }
0x1d3: {  	_ =	swait.ge [sflag:s17], $0x4000  }
0x1d4: {  	[sflag:s17] =	ssyncset.done $0x0  }
0x1d5: {  	s8 =	sadd.s32 $0x100, s12;
	[sflag:s17] =	ssyncadd.s32 $0xFFFFC000  }
0x1d6: {  	[tilespmem:s20], [sflag:$0x1] =	stream.indirect.gather [hbm4b:s5+s19], $0x80, s8, s19, $0xb8;
	[tilespmem:$0x1FA00] =	vst v63  }
0x1d7: {  	_ =	swait.ge [sflag:s25], $0x4000  }
0x1d8: {  	[sflag:s25] =	ssyncset.done $0x0  }
.Ltmp7:
0x1d9: {  	s13 =	sadd.s32 $0x1F80, s12;
	[sflag:s25] =	ssyncadd.s32 $0xFFFFC000;
	(pc) =	sbr.rel .LBB2_9-.Ltmp7, $4  }
0x1da: {  	[spmem:s2] =	stream.indirect.scatter.add.f32 [tilespmem:s21], [sflag:$0x3], $0x80, s13, s19, $0xb8;
	[tilespmem:$0x1FA00] =	vst v63  }
0x1db: {  	_ =	swait.ge [sflag:s17], $0x4000  }
0x1dc: {  	s29 =	simm.s32 $0x3D80;
	s28 =	simm.s32 $0x1E80;
	[sflag:s17] =	ssyncset.done $0x0  }
0x1dd: {  	s30 =	smov.u32 s31;
	s12 =	simm.s32 $0x3D00;
	[sflag:s17] =	ssyncadd.s32 $0xFFFFC000  }
.LBB2_10:
0x1de: {  	_ =	sfence.sel $0x180000  }
0x1df: {  	[bflag:$0x0] =	sbarrier.arrive $0xFFFF  }
0x1e0: {  	_ =	strace $0x9000004A  }
0x1e1: {  	s0 =	stileid.u32;
	[bflag:$0x2] =	sbarrier.arrive $0xFFFF  }
0x1e2: {  	p0 =	sne.s32 s0, $0x0;
	s0 =	rddreg [dreg:$0x3]  }
0x1e3: {  	s0 =	sadd.s32 @!p0 $0x100000, s0  }
0x1e4: {  	[sflag:s0] =	ssyncadd.tile.s32 @!p0 $0x1;
	_ =	shalt  }
.Lfunc_end2:
_tile_overlayer_lowered:
.L_overlay_start_2:
0x1e5: {  	(tag) =	ssettag $0x2  }
0x1e6: {  	s0 =	rddreg [dreg:$0x0];
	s2 =	stileid.u32  }
0x1e7: {  	s1 =	rddreg [dreg:$0x1];
	p0 =	sne.s32 s2, $0x0  }
0x1e8: {  	s3 =	rddreg [dreg:$0x2];
	[bflag:$0x3] =	sbarrier.arrive $0xFFFF;
	s2 =	simm.s32 @!p0 $0x1C03  }
0x1e9: {  	[timem:s3], [sflag:s2] =	dma.local @!p0 [hbm:s0], s1  }
0x1ea: {  	s0 =	simm.s32 @!p0 $0x3  }
0x1eb: {  	_ =	swait.ge @!p0 [sflag:s0], s1  }
0x1ec: {  	s1 =	ssub.s32 @!p0 $0x0, s1;
	[sflag:s0] =	ssyncset.done @!p0 $0x0  }
0x1ed: {  	[sflag:s0] =	ssyncadd.s32 @!p0 s1  }
0x1ee: {  	[bflag:$0x3] =	sbarrier.arrive $0xFFFF  }
0x1ef: {  	_ =	shalt  }

// kernel: kernel.14.cloned.1.call-start
scs
__scs_entry_jumppad:
0x0: {  	(pc) =	sbr.rel $0x88, $3  }
0x1: {  	(tag) =	ssettag $0x0;
	lr =	simm.s32 $0x1  }
0x2: {  	[smem:$0x3F9B] =	sst lr;
	_ =	strace $0xD0000000  }
0x3: {  	_ = 	snop  }
0x4: {  	_ = 	snop  }
0x5: {  	_ = 	snop  }
0x6: {  	_ = 	snop  }
0x7: {  	_ = 	snop  }
__scs_overlays_trampoline_lowered:
0x8: {  	[smem:$0x3FAA] =	sst s0  }
0x9: {  	[smem:$0x3FAB] =	sst s1  }
0xa: {  	[smem:$0x3FAC] =	sst s2  }
0xb: {  	[smem:$0x3FAD] =	sst s3  }
0xc: {  	[smem:$0x3FAE] =	sst s4  }
0xd: {  	[smem:$0x3FAF] =	sst s5  }
0xe: {  	[smem:$0x3FB0] =	sst s6  }
0xf: {  	[smem:$0x3FB1] =	sst s7  }
0x10: {  	[smem:$0x3FB2] =	sst s8  }
0x11: {  	[smem:$0x3FB3] =	sst s9;
	s0 =	simm.s32 @!p0 $0x0  }
0x12: {  	s1 =	sld [smem:$0x3F99];
	s0 =	simm.s32 @p0 $0x1  }
0x13: {  	[smem:$0x3FB4] =	sst s0;
	s0 =	simm.s32 @!p1 $0x0  }
0x14: {  	s2 =	sld [smem:$0x3F98];
	s0 =	simm.s32 @p1 $0x1  }
0x15: {  	[smem:$0x3FB5] =	sst s0;
	s0 =	simm.s32 @!p2 $0x0  }
0x16: {  	s3 =	sld [smem:$0x3FDB];
	s0 =	simm.s32 @p2 $0x1  }
0x17: {  	s4 =	simm.s32 $0x1BF5;
	[smem:$0x3FB7] =	sst s0  }
0x18: {  	s0 =	sld [smem:$0x3F9A];
	_ =	swait.ge [sflag:s4], $0x0  }
0x19: {  	s7 =	sld [smem:$0x3F9B]  }
0x1a: {  	s8 =	sadd.s32 $0xFFFFE003, lr  }
0x1b: {  	s9 =	sadd.s32 $0xFFFFFEF7, lr;
	s5 =	simm.s32 $0xFFFFFFFF;
	p2 =	slt.u32 s8, $0xFFFFF086  }
0x1c: {  	p1 =	slt.u32 s9, $0xF7A;
	s5 =	simm.s32 @!p2 $0x0  }
0x1d: {  	s5 =	simm.s32 @p1 $0x1;
	p0 =	seq.s32 s7, s2  }
0x1e: {  	s7 =	smul.u32 @!p0 $0xF7A, s2;
	p2 =	seq.s32 @!p0 s5, $0x0  }
0x1f: {  	s9 =	smul.u32 $0xF7A, s1;
	s8 =	simm.s32 @!p0 $0x1BF5;
	p2 =	por !p2, p0  }
0x20: {  	[sflag:s8] =	ssyncset.s32 @!p0 $0xFFFFF086;
	s6 =	sadd.s32 @!p0 s3, s7;
	s7 =	simm.s32 @!p0 $0x108  }
0x21: {  	s3 =	sadd.s32 s3, s9;
	s6 =	sadd.s32 @!p0 $0x88, s6;
	s7 =	simm.s32 @p2 $0x1082  }
0x22: {  	[simem:s7], [sflag:s8] =	dma.local @!p0 [hbm:s6], $0xF7A  }
0x23: {  	s9 =	sor.u32 $0xD0000000, s2;
	s6 =	simm.s32 $0x108;
	_ =	swait.ge @!p0 [sflag:s8], $0x0  }
0x24: {  	s3 =	sadd.s32 $0x88, s3;
	s6 =	simm.s32 @!p1 $0x1082;
	[sflag:s4] =	ssyncset.s32 $0xFFFFF086  }
0x25: {  	[simem:s6], [sflag:s4] =	dma.local [hbm:s3], $0xF7A  }
0x26: {  	[smem:$0x3F9B] =	sst s1;
	(tag) =	ssettag s2;
	_ =	strace s9  }
0x27: {  	s1 =	sld [smem:$0x3FAB]  }
0x28: {  	s2 =	sld [smem:$0x3FAC]  }
0x29: {  	s4 =	sld [smem:$0x3FAE]  }
0x2a: {  	p0 =	seq.s32 s5, $0x0;
	s5 =	sld [smem:$0x3FAF]  }
0x2b: {  	s6 =	sld [smem:$0x3FB0]  }
0x2c: {  	s7 =	sld [smem:$0x3FB1]  }
0x2d: {  	s3 =	simm.s32 $0x108;
	s8 =	sld [smem:$0x3FB2]  }
0x2e: {  	s3 =	simm.s32 @!p0 $0x1082;
	s9 =	sld [smem:$0x3FB3]  }
0x2f: {  	lr =	sadd.s32 s0, s3;
	s0 =	sld [smem:$0x3FAA]  }
0x30: {  	s3 =	sld [smem:$0x3FAD]  }
0x31: {  	[smem:$0x3FB6] =	sst s10  }
0x32: {  	s10 =	sld [smem:$0x3FB4];
	_ =	sdelay $0x3  }
0x33: {  	p0 =	seq.s32 s10, $0x1;
	s10 =	sld [smem:$0x3FB6];
	_ =	sdelay $0x3  }
0x34: {  	[smem:$0x3FB6] =	sst s10  }
0x35: {  	s10 =	sld [smem:$0x3FB5];
	_ =	sdelay $0x3  }
0x36: {  	p1 =	seq.s32 s10, $0x1;
	s10 =	sld [smem:$0x3FB6];
	_ =	sdelay $0x3  }
0x37: {  	[smem:$0x3FB6] =	sst s10  }
0x38: {  	s10 =	sld [smem:$0x3FB7]  }
0x39: {  	_ = 	snop;
	(pc) =	sbr.ind lr, $3  }
0x3a: {  	_ = 	snop  }
0x3b: {  	_ = 	snop  }
0x3c: {  	p2 =	seq.s32 s10, $0x1;
	s10 =	sld [smem:$0x3FB6]  }
0x3d: {  	_ =	shalt  }
0x3e: {  	_ =	shalt  }
0x3f: {  	_ =	shalt  }
0x40: {  	_ =	shalt  }
0x41: {  	_ =	shalt  }
0x42: {  	_ =	shalt  }
0x43: {  	_ =	shalt  }
0x44: {  	_ =	shalt  }
0x45: {  	_ =	shalt  }
0x46: {  	_ =	shalt  }
0x47: {  	_ =	shalt  }
0x48: {  	_ =	shalt  }
0x49: {  	_ =	shalt  }
0x4a: {  	_ =	shalt  }
0x4b: {  	_ =	shalt  }
0x4c: {  	_ =	shalt  }
0x4d: {  	_ =	shalt  }
0x4e: {  	_ =	shalt  }
0x4f: {  	_ =	shalt  }
0x50: {  	_ =	shalt  }
0x51: {  	_ =	shalt  }
0x52: {  	_ =	shalt  }
0x53: {  	_ =	shalt  }
0x54: {  	_ =	shalt  }
0x55: {  	_ =	shalt  }
0x56: {  	_ =	shalt  }
0x57: {  	_ =	shalt  }
0x58: {  	_ =	shalt  }
0x59: {  	_ =	shalt  }
0x5a: {  	_ =	shalt  }
0x5b: {  	_ =	shalt  }
0x5c: {  	_ =	shalt  }
0x5d: {  	_ =	shalt  }
0x5e: {  	_ =	shalt  }
0x5f: {  	_ =	shalt  }
0x60: {  	_ =	shalt  }
0x61: {  	_ =	shalt  }
0x62: {  	_ =	shalt  }
0x63: {  	_ =	shalt  }
0x64: {  	_ =	shalt  }
0x65: {  	_ =	shalt  }
0x66: {  	_ =	shalt  }
0x67: {  	_ =	shalt  }
0x68: {  	_ =	shalt  }
0x69: {  	_ =	shalt  }
0x6a: {  	_ =	shalt  }
0x6b: {  	_ =	shalt  }
0x6c: {  	_ =	shalt  }
0x6d: {  	_ =	shalt  }
0x6e: {  	_ =	shalt  }
0x6f: {  	_ =	shalt  }
0x70: {  	_ =	shalt  }
0x71: {  	_ =	shalt  }
0x72: {  	_ =	shalt  }
0x73: {  	_ =	shalt  }
0x74: {  	_ =	shalt  }
0x75: {  	_ =	shalt  }
0x76: {  	_ =	shalt  }
0x77: {  	_ =	shalt  }
0x78: {  	_ =	shalt  }
0x79: {  	_ =	shalt  }
0x7a: {  	_ =	shalt  }
0x7b: {  	_ =	shalt  }
0x7c: {  	_ =	shalt  }
0x7d: {  	_ =	shalt  }
0x7e: {  	_ =	shalt  }
0x7f: {  	_ =	shalt  }
0x80: {  	_ =	shalt  }
0x81: {  	_ =	shalt  }
0x82: {  	_ =	shalt  }
0x83: {  	_ =	shalt  }
0x84: {  	_ =	shalt  }
0x85: {  	_ =	shalt  }
0x86: {  	_ =	shalt  }
0x87: {  	_ =	shalt  }
.Lfunc_end0:
.L_simem_size_0:
called_computation.2_lowered:
.L_overlay_start_0:
0x88: {  	s2 =	sld [smem:$0x3FD9]  }
0x89: {  	s3 =	sld [smem:$0x3FFE];
	_ =	sdelay $0x1  }
0x8a: {  	s1 =	srdreg.scid  }
0x8b: {  	s0 =	sand.u32 $0x1, s1  }
0x8c: {  	s17 =	sshll.u32 s0, $0xA;
	s2 =	sadd.s32 s3, s2  }
0x8d: {  	s2 =	sadd.s32 s2, s17  }
0x8e: {  	[smem:$0x3FC2] =	sst s2  }
0x8f: {  	_ = 	snop  }
0x90: {  	s2 =	sld [smem:$0x3FD0];
	(tm) =	ssettm $0x1  }
0x91: {  	s18 =	sld [smem:$0x3FFB];
	_ =	sdelay $0x3  }
0x92: {  	_ =	strace s18  }
0x93: {  	s3 =	sld [smem:$0x3FFC];
	_ =	sdelay $0x3  }
0x94: {  	_ =	strace s3  }
0x95: {  	s3 =	sld [smem:$0x3FFD];
	_ =	sdelay $0x3  }
0x96: {  	_ =	strace s3  }
0x97: {  	_ =	strace $0x8FFFFFFF  }
0x98: {  	s19 =	sld [smem:$0x3FDB];
	_ =	sdelay $0x1  }
0x99: {  	s4 =	simm.s32 $_scs_section_size  }
0x9a: {  	s5 =	simm.s32 $_size__tile_overlayer_lowered;
	s6 =	simm.s32 $_tile_overlayer_lowered  }
0x9b: {  	s22 =	simm.s32 $0x1BFF;
	s21 =	sshll.u32 s6, $0x1;
	s3 =	sadd.s32 s4, s19  }
0x9c: {  	s7 =	simm.s32 $0x0;
	s20 =	sshll.u32 s5, $0x1;
	s5 =	sadd.s32 s21, s3  }
0x9d: {  	[timem:s7], [sflag:s22] =	dma.local [hbm:s5], s20  }
0x9e: {  	_ =	swait.ge [sflag:s22], s20  }
0x9f: {  	s4 =	ssub.s32 $0x0, s20;
	[sflag:s22] =	ssyncset.done $0x0  }
0xa0: {  	[sflag:s22] =	ssyncadd.s32 s4;
	_ =	sdelay $0x1  }
0xa1: {  	s23 =	simm.s32 $0x1B8B  }
0xa2: {  	_ =	swait.ge [sflag:s23], $0x1  }
0xa3: {  	[sflag:s23] =	ssyncset.done $0x0  }
0xa4: {  	s25 =	simm.s32 $0x1B8E;
	s24 =	sld [smem:$0x3FFE];
	[sflag:s23] =	ssyncadd.s32 $0xFFFFFFFF  }
0xa5: {  	s26 =	simm.s32 $execute0_lowered;
	[smem:$0x3FD2] =	sst s25  }
0xa6: {  	s5 =	sshll.u32 s26, $0x1;
	_ =	strace $0x8000004C;
	[dreg:$0x1] =	wrdreg $0xFFFFFFFF  }
0xa7: {  	s28 =	simm.s32 $_size_execute0_lowered;
	s3 =	sadd.s32 s3, s5;
	[dreg:$0x0] =	wrdreg $0x0  }
0xa8: {  	s5 =	sshll.u32 s28, $0x1;
	[dreg:$0x2] =	wrdreg s3  }
0xa9: {  	[dreg:$0x3] =	wrdreg s5  }
0xaa: {  	[dreg:$0x4] =	wrdreg $0xC0  }
0xab: {  	_ =	task [dreg:s7], $0x5FFFF  }
0xac: {  	[dreg:$0x1] =	wrdreg $0xFFFFFFFF  }
0xad: {  	[dreg:$0x0] =	wrdreg $0x60  }
0xae: {  	[dreg:$0x2] =	wrdreg s2  }
0xaf: {  	[dreg:$0x3] =	wrdreg s24  }
0xb0: {  	[dreg:$0x4] =	wrdreg $0x6A000  }
0xb1: {  	[dreg:$0x5] =	wrdreg $0x9  }
0xb2: {  	_ =	task.clear_ibuf [dreg:s7], $0x6FFFF;
	_ =	strace $0x9000004C  }
0xb3: {  	s29 =	simm.s32 $0x9;
	_ =	strace $0x8000004E  }
0xb4: {  	_ =	swait.ge [sflag:s29], $0x1  }
0xb5: {  	[sflag:s29] =	ssyncadd.s32 $0xFFFFFFFF  }
0xb6: {  	_ =	strace $0x9000004E  }
0xb7: {  	_ =	sfence  }
0xb8: {  	s30 =	sld [smem:$0x0];
	_ =	sdelay $0x2  }
0xb9: {  	s31 =	sshll.u32 s1, $0xD;
	s1 =	sshrl.u32 s1, $0x2  }
0xba: {  	s3 =	sand.u32 $0x4000, s31;
	s1 =	sadd.s32 s1, s30  }
0xbb: {  	s0 =	sor.u32 s3, s0;
	s1 =	sshll.u32 s1, $0x11  }
0xbc: {  	s0 =	sor.u32 s1, s0  }
0xbd: {  	s0 =	sadd.s32 $0x8F2B, s0  }
0xbe: {  	[sflag:s0] =	ssyncadd.remote.s32 $0x1  }
0xbf: {  	_ =	sfence.sel $0xFFFF  }
0xc0: {  	[dreg:$0x0] =	wrdreg $0xFFFFFFFF;
	(pc) =	sbr.abs _section_cstart, $3  }
0xc1: {  	[dreg:$0x1] =	wrdreg $0xFFFFFFFF  }
0xc2: {  	_ =	task.clear_ibuf [dreg:s7], $0x2FFFF;
	_ =	strace $0x9FFFFFFF  }
0xc3: {  	(tm) =	ssettm $0x7FFFFFFF  }
tec
execute0_lowered:
.L_overlay_start_1:
0x0: {  	(tag) =	ssettag $0x1  }
0x1: {  	s1 =	rddreg [dreg:$0x0]  }
0x2: {  	s6 =	rddreg [dreg:$0x1]  }
0x3: {  	s2 =	rddreg [dreg:$0x2]  }
0x4: {  	s0 =	rddreg [dreg:$0x3];
	s3 =	simm.s32 $0x0  }
0x5: {  	s4 =	srdreg.scid;
	s17 =	simm.s32 $0x6200;
	s18 =	simm.s32 $0x1  }
0x6: {  	s19 =	simm.s32 $0x2;
	[smem:$0x7FF] =	sst s3;
	s7 =	sand.u32 $0x1, s4  }
0x7: {  	s9 =	sadd.s32 $0x16A00, s6;
	s4 =	stileid.u32;
	s8 =	smul.u32 $0x4F00, s7  }
0x8: {  	s10 =	sadd.s32 $0x2200, s6;
	s5 =	sadd.s32 $0xC600, s6;
	s12 =	smul.u32 $0x2780, s4  }
0x9: {  	_ =	strace $0x8000004D;
	s11 =	ssub.s32 $0x2, s7;
	s30 =	smul.u32 $0x2200, s4  }
0xa: {  	s31 =	sshll.u32 s4, $0x6;
	s14 =	smul.u32 $0x5A0, s4;
	s29 =	sshrl.u32 s11, $0x1  }
0xb: {  	p0 =	seq.s32 s7, $0x1;
	s13 =	sadd.s32 s8, s6;
	s11 =	ssub.s32 s11, s29  }
0xc: {  	s15 =	sadd.s32 s12, s2;
	s6 =	sor.u32 $0x1C03, s31;
	s8 =	sshrl.u32 s30, $0x3  }
.Ltmp0:
0xd: {  	s7 =	sadd.s32 s9, s14;
	s21 =	sshrl.u32 s12, $0x3;
	(pc) =	sbr.rel .LBB2_1-.Ltmp0, $4  }
0xe: {  	s16 =	sadd.s32 $0x5A00, s8;
	s8 =	sadd.s32 s10, s14;
	s20 =	sadd.s32 $0xCC00, s13  }
0xf: {  	s11 =	smax.u32 s11, $0x1;
	s12 =	sshrl.u32 s15, $0x3;
	s13 =	simm.s32 $0x3  }
0x10: {  	s14 =	simm.s32 $0x2D00;
	s15 =	simm.s32 $0x80;
	s9 =	sadd.s32 s9, s16  }
0x11: {  	s10 =	sadd.s32 s10, s16;
	s16 =	simm.s32 $0x5A00;
	s20 =	sadd.s32 s21, s20  }
.LBB2_5:
0x12: {  	s22 =	sadd.s32 $0x80, s21;
	[sflag:s13] =	ssyncadd.s32 @p1 $0xFFFFF800  }
0x13: {  	[tilespmem:s17], [sflag:$0x2] =	stream.indirect.gather [hbm4b:s1+s15], $0x10, s22, s15, $0xb8;
	[tilespmem:$0x9180] =	vst v63  }
0x14: {  	_ =	swait.ge [sflag:s18], $0x800  }
0x15: {  	[sflag:s18] =	ssyncset.done $0x0  }
0x16: {  	s29 =	sadd.s32 $0x2D00, s21;
	[sflag:s18] =	ssyncadd.s32 $0xFFFFF800  }
0x17: {  	[spmem:s2] =	stream.indirect.scatter.add.f32 [tilespmem:s16], [sflag:$0x3], $0x10, s29, s15, $0xb8;
	[tilespmem:$0x9180] =	vst v63  }
0x18: {  	_ =	swait.ge [sflag:s13], $0x800  }
0x19: {  	[sflag:s13] =	ssyncset.done $0x0  }
0x1a: {  	s30 =	sadd.s32 $0x100, s21;
	[sflag:s13] =	ssyncadd.s32 $0xFFFFF800  }
0x1b: {  	[tilespmem:s16], [sflag:$0x1] =	stream.indirect.gather [hbm4b:s1+s15], $0x10, s30, s15, $0xb8;
	[tilespmem:$0x9180] =	vst v63  }
0x1c: {  	_ =	swait.ge [sflag:s19], $0x800  }
0x1d: {  	[sflag:s19] =	ssyncset.done $0x0  }
0x1e: {  	s31 =	sadd.s32 $0x2D80, s21;
	[sflag:s19] =	ssyncadd.s32 $0xFFFFF800  }
0x1f: {  	[spmem:s2] =	stream.indirect.scatter.add.f32 [tilespmem:s17], [sflag:$0x3], $0x10, s31, s15, $0xb8;
	[tilespmem:$0x9180] =	vst v63  }
0x20: {  	_ =	swait.ge [sflag:s13], $0x800  }
0x21: {  	s21 =	simm.s32 $0x5980;
	[sflag:s13] =	ssyncset.done $0x0  }
0x22: {  	s23 =	simm.s32 $0x2C80;
	s22 =	simm.s32 $0x5900;
	[sflag:s13] =	ssyncadd.s32 $0xFFFFF800  }
.LBB2_9:
0x23: {  	[tilespmem:s17], [sflag:$0x2] =	stream.indirect.gather [hbm4b:s1+s15], $0x10, s23, s15, $0xb8;
	[tilespmem:$0x9180] =	vst v63  }
0x24: {  	_ =	swait.ge [sflag:s18], $0x800  }
0x25: {  	[sflag:s18] =	ssyncset.done $0x0  }
0x26: {  	[sflag:s18] =	ssyncadd.s32 $0xFFFFF800  }
0x27: {  	[spmem:s2] =	stream.indirect.scatter.add.f32 [tilespmem:s16], [sflag:$0x3], $0x10, s22, s15, $0xb8;
	[tilespmem:$0x9180] =	vst v63  }
0x28: {  	_ =	swait.ge [sflag:s13], $0x800  }
0x29: {  	[sflag:s13] =	ssyncset.done $0x0  }
0x2a: {  	[sflag:s13] =	ssyncadd.s32 $0xFFFFF800  }
0x2b: {  	_ =	swait.ge [sflag:s19], $0x800  }
0x2c: {  	[sflag:s19] =	ssyncset.done $0x0  }
0x2d: {  	[sflag:s19] =	ssyncadd.s32 $0xFFFFF800  }
0x2e: {  	[spmem:s2] =	stream.indirect.scatter.add.f32 [tilespmem:s17], [sflag:$0x3], $0x10, s21, s15, $0xb8;
	[tilespmem:$0x9180] =	vst v63  }
0x2f: {  	_ =	swait.ge [sflag:s13], $0x800  }
0x30: {  	s3 =	sadd.s32 $0x1, s3;
	[sflag:s13] =	ssyncset.done $0x0  }
0x31: {  	p1 =	sne.s32 s3, s11;
	[sflag:s13] =	ssyncadd.s32 $0xFFFFF800  }
.Ltmp1:
0x32: {  	[bflag:$0x0] =	sbarrier.arrive $0xFFFF;
	(pc) =	sbr.rel @!p1 .LBB2_10-.Ltmp1, $4  }
0x33: {  	[hbm:s20], [sflag:s6] =	dma.local [spmem:s12], $0x4F0  }
0x34: {  	_ =	swait.ge [sflag:s13], $0x4F0  }
0x35: {  	[sflag:s13] =	ssyncset.done $0x0  }
0x36: {  	[sflag:s13] =	ssyncadd.s32 $0xFFFFFB10  }
.LBB2_1:
0x37: {  	[spmem:s12], [sflag:s6] =	dma.local [hbm:s5], $0x4F0  }
.Ltmp2:
0x38: {  	_ =	swait.ge [sflag:s13], $0x4F0;
	(pc) =	sbr.rel @!p0 .LBB2_2-.Ltmp2, $4  }
0x39: {  	[sflag:s13] =	ssyncset.done $0x0  }
0x3a: {  	[sflag:s13] =	ssyncadd.s32 $0xFFFFFB10  }
0x3b: {  	[bflag:$0x0] =	sbarrier.arrive $0xFFFF  }
0x3c: {  	s21 =	simm.s32 $0x0  }
0x3d: {  	[tilespmem:s21], [sflag:$0x3] =	stream.linear.gather [hbm4b:s9+s21], $0x2D00, $0x38;
	[tilespmem:$0x9180] =	vst v63  }
0x3e: {  	_ =	swait.ge [sflag:s13], $0x2D00  }
0x3f: {  	[sflag:s13] =	ssyncset.done $0x0  }
0x40: {  	[sflag:s13] =	ssyncadd.s32 $0xFFFFD300  }
0x41: {  	[tilespmem:s14], [sflag:$0x3] =	stream.linear.gather [hbm4b:s10+s21], $0x2D00, $0x38;
	[tilespmem:$0x9180] =	vst v63  }
0x42: {  	_ =	swait.ge [sflag:s13], $0x2D00  }
0x43: {  	[sflag:s13] =	ssyncset.done $0x0  }
0x44: {  	[sflag:s13] =	ssyncadd.s32 $0xFFFFD300  }
0x45: {  	[tilespmem:s16], [sflag:$0x1] =	stream.indirect.gather [hbm4b:s1+s15], $0x10, s21, s15, $0xb8;
	[tilespmem:$0x9180] =	vst v63  }
0x46: {  	s28 =	simm.s32 $0x80  }
0x47: {  	[tilespmem:s17], [sflag:$0x2] =	stream.indirect.gather [hbm4b:s1+s15], $0x10, s28, s15, $0xb8;
	[tilespmem:$0x9180] =	vst v63  }
0x48: {  	_ =	swait.ge [sflag:s18], $0x800  }
0x49: {  	[sflag:s18] =	ssyncset.done $0x0  }
0x4a: {  	s29 =	simm.s32 $0x2D00;
	[sflag:s18] =	ssyncadd.s32 $0xFFFFF800  }
0x4b: {  	[spmem:s2] =	stream.indirect.scatter.add.f32 [tilespmem:s16], [sflag:$0x3], $0x10, s29, s15, $0xb8;
	[tilespmem:$0x9180] =	vst v63  }
0x4c: {  	_ =	swait.ge [sflag:s13], $0x800  }
0x4d: {  	[sflag:s13] =	ssyncset.done $0x0  }
0x4e: {  	s30 =	simm.s32 $0x100;
	[sflag:s13] =	ssyncadd.s32 $0xFFFFF800  }
0x4f: {  	[tilespmem:s16], [sflag:$0x1] =	stream.indirect.gather [hbm4b:s1+s15], $0x10, s30, s15, $0xb8;
	[tilespmem:$0x9180] =	vst v63  }
0x50: {  	_ =	swait.ge [sflag:s19], $0x800  }
0x51: {  	[sflag:s19] =	ssyncset.done $0x0  }
0x52: {  	s31 =	simm.s32 $0x2D80;
	[sflag:s19] =	ssyncadd.s32 $0xFFFFF800  }
0x53: {  	[spmem:s2] =	stream.indirect.scatter.add.f32 [tilespmem:s17], [sflag:$0x3], $0x10, s31, s15, $0xb8;
	[tilespmem:$0x9180] =	vst v63  }
0x54: {  	_ =	swait.ge [sflag:s13], $0x800  }
0x55: {  	s22 =	simm.s32 $0x800;
	s21 =	simm.s32 $0x100;
	[sflag:s13] =	ssyncset.done $0x0  }
.LBB2_7:
0x56: {  	s23 =	sadd.s32 $0x80, s21  }
0x57: {  	[sflag:s13] =	ssyncadd.s32 $0xFFFFF800;
	s24 =	smov.u32 s22;
	s25 =	sadd.s32 $0x400, s22  }
0x58: {  	[tilespmem:s17], [sflag:$0x2] =	stream.indirect.gather [hbm4b:s1+s15], $0x10, s23, s15, $0xb8;
	[tilespmem:$0x9180] =	vst v63  }
0x59: {  	p1 =	sne.s32 s22, $0x8000;
	_ =	swait.ge [sflag:s18], $0x800  }
0x5a: {  	[sflag:s18] =	ssyncset.done $0x0  }
0x5b: {  	s22 =	sadd.s32 $0x2D00, s21;
	[sflag:s18] =	ssyncadd.s32 $0xFFFFF800  }
0x5c: {  	[spmem:s2] =	stream.indirect.scatter.add.f32 [tilespmem:s16], [sflag:$0x3], $0x10, s22, s15, $0xb8;
	[tilespmem:$0x9180] =	vst v63  }
0x5d: {  	_ =	swait.ge [sflag:s13], $0x800  }
0x5e: {  	[sflag:s13] =	ssyncset.done $0x0  }
0x5f: {  	s22 =	sadd.s32 $0x100, s21;
	[sflag:s13] =	ssyncadd.s32 $0xFFFFF800  }
0x60: {  	[tilespmem:s16], [sflag:$0x1] =	stream.indirect.gather [hbm4b:s1+s15], $0x10, s22, s15, $0xb8;
	[tilespmem:$0x9180] =	vst v63  }
0x61: {  	_ =	swait.ge [sflag:s19], $0x800  }
.Ltmp3:
0x62: {  	[sflag:s19] =	ssyncset.done $0x0;
	(pc) =	sbr.rel @p1 .LBB2_7-.Ltmp3, $4  }
0x63: {  	s21 =	sadd.s32 $0x2D80, s21;
	[sflag:s19] =	ssyncadd.s32 $0xFFFFF800  }
0x64: {  	[spmem:s2] =	stream.indirect.scatter.add.f32 [tilespmem:s17], [sflag:$0x3], $0x10, s21, s15, $0xb8;
	[tilespmem:$0x9180] =	vst v63  }
0x65: {  	_ =	swait.ge [sflag:s13], $0x800  }
0x66: {  	s22 =	smov.u32 s25;
	s21 =	sshra.s32 s24, $0x2;
	[sflag:s13] =	ssyncset.done $0x0  }
0x67: {  	s22 =	sadd.s32 $0x80, s21;
	[sflag:s13] =	ssyncadd.s32 $0xFFFFF800  }
0x68: {  	[tilespmem:s17], [sflag:$0x2] =	stream.indirect.gather [hbm4b:s1+s15], $0x10, s22, s15, $0xb8;
	[tilespmem:$0x9180] =	vst v63  }
0x69: {  	_ =	swait.ge [sflag:s18], $0x800  }
0x6a: {  	[sflag:s18] =	ssyncset.done $0x0  }
0x6b: {  	s29 =	sadd.s32 $0x2D00, s21;
	[sflag:s18] =	ssyncadd.s32 $0xFFFFF800  }
0x6c: {  	[spmem:s2] =	stream.indirect.scatter.add.f32 [tilespmem:s16], [sflag:$0x3], $0x10, s29, s15, $0xb8;
	[tilespmem:$0x9180] =	vst v63  }
0x6d: {  	_ =	swait.ge [sflag:s13], $0x800  }
0x6e: {  	[sflag:s13] =	ssyncset.done $0x0  }
0x6f: {  	s30 =	sadd.s32 $0x100, s21;
	[sflag:s13] =	ssyncadd.s32 $0xFFFFF800  }
0x70: {  	[tilespmem:s16], [sflag:$0x1] =	stream.indirect.gather [hbm4b:s1+s15], $0x10, s30, s15, $0xb8;
	[tilespmem:$0x9180] =	vst v63  }
0x71: {  	_ =	swait.ge [sflag:s19], $0x800  }
0x72: {  	[sflag:s19] =	ssyncset.done $0x0  }
.Ltmp4:
0x73: {  	s31 =	sadd.s32 $0x2D80, s21;
	[sflag:s19] =	ssyncadd.s32 $0xFFFFF800;
	(pc) =	sbr.rel .LBB2_9-.Ltmp4, $4  }
0x74: {  	[spmem:s2] =	stream.indirect.scatter.add.f32 [tilespmem:s17], [sflag:$0x3], $0x10, s31, s15, $0xb8;
	[tilespmem:$0x9180] =	vst v63  }
0x75: {  	_ =	swait.ge [sflag:s13], $0x800  }
0x76: {  	s21 =	simm.s32 $0x4E80;
	[sflag:s13] =	ssyncset.done $0x0  }
0x77: {  	s23 =	simm.s32 $0x2180;
	s22 =	simm.s32 $0x4E00;
	[sflag:s13] =	ssyncadd.s32 $0xFFFFF800  }
.LBB2_2:
0x78: {  	[tilespmem:s21], [sflag:$0x3] =	stream.linear.gather [hbm4b:s7+s21], $0x2D00, $0x38;
	[tilespmem:$0x9180] =	vst v63  }
0x79: {  	_ =	swait.ge [sflag:s13], $0x2D00  }
0x7a: {  	[sflag:s13] =	ssyncset.done $0x0  }
0x7b: {  	p2 =	por $0x0, $0x0;
	[sflag:s13] =	ssyncadd.s32 $0xFFFFD300  }
0x7c: {  	[tilespmem:s14], [sflag:$0x3] =	stream.linear.gather [hbm4b:s8+s21], $0x2D00, $0x38;
	[tilespmem:$0x9180] =	vst v63  }
.Ltmp5:
0x7d: {  	_ =	swait.ge [sflag:s13], $0x2D00;
	(pc) =	sbr.rel @p2 .LBB2_5-.Ltmp5, $4  }
0x7e: {  	[sflag:s13] =	ssyncset.done $0x0  }
0x7f: {  	[sflag:s13] =	ssyncadd.s32 $0xFFFFD300  }
0x80: {  	[tilespmem:s16], [sflag:$0x1] =	stream.indirect.gather [hbm4b:s1+s15], $0x10, s21, s15, $0xb8;
	[tilespmem:$0x9180] =	vst v63  }
0x81: {  	p1 =	por $0x0, $0x0;
	s21 =	simm.s32 $0x0  }
0x82: {  	s21 =	simm.s32 $0x80  }
0x83: {  	[tilespmem:s17], [sflag:$0x2] =	stream.indirect.gather [hbm4b:s1+s15], $0x10, s21, s15, $0xb8;
	[tilespmem:$0x9180] =	vst v63  }
0x84: {  	_ =	swait.ge [sflag:s18], $0x800  }
0x85: {  	[sflag:s18] =	ssyncset.done $0x0  }
0x86: {  	s29 =	simm.s32 $0x2D00;
	[sflag:s18] =	ssyncadd.s32 $0xFFFFF800  }
0x87: {  	[spmem:s2] =	stream.indirect.scatter.add.f32 [tilespmem:s16], [sflag:$0x3], $0x10, s29, s15, $0xb8;
	[tilespmem:$0x9180] =	vst v63  }
0x88: {  	_ =	swait.ge [sflag:s13], $0x800  }
0x89: {  	[sflag:s13] =	ssyncset.done $0x0  }
0x8a: {  	s30 =	simm.s32 $0x100;
	[sflag:s13] =	ssyncadd.s32 $0xFFFFF800  }
0x8b: {  	[tilespmem:s16], [sflag:$0x1] =	stream.indirect.gather [hbm4b:s1+s15], $0x10, s30, s15, $0xb8;
	[tilespmem:$0x9180] =	vst v63  }
0x8c: {  	p2 =	por $0x0, $0x0;
	_ =	swait.ge [sflag:s19], $0x800  }
.Ltmp6:
0x8d: {  	[sflag:s19] =	ssyncset.done $0x0;
	(pc) =	sbr.rel @p2 .LBB2_5-.Ltmp6, $4  }
0x8e: {  	s31 =	simm.s32 $0x2D80;
	[sflag:s19] =	ssyncadd.s32 $0xFFFFF800  }
0x8f: {  	[spmem:s2] =	stream.indirect.scatter.add.f32 [tilespmem:s17], [sflag:$0x3], $0x10, s31, s15, $0xb8;
	[tilespmem:$0x9180] =	vst v63  }
0x90: {  	s22 =	simm.s32 $0x800;
	_ =	swait.ge [sflag:s13], $0x800  }
0x91: {  	p1 =	por $0x1, $0x1;
	s21 =	simm.s32 $0x100;
	[sflag:s13] =	ssyncset.done $0x0  }
.LBB2_4:
0x92: {  	s23 =	sadd.s32 $0x80, s21  }
0x93: {  	[sflag:s13] =	ssyncadd.s32 $0xFFFFF800;
	s24 =	smov.u32 s22;
	s25 =	sadd.s32 $0x400, s22  }
0x94: {  	[tilespmem:s17], [sflag:$0x2] =	stream.indirect.gather [hbm4b:s1+s15], $0x10, s23, s15, $0xb8;
	[tilespmem:$0x9180] =	vst v63  }
0x95: {  	p2 =	seq.s32 s22, $0xAC00;
	_ =	swait.ge [sflag:s18], $0x800  }
0x96: {  	[sflag:s18] =	ssyncset.done $0x0  }
0x97: {  	s22 =	sadd.s32 $0x2D00, s21;
	[sflag:s18] =	ssyncadd.s32 $0xFFFFF800  }
0x98: {  	[spmem:s2] =	stream.indirect.scatter.add.f32 [tilespmem:s16], [sflag:$0x3], $0x10, s22, s15, $0xb8;
	[tilespmem:$0x9180] =	vst v63  }
0x99: {  	_ =	swait.ge [sflag:s13], $0x800  }
0x9a: {  	[sflag:s13] =	ssyncset.done $0x0  }
0x9b: {  	s22 =	sadd.s32 $0x100, s21;
	[sflag:s13] =	ssyncadd.s32 $0xFFFFF800  }
0x9c: {  	[tilespmem:s16], [sflag:$0x1] =	stream.indirect.gather [hbm4b:s1+s15], $0x10, s22, s15, $0xb8;
	[tilespmem:$0x9180] =	vst v63  }
0x9d: {  	_ =	swait.ge [sflag:s19], $0x800  }
.Ltmp7:
0x9e: {  	[sflag:s19] =	ssyncset.done $0x0;
	(pc) =	sbr.rel @!p2 .LBB2_4-.Ltmp7, $4  }
0x9f: {  	s21 =	sadd.s32 $0x2D80, s21;
	[sflag:s19] =	ssyncadd.s32 $0xFFFFF800  }
0xa0: {  	[spmem:s2] =	stream.indirect.scatter.add.f32 [tilespmem:s17], [sflag:$0x3], $0x10, s21, s15, $0xb8;
	[tilespmem:$0x9180] =	vst v63  }
0xa1: {  	_ =	swait.ge [sflag:s13], $0x800  }
0xa2: {  	s22 =	smov.u32 s25;
	s21 =	sshra.s32 s24, $0x2;
	[sflag:s13] =	ssyncset.done $0x0  }
.Ltmp8:
0xa3: {  	_ = 	snop;
	(pc) =	sbr.rel .LBB2_5-.Ltmp8, $1  }
0xa4: {  	_ =	sdelay $0x3  }
.LBB2_10:
0xa5: {  	_ =	sfence.sel $0x180000  }
0xa6: {  	[bflag:$0x0] =	sbarrier.arrive $0xFFFF  }
0xa7: {  	p0 =	sne.s32 s4, $0x0;
	_ =	strace $0x9000004D  }
0xa8: {  	s0 =	sadd.s32 @!p0 $0x100000, s0;
	[bflag:$0x2] =	sbarrier.arrive $0xFFFF  }
0xa9: {  	[sflag:s0] =	ssyncadd.tile.s32 @!p0 $0x1;
	_ =	shalt  }
.Lfunc_end2:
_tile_overlayer_lowered:
.L_overlay_start_2:
0xaa: {  	(tag) =	ssettag $0x2  }
0xab: {  	s0 =	rddreg [dreg:$0x0];
	s2 =	stileid.u32  }
0xac: {  	s1 =	rddreg [dreg:$0x1];
	p0 =	sne.s32 s2, $0x0  }
0xad: {  	s3 =	rddreg [dreg:$0x2];
	[bflag:$0x3] =	sbarrier.arrive $0xFFFF;
	s2 =	simm.s32 @!p0 $0x1C03  }
0xae: {  	[timem:s3], [sflag:s2] =	dma.local @!p0 [hbm:s0], s1  }
0xaf: {  	s0 =	simm.s32 @!p0 $0x3  }
0xb0: {  	_ =	swait.ge @!p0 [sflag:s0], s1  }
0xb1: {  	s1 =	ssub.s32 @!p0 $0x0, s1;
	[sflag:s0] =	ssyncset.done @!p0 $0x0  }
0xb2: {  	[sflag:s0] =	ssyncadd.s32 @!p0 s1  }
0xb3: {  	[bflag:$0x3] =	sbarrier.arrive $0xFFFF  }
0xb4: {  	_ =	shalt  }

// kernel: kernel.8.cloned.1.call-start
scs
__scs_entry_jumppad:
0x0: {  	(pc) =	sbr.rel $0x88, $3  }
0x1: {  	(tag) =	ssettag $0x0;
	lr =	simm.s32 $0x1  }
0x2: {  	[smem:$0x3F9B] =	sst lr;
	_ =	strace $0xD0000000  }
0x3: {  	_ = 	snop  }
0x4: {  	_ = 	snop  }
0x5: {  	_ = 	snop  }
0x6: {  	_ = 	snop  }
0x7: {  	_ = 	snop  }
__scs_overlays_trampoline_lowered:
0x8: {  	[smem:$0x3FAA] =	sst s0  }
0x9: {  	[smem:$0x3FAB] =	sst s1  }
0xa: {  	[smem:$0x3FAC] =	sst s2  }
0xb: {  	[smem:$0x3FAD] =	sst s3  }
0xc: {  	[smem:$0x3FAE] =	sst s4  }
0xd: {  	[smem:$0x3FAF] =	sst s5  }
0xe: {  	[smem:$0x3FB0] =	sst s6  }
0xf: {  	[smem:$0x3FB1] =	sst s7  }
0x10: {  	[smem:$0x3FB2] =	sst s8  }
0x11: {  	[smem:$0x3FB3] =	sst s9;
	s0 =	simm.s32 @!p0 $0x0  }
0x12: {  	s1 =	sld [smem:$0x3F99];
	s0 =	simm.s32 @p0 $0x1  }
0x13: {  	[smem:$0x3FB4] =	sst s0;
	s0 =	simm.s32 @!p1 $0x0  }
0x14: {  	s2 =	sld [smem:$0x3F98];
	s0 =	simm.s32 @p1 $0x1  }
0x15: {  	[smem:$0x3FB5] =	sst s0;
	s0 =	simm.s32 @!p2 $0x0  }
0x16: {  	s3 =	sld [smem:$0x3FDB];
	s0 =	simm.s32 @p2 $0x1  }
0x17: {  	s4 =	simm.s32 $0x1BF5;
	[smem:$0x3FB7] =	sst s0  }
0x18: {  	s0 =	sld [smem:$0x3F9A];
	_ =	swait.ge [sflag:s4], $0x0  }
0x19: {  	s7 =	sld [smem:$0x3F9B]  }
0x1a: {  	s8 =	sadd.s32 $0xFFFFE003, lr  }
0x1b: {  	s9 =	sadd.s32 $0xFFFFFEF7, lr;
	s5 =	simm.s32 $0xFFFFFFFF;
	p2 =	slt.u32 s8, $0xFFFFF086  }
0x1c: {  	p1 =	slt.u32 s9, $0xF7A;
	s5 =	simm.s32 @!p2 $0x0  }
0x1d: {  	s5 =	simm.s32 @p1 $0x1;
	p0 =	seq.s32 s7, s2  }
0x1e: {  	s7 =	smul.u32 @!p0 $0xF7A, s2;
	p2 =	seq.s32 @!p0 s5, $0x0  }
0x1f: {  	s9 =	smul.u32 $0xF7A, s1;
	s8 =	simm.s32 @!p0 $0x1BF5;
	p2 =	por !p2, p0  }
0x20: {  	[sflag:s8] =	ssyncset.s32 @!p0 $0xFFFFF086;
	s6 =	sadd.s32 @!p0 s3, s7;
	s7 =	simm.s32 @!p0 $0x108  }
0x21: {  	s3 =	sadd.s32 s3, s9;
	s6 =	sadd.s32 @!p0 $0x88, s6;
	s7 =	simm.s32 @p2 $0x1082  }
0x22: {  	[simem:s7], [sflag:s8] =	dma.local @!p0 [hbm:s6], $0xF7A  }
0x23: {  	s9 =	sor.u32 $0xD0000000, s2;
	s6 =	simm.s32 $0x108;
	_ =	swait.ge @!p0 [sflag:s8], $0x0  }
0x24: {  	s3 =	sadd.s32 $0x88, s3;
	s6 =	simm.s32 @!p1 $0x1082;
	[sflag:s4] =	ssyncset.s32 $0xFFFFF086  }
0x25: {  	[simem:s6], [sflag:s4] =	dma.local [hbm:s3], $0xF7A  }
0x26: {  	[smem:$0x3F9B] =	sst s1;
	(tag) =	ssettag s2;
	_ =	strace s9  }
0x27: {  	s1 =	sld [smem:$0x3FAB]  }
0x28: {  	s2 =	sld [smem:$0x3FAC]  }
0x29: {  	s4 =	sld [smem:$0x3FAE]  }
0x2a: {  	p0 =	seq.s32 s5, $0x0;
	s5 =	sld [smem:$0x3FAF]  }
0x2b: {  	s6 =	sld [smem:$0x3FB0]  }
0x2c: {  	s7 =	sld [smem:$0x3FB1]  }
0x2d: {  	s3 =	simm.s32 $0x108;
	s8 =	sld [smem:$0x3FB2]  }
0x2e: {  	s3 =	simm.s32 @!p0 $0x1082;
	s9 =	sld [smem:$0x3FB3]  }
0x2f: {  	lr =	sadd.s32 s0, s3;
	s0 =	sld [smem:$0x3FAA]  }
0x30: {  	s3 =	sld [smem:$0x3FAD]  }
0x31: {  	[smem:$0x3FB6] =	sst s10  }
0x32: {  	s10 =	sld [smem:$0x3FB4];
	_ =	sdelay $0x3  }
0x33: {  	p0 =	seq.s32 s10, $0x1;
	s10 =	sld [smem:$0x3FB6];
	_ =	sdelay $0x3  }
0x34: {  	[smem:$0x3FB6] =	sst s10  }
0x35: {  	s10 =	sld [smem:$0x3FB5];
	_ =	sdelay $0x3  }
0x36: {  	p1 =	seq.s32 s10, $0x1;
	s10 =	sld [smem:$0x3FB6];
	_ =	sdelay $0x3  }
0x37: {  	[smem:$0x3FB6] =	sst s10  }
0x38: {  	s10 =	sld [smem:$0x3FB7]  }
0x39: {  	_ = 	snop;
	(pc) =	sbr.ind lr, $3  }
0x3a: {  	_ = 	snop  }
0x3b: {  	_ = 	snop  }
0x3c: {  	p2 =	seq.s32 s10, $0x1;
	s10 =	sld [smem:$0x3FB6]  }
0x3d: {  	_ =	shalt  }
0x3e: {  	_ =	shalt  }
0x3f: {  	_ =	shalt  }
0x40: {  	_ =	shalt  }
0x41: {  	_ =	shalt  }
0x42: {  	_ =	shalt  }
0x43: {  	_ =	shalt  }
0x44: {  	_ =	shalt  }
0x45: {  	_ =	shalt  }
0x46: {  	_ =	shalt  }
0x47: {  	_ =	shalt  }
0x48: {  	_ =	shalt  }
0x49: {  	_ =	shalt  }
0x4a: {  	_ =	shalt  }
0x4b: {  	_ =	shalt  }
0x4c: {  	_ =	shalt  }
0x4d: {  	_ =	shalt  }
0x4e: {  	_ =	shalt  }
0x4f: {  	_ =	shalt  }
0x50: {  	_ =	shalt  }
0x51: {  	_ =	shalt  }
0x52: {  	_ =	shalt  }
0x53: {  	_ =	shalt  }
0x54: {  	_ =	shalt  }
0x55: {  	_ =	shalt  }
0x56: {  	_ =	shalt  }
0x57: {  	_ =	shalt  }
0x58: {  	_ =	shalt  }
0x59: {  	_ =	shalt  }
0x5a: {  	_ =	shalt  }
0x5b: {  	_ =	shalt  }
0x5c: {  	_ =	shalt  }
0x5d: {  	_ =	shalt  }
0x5e: {  	_ =	shalt  }
0x5f: {  	_ =	shalt  }
0x60: {  	_ =	shalt  }
0x61: {  	_ =	shalt  }
0x62: {  	_ =	shalt  }
0x63: {  	_ =	shalt  }
0x64: {  	_ =	shalt  }
0x65: {  	_ =	shalt  }
0x66: {  	_ =	shalt  }
0x67: {  	_ =	shalt  }
0x68: {  	_ =	shalt  }
0x69: {  	_ =	shalt  }
0x6a: {  	_ =	shalt  }
0x6b: {  	_ =	shalt  }
0x6c: {  	_ =	shalt  }
0x6d: {  	_ =	shalt  }
0x6e: {  	_ =	shalt  }
0x6f: {  	_ =	shalt  }
0x70: {  	_ =	shalt  }
0x71: {  	_ =	shalt  }
0x72: {  	_ =	shalt  }
0x73: {  	_ =	shalt  }
0x74: {  	_ =	shalt  }
0x75: {  	_ =	shalt  }
0x76: {  	_ =	shalt  }
0x77: {  	_ =	shalt  }
0x78: {  	_ =	shalt  }
0x79: {  	_ =	shalt  }
0x7a: {  	_ =	shalt  }
0x7b: {  	_ =	shalt  }
0x7c: {  	_ =	shalt  }
0x7d: {  	_ =	shalt  }
0x7e: {  	_ =	shalt  }
0x7f: {  	_ =	shalt  }
0x80: {  	_ =	shalt  }
0x81: {  	_ =	shalt  }
0x82: {  	_ =	shalt  }
0x83: {  	_ =	shalt  }
0x84: {  	_ =	shalt  }
0x85: {  	_ =	shalt  }
0x86: {  	_ =	shalt  }
0x87: {  	_ =	shalt  }
.Lfunc_end0:
.L_simem_size_0:
called_computation_lowered:
.L_overlay_start_0:
0x88: {  	s2 =	sld [smem:$0x3FD9]  }
0x89: {  	s3 =	sld [smem:$0x3FFE];
	_ =	sdelay $0x1  }
0x8a: {  	s1 =	srdreg.scid  }
0x8b: {  	s0 =	sand.u32 $0x1, s1  }
0x8c: {  	s17 =	sshll.u32 s0, $0xA;
	s2 =	sadd.s32 s3, s2  }
0x8d: {  	s2 =	sadd.s32 s2, s17  }
0x8e: {  	[smem:$0x3FC2] =	sst s2  }
0x8f: {  	_ = 	snop  }
0x90: {  	s2 =	sld [smem:$0x3FD0];
	(tm) =	ssettm $0x1  }
0x91: {  	s18 =	sld [smem:$0x3FFB];
	_ =	sdelay $0x3  }
0x92: {  	_ =	strace s18  }
0x93: {  	s3 =	sld [smem:$0x3FFC];
	_ =	sdelay $0x3  }
0x94: {  	_ =	strace s3  }
0x95: {  	s3 =	sld [smem:$0x3FFD];
	_ =	sdelay $0x3  }
0x96: {  	_ =	strace s3  }
0x97: {  	_ =	strace $0x8FFFFFFF  }
0x98: {  	s19 =	sld [smem:$0x3FDB];
	_ =	sdelay $0x1  }
0x99: {  	s4 =	simm.s32 $_scs_section_size  }
0x9a: {  	s5 =	simm.s32 $_size__tile_overlayer_lowered;
	s6 =	simm.s32 $_tile_overlayer_lowered  }
0x9b: {  	s22 =	simm.s32 $0x1BFF;
	s21 =	sshll.u32 s6, $0x1;
	s3 =	sadd.s32 s4, s19  }
0x9c: {  	s7 =	simm.s32 $0x0;
	s20 =	sshll.u32 s5, $0x1;
	s5 =	sadd.s32 s21, s3  }
0x9d: {  	[timem:s7], [sflag:s22] =	dma.local [hbm:s5], s20  }
0x9e: {  	_ =	swait.ge [sflag:s22], s20  }
0x9f: {  	s4 =	ssub.s32 $0x0, s20;
	[sflag:s22] =	ssyncset.done $0x0  }
0xa0: {  	[sflag:s22] =	ssyncadd.s32 s4;
	_ =	sdelay $0x1  }
0xa1: {  	s23 =	simm.s32 $0x1B8B  }
0xa2: {  	_ =	swait.ge [sflag:s23], $0x1  }
0xa3: {  	[sflag:s23] =	ssyncset.done $0x0  }
0xa4: {  	s25 =	simm.s32 $0x1B8E;
	s24 =	sld [smem:$0x3FFE];
	[sflag:s23] =	ssyncadd.s32 $0xFFFFFFFF  }
0xa5: {  	s26 =	simm.s32 $execute0_lowered;
	[smem:$0x3FD2] =	sst s25  }
0xa6: {  	s5 =	sshll.u32 s26, $0x1;
	_ =	strace $0x80000046;
	[dreg:$0x1] =	wrdreg $0xFFFFFFFF  }
0xa7: {  	s28 =	simm.s32 $_size_execute0_lowered;
	s3 =	sadd.s32 s3, s5;
	[dreg:$0x0] =	wrdreg $0x0  }
0xa8: {  	s5 =	sshll.u32 s28, $0x1;
	[dreg:$0x2] =	wrdreg s3  }
0xa9: {  	[dreg:$0x3] =	wrdreg s5  }
0xaa: {  	[dreg:$0x4] =	wrdreg $0xC0  }
0xab: {  	_ =	task [dreg:s7], $0x5FFFF  }
0xac: {  	[dreg:$0x1] =	wrdreg $0xFFFFFFFF  }
0xad: {  	[dreg:$0x0] =	wrdreg $0x60  }
0xae: {  	[dreg:$0x2] =	wrdreg s24  }
0xaf: {  	[dreg:$0x3] =	wrdreg s2  }
0xb0: {  	[dreg:$0x4] =	wrdreg $0x2F800  }
0xb1: {  	[dreg:$0x5] =	wrdreg $0x9  }
0xb2: {  	_ =	task.clear_ibuf [dreg:s7], $0x6FFFF;
	_ =	strace $0x90000046  }
0xb3: {  	s29 =	simm.s32 $0x9;
	_ =	strace $0x80000048  }
0xb4: {  	_ =	swait.ge [sflag:s29], $0x1  }
0xb5: {  	[sflag:s29] =	ssyncadd.s32 $0xFFFFFFFF  }
0xb6: {  	_ =	strace $0x90000048  }
0xb7: {  	_ =	sfence  }
0xb8: {  	s30 =	sld [smem:$0x0];
	_ =	sdelay $0x2  }
0xb9: {  	s31 =	sshll.u32 s1, $0xD;
	s1 =	sshrl.u32 s1, $0x2  }
0xba: {  	s3 =	sand.u32 $0x4000, s31;
	s1 =	sadd.s32 s1, s30  }
0xbb: {  	s0 =	sor.u32 s3, s0;
	s1 =	sshll.u32 s1, $0x11  }
0xbc: {  	s0 =	sor.u32 s1, s0  }
0xbd: {  	s0 =	sadd.s32 $0x8F2B, s0  }
0xbe: {  	[sflag:s0] =	ssyncadd.remote.s32 $0x1  }
0xbf: {  	_ =	sfence.sel $0xFFFF  }
0xc0: {  	[dreg:$0x0] =	wrdreg $0xFFFFFFFF;
	(pc) =	sbr.abs _section_cstart, $3  }
0xc1: {  	[dreg:$0x1] =	wrdreg $0xFFFFFFFF  }
0xc2: {  	_ =	task.clear_ibuf [dreg:s7], $0x2FFFF;
	_ =	strace $0x9FFFFFFF  }
0xc3: {  	(tm) =	ssettm $0x7FFFFFFF  }
tec
execute0_lowered:
.L_overlay_start_1:
0x0: {  	(tag) =	ssettag $0x1  }
0x1: {  	s6 =	rddreg [dreg:$0x0]  }
0x2: {  	s2 =	rddreg [dreg:$0x1]  }
0x3: {  	s1 =	srdreg.scid;
	s0 =	stileid.u32  }
0x4: {  	s3 =	rddreg [dreg:$0x2];
	s4 =	simm.s32 $0x0;
	s12 =	simm.s32 $0x80  }
0x5: {  	s5 =	sand.u32 $0x1, s1;
	s7 =	sshll.u32 s0, $0x1;
	s1 =	rddreg [dreg:$0x3]  }
0x6: {  	[smem:$0x7FF] =	sst s4;
	s11 =	smul.u32 $0x2780, s0;
	s30 =	sshll.u32 s0, $0x6  }
0x7: {  	s7 =	sor.u32 s5, s7;
	_ =	strace $0x80000047;
	s8 =	smul.u32 $0x4F00, s5  }
0x8: {  	s9 =	ssub.s32 $0x2, s5;
	s5 =	sadd.s32 $0xC600, s6;
	s7 =	smul.u32 $0x4F0, s7  }
0x9: {  	s10 =	sshrl.u32 s9, $0x1;
	s31 =	sadd.s32 s11, s3;
	s14 =	sshrl.u32 s11, $0x3  }
0xa: {  	s11 =	simm.s32 $0x2780;
	s8 =	sadd.s32 s8, s6;
	s9 =	ssub.s32 s9, s10  }
0xb: {  	s10 =	simm.s32 $0x1;
	s7 =	sadd.s32 s7, s6;
	s6 =	sor.u32 $0x1C01, s30  }
0xc: {  	s13 =	sadd.s32 $0xCC00, s8;
	s8 =	smax.u32 s9, $0x1;
	s9 =	sshrl.u32 s31, $0x3  }
0xd: {  	s7 =	sadd.s32 $0x2200, s7;
	s13 =	sadd.s32 s14, s13;
	s14 =	simm.s32 $0x0  }
.LBB2_1:
0xe: {  	[spmem:s9], [sflag:s6] =	dma.local [hbm:s5], $0x4F0  }
0xf: {  	_ =	swait.ge [sflag:s10], $0x4F0  }
0x10: {  	[sflag:s10] =	ssyncset.done $0x0  }
0x11: {  	[sflag:s10] =	ssyncadd.s32 $0xFFFFFB10  }
0x12: {  	[tilespmem:s4], [sflag:$0x1] =	stream.linear.gather [hbm4b:s7+s4], $0x2780, $0x38;
	[tilespmem:$0x5700] =	vst v63  }
0x13: {  	_ =	swait.ge [sflag:s10], $0x2780  }
0x14: {  	[sflag:s10] =	ssyncset.done $0x0  }
0x15: {  	[sflag:s10] =	ssyncadd.s32 $0xFFFFD880  }
0x16: {  	[tilespmem:s11], [sflag:$0x1] =	stream.linear.gather [hbm4b:s2+s4], $0x800, $0x38;
	[tilespmem:$0x5700] =	vst v63  }
0x17: {  	_ =	swait.ge [sflag:s10], $0x800  }
0x18: {  	[sflag:s10] =	ssyncset.done $0x0  }
0x19: {  	[sflag:s10] =	ssyncadd.s32 $0xFFFFF800  }
0x1a: {  	s15 =	simm.s32 $0x0;
	[bflag:$0x0] =	sbarrier.arrive $0xFFFF  }
0x1b: {  	[spmem:s3] =	stream.indirect.scatter.add.f32 [tilespmem:s11], [sflag:$0x1], $0x10, s15, s12, $0xb8;
	[tilespmem:$0x5700] =	vst v63  }
0x1c: {  	_ =	swait.ge [sflag:s10], $0x800  }
0x1d: {  	s15 =	simm.s32 $0x200;
	[sflag:s10] =	ssyncset.done $0x0  }
.LBB2_2:
0x1e: {  	s16 =	sshra.s32 s15, $0x2;
	[sflag:s10] =	ssyncadd.s32 $0xFFFFF800;
	p0 =	sne.s32 s15, $0x9C00  }
0x1f: {  	[spmem:s3] =	stream.indirect.scatter.add.f32 [tilespmem:s11], [sflag:$0x1], $0x10, s16, s12, $0xb8;
	[tilespmem:$0x5700] =	vst v63  }
.Ltmp0:
0x20: {  	_ = 	snop;
	(pc) =	sbr.rel @p0 .LBB2_2-.Ltmp0, $4  }
0x21: {  	_ = 	snop  }
0x22: {  	s15 =	sadd.s32 $0x200, s15  }
0x23: {  	_ =	swait.ge [sflag:s10], $0x800  }
0x24: {  	[sflag:s10] =	ssyncset.done $0x0  }
0x25: {  	s14 =	sadd.s32 $0x1, s14  }
0x26: {  	[sflag:s10] =	ssyncadd.s32 $0xFFFFF800;
	p0 =	sne.s32 s14, s8  }
.Ltmp1:
0x27: {  	[bflag:$0x0] =	sbarrier.arrive $0xFFFF;
	(pc) =	sbr.rel @p0 .LBB2_1-.Ltmp1, $4  }
0x28: {  	[hbm:s13], [sflag:s6] =	dma.local [spmem:s9], $0x4F0  }
0x29: {  	_ =	swait.ge [sflag:s10], $0x4F0  }
0x2a: {  	[sflag:s10] =	ssyncset.done $0x0  }
0x2b: {  	[sflag:s10] =	ssyncadd.s32 $0xFFFFFB10  }
0x2c: {  	_ =	sfence.sel $0x180000  }
0x2d: {  	[bflag:$0x0] =	sbarrier.arrive $0xFFFF  }
0x2e: {  	p0 =	sne.s32 s0, $0x0;
	_ =	strace $0x90000047  }
0x2f: {  	s0 =	sadd.s32 @!p0 $0x100000, s1;
	[bflag:$0x2] =	sbarrier.arrive $0xFFFF  }
0x30: {  	[sflag:s0] =	ssyncadd.tile.s32 @!p0 $0x1;
	_ =	shalt  }
.Lfunc_end2:
_tile_overlayer_lowered:
.L_overlay_start_2:
0x31: {  	(tag) =	ssettag $0x2  }
0x32: {  	s0 =	rddreg [dreg:$0x0];
	s2 =	stileid.u32  }
0x33: {  	s1 =	rddreg [dreg:$0x1];
	p0 =	sne.s32 s2, $0x0  }
0x34: {  	s3 =	rddreg [dreg:$0x2];
	[bflag:$0x3] =	sbarrier.arrive $0xFFFF;
	s2 =	simm.s32 @!p0 $0x1C01  }
0x35: {  	[timem:s3], [sflag:s2] =	dma.local @!p0 [hbm:s0], s1  }
0x36: {  	s0 =	simm.s32 @!p0 $0x1  }
0x37: {  	_ =	swait.ge @!p0 [sflag:s0], s1  }
0x38: {  	s1 =	ssub.s32 @!p0 $0x0, s1;
	[sflag:s0] =	ssyncset.done @!p0 $0x0  }
0x39: {  	[sflag:s0] =	ssyncadd.s32 @!p0 s1  }
0x3a: {  	[bflag:$0x3] =	sbarrier.arrive $0xFFFF  }
0x3b: {  	_ =	shalt  }

</sc_bundles>
